<compile_context>
chip_gen: v7x
topology: tpu7x:2x2x1
jax: 0.10.2.dev20260603
libtpu: 0.0.44.dev20260713+nightly
codegen_flags: <defaults>
</compile_context>

<pallas_src>
import functools

import jax
import jax.numpy as jnp
from jax import lax
from jax.experimental import pallas as pl
from jax.experimental.pallas import tpu as pltpu
from jax.experimental.pallas import tpu_sc as plsc

_B = 16384
_HID = 4096
_NPL = 1000
_TB = 2048
_TH = 1024
_NW = 32
_BPW = _B // _NW


def _sc_gather_body(embflat_hbm, ids_hbm, out_hbm, ids_v, idx_v, row_v, sem):
    wid = lax.axis_index("s") * 2 + lax.axis_index("c")
    base = wid * _BPW
    pltpu.sync_copy(ids_hbm.at[pl.ds(base, _BPW)], ids_v)
    for d in range(8):
        for j in range(_BPW // 16):
            sl = pl.ds(j * 16, 16)
            idx_v[sl] = ids_v[sl] + d * _NPL
        pltpu.async_copy(embflat_hbm.at[idx_v], row_v, sem).wait()
        pltpu.sync_copy(row_v, out_hbm.at[d, pl.ds(base, _BPW)])


def _tc_body(xpt_ref, embt_ref, wtt_ref, wht_ref, out_ref):
    xf = xpt_ref[...]
    state = jnp.concatenate(
        [xf[:18].astype(jnp.bfloat16), embt_ref[...].astype(jnp.bfloat16)],
        axis=0)
    logits = jnp.zeros((8, _TB), jnp.float32)
    for c in range(_HID // _TH):
        ht = jnp.dot(wtt_ref[c * _TH:(c + 1) * _TH, :], state,
                     preferred_element_type=jnp.float32)
        hb = jnp.maximum(ht.astype(jnp.bfloat16), jnp.bfloat16(0))
        logits = logits + jnp.dot(wht_ref[:, c * _TH:(c + 1) * _TH], hb,
                                  preferred_element_type=jnp.float32)
    out_ref[...] = logits


@jax.jit
def kernel(x, W_fc, b_fc, emb, W_land, W_shot, W_move):
    x = x.astype(jnp.float32)
    ids = x[:, 17].astype(jnp.int32)
    embflat = emb.T.reshape(8 * _NPL).astype(jnp.float32)

    sc_gather = functools.partial(
        pl.kernel,
        mesh=plsc.VectorSubcoreMesh(core_axis_name="c", subcore_axis_name="s"),
        out_type=jax.ShapeDtypeStruct((8, _B), jnp.float32),
        scratch_types=[
            pltpu.VMEM((_BPW,), jnp.int32),
            pltpu.VMEM((_BPW,), jnp.int32),
            pltpu.VMEM((_BPW,), jnp.float32),
            pltpu.SemaphoreType.DMA,
        ],
    )(_sc_gather_body)
    embt_all = sc_gather(embflat, ids)

    xpt = jnp.concatenate(
        [x[:, :17].T, jnp.ones((1, _B), jnp.float32),
         jnp.zeros((14, _B), jnp.float32)], axis=0)
    wtt = jnp.concatenate(
        [W_fc[:, :17], b_fc[:, None], W_fc[:, 17:]],
        axis=1).astype(jnp.bfloat16)
    wht = jnp.concatenate(
        [W_land, W_shot, W_move, jnp.zeros((1, _HID), jnp.float32)],
        axis=0).astype(jnp.bfloat16)

    grid = (_B // _TB,)
    outT = pl.pallas_call(
        _tc_body,
        grid=grid,
        in_specs=[
            pl.BlockSpec((32, _TB), lambda i: (0, i)),
            pl.BlockSpec((8, _TB), lambda i: (0, i)),
            pl.BlockSpec((_HID, 26), lambda i: (0, 0)),
            pl.BlockSpec((8, _HID), lambda i: (0, 0)),
        ],
        out_specs=pl.BlockSpec((8, _TB), lambda i: (0, i)),
        out_shape=jax.ShapeDtypeStruct((8, _B), jnp.float32),
    )(xpt, embt_all, wtt, wht)
    return (outT[0:2].T, outT[2:5].T, outT[5:7].T)

# --- scband reference (transcript-rebuilt; emitter-appended) ---
"""Pipeline reference for scband-bc4-serve-71425306132713 (READ-ONLY COPY).

The authoritative reference and input builder live on the scoring server;
editing this copy changes nothing except your own understanding.
"""

import jax, jax.numpy as jnp
import numpy as np

B = 16384
INPUT_SIZE = 25
HIDDEN = 4096
PLAYER_ID_LEN = 1000
EMB_DIM = 8


def setup_inputs(seed: int = 0) -> dict:
    key = jax.random.key(seed)
    ks = jax.random.split(key, 8)
    x = jax.random.uniform(ks[0], (B, 18), dtype=jnp.float32)  # col 17 casts to 0, valid player id
    W_fc = jax.random.normal(ks[1], (HIDDEN, INPUT_SIZE), dtype=jnp.float32) * 0.02
    b_fc = jnp.zeros((HIDDEN,), dtype=jnp.float32)
    emb = jax.random.normal(ks[2], (PLAYER_ID_LEN, EMB_DIM), dtype=jnp.float32) * 0.02
    W_land = jax.random.normal(ks[3], (2, HIDDEN), dtype=jnp.float32) * 0.02
    W_shot = jax.random.normal(ks[4], (3, HIDDEN), dtype=jnp.float32) * 0.02
    W_move = jax.random.normal(ks[5], (2, HIDDEN), dtype=jnp.float32) * 0.02
    return {"x": x, "W_fc": W_fc, "b_fc": b_fc, "emb": emb,
            "W_land": W_land, "W_shot": W_shot, "W_move": W_move}


def reference(x, W_fc, b_fc, emb, W_land, W_shot, W_move):
    x = x.astype(jnp.float32)
    player_ids = x[:, 17].astype(jnp.int32)
    player_embeds = jnp.take(emb, player_ids, axis=0)
    state_features = jnp.concatenate((x[:, :17], player_embeds), axis=1)
    out = state_features @ W_fc.T + b_fc
    out = jax.nn.relu(out)
    land_logit = out @ W_land.T
    move_logit = out @ W_move.T
    shot_logit = out @ W_shot.T
    return (land_logit, shot_logit, move_logit)

if __name__ == "__main__":
    import jax
    _d = setup_inputs()
    print(jax.jit(kernel)(*tuple(_d.values())))

</pallas_src>

<mosaic_0001>
#map = affine_map<(d0, d1) -> (0)>
#map1 = affine_map<(d0, d1) -> (0, 0)>
module attributes {stable_mosaic.version = 14 : i64} {
  func.func @_sc_gather_body(%arg0: i32, %arg1: i32, %arg2: memref<8000xf32, #tpu.memory_space<hbm>>, %arg3: memref<16384xi32, #tpu.memory_space<hbm>>, %arg4: memref<8x16384xf32, #tpu.memory_space<hbm>>, %arg5: memref<512xi32, #tpu.memory_space<vmem>>, %arg6: memref<512xi32, #tpu.memory_space<vmem>>, %arg7: memref<512xf32, #tpu.memory_space<vmem>>, %arg8: memref<!tpu.dma_semaphore, #tpu.memory_space<semaphore_mem>>) attributes {dimension_semantics = [#tpu.dimension_semantics<core_parallel>, #tpu.dimension_semantics<subcore_parallel>], iteration_bounds = array<i64: 2, 16>, scalar_prefetch = 0 : i64, scratch_operands = 4 : i64, tpu.core_type = #tpu.core_type<sc_vector_subcore>, window_params = [{transform_indices = #map}, {transform_indices = #map}, {transform_indices = #map1}]} {
    %mul3A = arith.constant 2 : i32
    %mul3A_0 = arith.muli %arg1, %mul3A : i32
    %add3A = arith.addi %mul3A_0, %arg0 : i32
    %mul3A_1 = arith.constant 512 : i32
    %mul3A_2 = arith.muli %add3A, %mul3A_1 : i32
    "tpu.region"() ({
      %run_scoped3A_2598 = tpu.sem_alloc : memref<!tpu.dma_semaphore, #tpu.memory_space<semaphore_mem>>
      %dma_start3A_2599 = tpu.memref_slice %arg3[%mul3A_2] : memref<16384xi32, #tpu.memory_space<hbm>> -> memref<512xi32, #tpu.memory_space<hbm>>
      %dma_start3A_2600 = tpu.memref_slice %arg3[%mul3A_2] : memref<16384xi32, #tpu.memory_space<hbm>> -> memref<512xi32, #tpu.memory_space<hbm>>
      tpu.enqueue_dma source(%dma_start3A_2600 : memref<512xi32, #tpu.memory_space<hbm>>) target(%arg5 : memref<512xi32, #tpu.memory_space<vmem>>) target_semaphore(%run_scoped3A_2598 : memref<!tpu.dma_semaphore, #tpu.memory_space<semaphore_mem>>)
      %dma_wait3A_2601 = tpu.memref_slice %arg3[%mul3A_2] : memref<16384xi32, #tpu.memory_space<hbm>> -> memref<512xi32, #tpu.memory_space<hbm>>
      %dma_wait3A_2602 = tpu.memref_slice %arg3[%mul3A_2] : memref<16384xi32, #tpu.memory_space<hbm>> -> memref<512xi32, #tpu.memory_space<hbm>>
      tpu.wait_dma2 semaphore(%run_scoped3A_2598 : memref<!tpu.dma_semaphore, #tpu.memory_space<semaphore_mem>>) src(%dma_wait3A_2602 : memref<512xi32, #tpu.memory_space<hbm>>) dst(%arg5 : memref<512xi32, #tpu.memory_space<vmem>>)
      tpu.yield
    }) : () -> ()
    %get3A = arith.constant 0 : index
    %get3A_3 = tpu.vector_load %arg5[%get3A] {strides = array<i32>} : memref<512xi32, #tpu.memory_space<vmem>>, vector<16xi32>,
    %get3A_4 = vector.shape_cast %get3A_3 : vector<16xi32> to vector<16xi32>
    %add3A_5 = arith.constant 0 : i32
    %add3A_6 = vector.broadcast %add3A_5 : i32 to vector<16xi32>
    %add3A_7 = arith.addi %get3A_4, %add3A_6 : vector<16xi32>
    %swap3A = arith.constant 0 : index
    %swap3A_8 = tpu.vector_load %arg6[%swap3A] {strides = array<i32>} : memref<512xi32, #tpu.memory_space<vmem>>, vector<16xi32>,
    %swap3A_9 = vector.shape_cast %swap3A_8 : vector<16xi32> to vector<16xi32>
    %swap3A_10 = vector.shape_cast %add3A_7 : vector<16xi32> to vector<16xi32>
    tpu.vector_store %arg6[%swap3A], %swap3A_10 {strides = array<i32>} : memref<512xi32, #tpu.memory_space<vmem>>, vector<16xi32>,
    %get3A_11 = arith.constant 16 : index
    %get3A_12 = tpu.vector_load %arg5[%get3A_11] {strides = array<i32>} : memref<512xi32, #tpu.memory_space<vmem>>, vector<16xi32>,
    %get3A_13 = vector.shape_cast %get3A_12 : vector<16xi32> to vector<16xi32>
    %add3A_14 = arith.constant 0 : i32
    %add3A_15 = vector.broadcast %add3A_14 : i32 to vector<16xi32>
    %add3A_16 = arith.addi %get3A_13, %add3A_15 : vector<16xi32>
    %swap3A_17 = arith.constant 16 : index
    %swap3A_18 = tpu.vector_load %arg6[%swap3A_17] {strides = array<i32>} : memref<512xi32, #tpu.memory_space<vmem>>, vector<16xi32>,
    %swap3A_19 = vector.shape_cast %swap3A_18 : vector<16xi32> to vector<16xi32>
    %swap3A_20 = vector.shape_cast %add3A_16 : vector<16xi32> to vector<16xi32>
    tpu.vector_store %arg6[%swap3A_17], %swap3A_20 {strides = array<i32>} : memref<512xi32, #tpu.memory_space<vmem>>, vector<16xi32>,
    %get3A_21 = arith.constant 32 : index
    %get3A_22 = tpu.vector_load %arg5[%get3A_21] {strides = array<i32>} : memref<512xi32, #tpu.memory_space<vmem>>, vector<16xi32>,
    %get3A_23 = vector.shape_cast %get3A_22 : vector<16xi32> to vector<16xi32>
    %add3A_24 = arith.constant 0 : i32
    %add3A_25 = vector.broadcast %add3A_24 : i32 to vector<16xi32>
    %add3A_26 = arith.addi %get3A_23, %add3A_25 : vector<16xi32>
    %swap3A_27 = arith.constant 32 : index
    %swap3A_28 = tpu.vector_load %arg6[%swap3A_27] {strides = array<i32>} : memref<512xi32, #tpu.memory_space<vmem>>, vector<16xi32>,
    %swap3A_29 = vector.shape_cast %swap3A_28 : vector<16xi32> to vector<16xi32>
    %swap3A_30 = vector.shape_cast %add3A_26 : vector<16xi32> to vector<16xi32>
    tpu.vector_store %arg6[%swap3A_27], %swap3A_30 {strides = array<i32>} : memref<512xi32, #tpu.memory_space<vmem>>, vector<16xi32>,
    %get3A_31 = arith.constant 48 : index
    %get3A_32 = tpu.vector_load %arg5[%get3A_31] {strides = array<i32>} : memref<512xi32, #tpu.memory_space<vmem>>, vector<16xi32>,
    %get3A_33 = vector.shape_cast %get3A_32 : vector<16xi32> to vector<16xi32>
    %add3A_34 = arith.constant 0 : i32
    %add3A_35 = vector.broadcast %add3A_34 : i32 to vector<16xi32>
    %add3A_36 = arith.addi %get3A_33, %add3A_35 : vector<16xi32>
    %swap3A_37 = arith.constant 48 : index
    %swap3A_38 = tpu.vector_load %arg6[%swap3A_37] {strides = array<i32>} : memref<512xi32, #tpu.memory_space<vmem>>, vector<16xi32>,
    %swap3A_39 = vector.shape_cast %swap3A_38 : vector<16xi32> to vector<16xi32>
    %swap3A_40 = vector.shape_cast %add3A_36 : vector<16xi32> to vector<16xi32>
    tpu.vector_store %arg6[%swap3A_37], %swap3A_40 {strides = array<i32>} : memref<512xi32, #tpu.memory_space<vmem>>, vector<16xi32>,
    %get3A_41 = arith.constant 64 : index
    %get3A_42 = tpu.vector_load %arg5[%get3A_41] {strides = array<i32>} : memref<512xi32, #tpu.memory_space<vmem>>, vector<16xi32>,
    %get3A_43 = vector.shape_cast %get3A_42 : vector<16xi32> to vector<16xi32>
    %add3A_44 = arith.constant 0 : i32
    %add3A_45 = vector.broadcast %add3A_44 : i32 to vector<16xi32>
    %add3A_46 = arith.addi %get3A_43, %add3A_45 : vector<16xi32>
    %swap3A_47 = arith.constant 64 : index
    %swap3A_48 = tpu.vector_load %arg6[%swap3A_47] {strides = array<i32>} : memref<512xi32, #tpu.memory_space<vmem>>, vector<16xi32>,
    %swap3A_49 = vector.shape_cast %swap3A_48 : vector<16xi32> to vector<16xi32>
    %swap3A_50 = vector.shape_cast %add3A_46 : vector<16xi32> to vector<16xi32>
    tpu.vector_store %arg6[%swap3A_47], %swap3A_50 {strides = array<i32>} : memref<512xi32, #tpu.memory_space<vmem>>, vector<16xi32>,
    %get3A_51 = arith.constant 80 : index
    %get3A_52 = tpu.vector_load %arg5[%get3A_51] {strides = array<i32>} : memref<512xi32, #tpu.memory_space<vmem>>, vector<16xi32>,
    %get3A_53 = vector.shape_cast %get3A_52 : vector<16xi32> to vector<16xi32>
    %add3A_54 = arith.constant 0 : i32
    %add3A_55 = vector.broadcast %add3A_54 : i32 to vector<16xi32>
    %add3A_56 = arith.addi %get3A_53, %add3A_55 : vector<16xi32>
    %swap3A_57 = arith.constant 80 : index
    %swap3A_58 = tpu.vector_load %arg6[%swap3A_57] {strides = array<i32>} : memref<512xi32, #tpu.memory_space<vmem>>, vector<16xi32>,
    %swap3A_59 = vector.shape_cast %swap3A_58 : vector<16xi32> to vector<16xi32>
    %swap3A_60 = vector.shape_cast %add3A_56 : vector<16xi32> to vector<16xi32>
    tpu.vector_store %arg6[%swap3A_57], %swap3A_60 {strides = array<i32>} : memref<512xi32, #tpu.memory_space<vmem>>, vector<16xi32>,
    %get3A_61 = arith.constant 96 : index
    %get3A_62 = tpu.vector_load %arg5[%get3A_61] {strides = array<i32>} : memref<512xi32, #tpu.memory_space<vmem>>, vector<16xi32>,
    %get3A_63 = vector.shape_cast %get3A_62 : vector<16xi32> to vector<16xi32>
    %add3A_64 = arith.constant 0 : i32
    %add3A_65 = vector.broadcast %add3A_64 : i32 to vector<16xi32>
    %add3A_66 = arith.addi %get3A_63, %add3A_65 : vector<16xi32>
    %swap3A_67 = arith.constant 96 : index
    %swap3A_68 = tpu.vector_load %arg6[%swap3A_67] {strides = array<i32>} : memref<512xi32, #tpu.memory_space<vmem>>, vector<16xi32>,
    %swap3A_69 = vector.shape_cast %swap3A_68 : vector<16xi32> to vector<16xi32>
    %swap3A_70 = vector.shape_cast %add3A_66 : vector<16xi32> to vector<16xi32>
    tpu.vector_store %arg6[%swap3A_67], %swap3A_70 {strides = array<i32>} : memref<512xi32, #tpu.memory_space<vmem>>, vector<16xi32>,
    %get3A_71 = arith.constant 112 : index
    %get3A_72 = tpu.vector_load %arg5[%get3A_71] {strides = array<i32>} : memref<512xi32, #tpu.memory_space<vmem>>, vector<16xi32>,
    %get3A_73 = vector.shape_cast %get3A_72 : vector<16xi32> to vector<16xi32>
    %add3A_74 = arith.constant 0 : i32
    %add3A_75 = vector.broadcast %add3A_74 : i32 to vector<16xi32>
    %add3A_76 = arith.addi %get3A_73, %add3A_75 : vector<16xi32>
    %swap3A_77 = arith.constant 112 : index
    %swap3A_78 = tpu.vector_load %arg6[%swap3A_77] {strides = array<i32>} : memref<512xi32, #tpu.memory_space<vmem>>, vector<16xi32>,
    %swap3A_79 = vector.shape_cast %swap3A_78 : vector<16xi32> to vector<16xi32>
    %swap3A_80 = vector.shape_cast %add3A_76 : vector<16xi32> to vector<16xi32>
    tpu.vector_store %arg6[%swap3A_77], %swap3A_80 {strides = array<i32>} : memref<512xi32, #tpu.memory_space<vmem>>, vector<16xi32>,
    %get3A_81 = arith.constant 128 : index
    %get3A_82 = tpu.vector_load %arg5[%get3A_81] {strides = array<i32>} : memref<512xi32, #tpu.memory_space<vmem>>, vector<16xi32>,
    %get3A_83 = vector.shape_cast %get3A_82 : vector<16xi32> to vector<16xi32>
    %add3A_84 = arith.constant 0 : i32
    %add3A_85 = vector.broadcast %add3A_84 : i32 to vector<16xi32>
    %add3A_86 = arith.addi %get3A_83, %add3A_85 : vector<16xi32>
    %swap3A_87 = arith.constant 128 : index
    %swap3A_88 = tpu.vector_load %arg6[%swap3A_87] {strides = array<i32>} : memref<512xi32, #tpu.memory_space<vmem>>, vector<16xi32>,
    %swap3A_89 = vector.shape_cast %swap3A_88 : vector<16xi32> to vector<16xi32>
    %swap3A_90 = vector.shape_cast %add3A_86 : vector<16xi32> to vector<16xi32>
    tpu.vector_store %arg6[%swap3A_87], %swap3A_90 {strides = array<i32>} : memref<512xi32, #tpu.memory_space<vmem>>, vector<16xi32>,
    %get3A_91 = arith.constant 144 : index
    %get3A_92 = tpu.vector_load %arg5[%get3A_91] {strides = array<i32>} : memref<512xi32, #tpu.memory_space<vmem>>, vector<16xi32>,
    %get3A_93 = vector.shape_cast %get3A_92 : vector<16xi32> to vector<16xi32>
    %add3A_94 = arith.constant 0 : i32
    %add3A_95 = vector.broadcast %add3A_94 : i32 to vector<16xi32>
    %add3A_96 = arith.addi %get3A_93, %add3A_95 : vector<16xi32>
    %swap3A_97 = arith.constant 144 : index
    %swap3A_98 = tpu.vector_load %arg6[%swap3A_97] {strides = array<i32>} : memref<512xi32, #tpu.memory_space<vmem>>, vector<16xi32>,
    %swap3A_99 = vector.shape_cast %swap3A_98 : vector<16xi32> to vector<16xi32>
    %swap3A_100 = vector.shape_cast %add3A_96 : vector<16xi32> to vector<16xi32>
    tpu.vector_store %arg6[%swap3A_97], %swap3A_100 {strides = array<i32>} : memref<512xi32, #tpu.memory_space<vmem>>, vector<16xi32>,
    %get3A_101 = arith.constant 160 : index
    %get3A_102 = tpu.vector_load %arg5[%get3A_101] {strides = array<i32>} : memref<512xi32, #tpu.memory_space<vmem>>, vector<16xi32>,
    %get3A_103 = vector.shape_cast %get3A_102 : vector<16xi32> to vector<16xi32>
    %add3A_104 = arith.constant 0 : i32
    %add3A_105 = vector.broadcast %add3A_104 : i32 to vector<16xi32>
    %add3A_106 = arith.addi %get3A_103, %add3A_105 : vector<16xi32>
    %swap3A_107 = arith.constant 160 : index
    %swap3A_108 = tpu.vector_load %arg6[%swap3A_107] {strides = array<i32>} : memref<512xi32, #tpu.memory_space<vmem>>, vector<16xi32>,
    %swap3A_109 = vector.shape_cast %swap3A_108 : vector<16xi32> to vector<16xi32>
    %swap3A_110 = vector.shape_cast %add3A_106 : vector<16xi32> to vector<16xi32>
    tpu.vector_store %arg6[%swap3A_107], %swap3A_110 {strides = array<i32>} : memref<512xi32, #tpu.memory_space<vmem>>, vector<16xi32>,
    %get3A_111 = arith.constant 176 : index
    %get3A_112 = tpu.vector_load %arg5[%get3A_111] {strides = array<i32>} : memref<512xi32, #tpu.memory_space<vmem>>, vector<16xi32>,
    %get3A_113 = vector.shape_cast %get3A_112 : vector<16xi32> to vector<16xi32>
    %add3A_114 = arith.constant 0 : i32
    %add3A_115 = vector.broadcast %add3A_114 : i32 to vector<16xi32>
    %add3A_116 = arith.addi %get3A_113, %add3A_115 : vector<16xi32>
    %swap3A_117 = arith.constant 176 : index
    %swap3A_118 = tpu.vector_load %arg6[%swap3A_117] {strides = array<i32>} : memref<512xi32, #tpu.memory_space<vmem>>, vector<16xi32>,
    %swap3A_119 = vector.shape_cast %swap3A_118 : vector<16xi32> to vector<16xi32>
    %swap3A_120 = vector.shape_cast %add3A_116 : vector<16xi32> to vector<16xi32>
    tpu.vector_store %arg6[%swap3A_117], %swap3A_120 {strides = array<i32>} : memref<512xi32, #tpu.memory_space<vmem>>, vector<16xi32>,
    %get3A_121 = arith.constant 192 : index
    %get3A_122 = tpu.vector_load %arg5[%get3A_121] {strides = array<i32>} : memref<512xi32, #tpu.memory_space<vmem>>, vector<16xi32>,
    %get3A_123 = vector.shape_cast %get3A_122 : vector<16xi32> to vector<16xi32>
    %add3A_124 = arith.constant 0 : i32
    %add3A_125 = vector.broadcast %add3A_124 : i32 to vector<16xi32>
    %add3A_126 = arith.addi %get3A_123, %add3A_125 : vector<16xi32>
    %swap3A_127 = arith.constant 192 : index
    %swap3A_128 = tpu.vector_load %arg6[%swap3A_127] {strides = array<i32>} : memref<512xi32, #tpu.memory_space<vmem>>, vector<16xi32>,
    %swap3A_129 = vector.shape_cast %swap3A_128 : vector<16xi32> to vector<16xi32>
    %swap3A_130 = vector.shape_cast %add3A_126 : vector<16xi32> to vector<16xi32>
    tpu.vector_store %arg6[%swap3A_127], %swap3A_130 {strides = array<i32>} : memref<512xi32, #tpu.memory_space<vmem>>, vector<16xi32>,
    %get3A_131 = arith.constant 208 : index
    %get3A_132 = tpu.vector_load %arg5[%get3A_131] {strides = array<i32>} : memref<512xi32, #tpu.memory_space<vmem>>, vector<16xi32>,
    %get3A_133 = vector.shape_cast %get3A_132 : vector<16xi32> to vector<16xi32>
    %add3A_134 = arith.constant 0 : i32
    %add3A_135 = vector.broadcast %add3A_134 : i32 to vector<16xi32>
    %add3A_136 = arith.addi %get3A_133, %add3A_135 : vector<16xi32>
    %swap3A_137 = arith.constant 208 : index
    %swap3A_138 = tpu.vector_load %arg6[%swap3A_137] {strides = array<i32>} : memref<512xi32, #tpu.memory_space<vmem>>, vector<16xi32>,
    %swap3A_139 = vector.shape_cast %swap3A_138 : vector<16xi32> to vector<16xi32>
    %swap3A_140 = vector.shape_cast %add3A_136 : vector<16xi32> to vector<16xi32>
    tpu.vector_store %arg6[%swap3A_137], %swap3A_140 {strides = array<i32>} : memref<512xi32, #tpu.memory_space<vmem>>, vector<16xi32>,
    %get3A_141 = arith.constant 224 : index
    %get3A_142 = tpu.vector_load %arg5[%get3A_141] {strides = array<i32>} : memref<512xi32, #tpu.memory_space<vmem>>, vector<16xi32>,
    %get3A_143 = vector.shape_cast %get3A_142 : vector<16xi32> to vector<16xi32>
    %add3A_144 = arith.constant 0 : i32
    %add3A_145 = vector.broadcast %add3A_144 : i32 to vector<16xi32>
    %add3A_146 = arith.addi %get3A_143, %add3A_145 : vector<16xi32>
    %swap3A_147 = arith.constant 224 : index
    %swap3A_148 = tpu.vector_load %arg6[%swap3A_147] {strides = array<i32>} : memref<512xi32, #tpu.memory_space<vmem>>, vector<16xi32>,
    %swap3A_149 = vector.shape_cast %swap3A_148 : vector<16xi32> to vector<16xi32>
    %swap3A_150 = vector.shape_cast %add3A_146 : vector<16xi32> to vector<16xi32>
    tpu.vector_store %arg6[%swap3A_147], %swap3A_150 {strides = array<i32>} : memref<512xi32, #tpu.memory_space<vmem>>, vector<16xi32>,
    %get3A_151 = arith.constant 240 : index
    %get3A_152 = tpu.vector_load %arg5[%get3A_151] {strides = array<i32>} : memref<512xi32, #tpu.memory_space<vmem>>, vector<16xi32>,
    %get3A_153 = vector.shape_cast %get3A_152 : vector<16xi32> to vector<16xi32>
    %add3A_154 = arith.constant 0 : i32
    %add3A_155 = vector.broadcast %add3A_154 : i32 to vector<16xi32>
    %add3A_156 = arith.addi %get3A_153, %add3A_155 : vector<16xi32>
    %swap3A_157 = arith.constant 240 : index
    %swap3A_158 = tpu.vector_load %arg6[%swap3A_157] {strides = array<i32>} : memref<512xi32, #tpu.memory_space<vmem>>, vector<16xi32>,
    %swap3A_159 = vector.shape_cast %swap3A_158 : vector<16xi32> to vector<16xi32>
    %swap3A_160 = vector.shape_cast %add3A_156 : vector<16xi32> to vector<16xi32>
    tpu.vector_store %arg6[%swap3A_157], %swap3A_160 {strides = array<i32>} : memref<512xi32, #tpu.memory_space<vmem>>, vector<16xi32>,
    %get3A_161 = arith.constant 256 : index
    %get3A_162 = tpu.vector_load %arg5[%get3A_161] {strides = array<i32>} : memref<512xi32, #tpu.memory_space<vmem>>, vector<16xi32>,
    %get3A_163 = vector.shape_cast %get3A_162 : vector<16xi32> to vector<16xi32>
    %add3A_164 = arith.constant 0 : i32
    %add3A_165 = vector.broadcast %add3A_164 : i32 to vector<16xi32>
    %add3A_166 = arith.addi %get3A_163, %add3A_165 : vector<16xi32>
    %swap3A_167 = arith.constant 256 : index
    %swap3A_168 = tpu.vector_load %arg6[%swap3A_167] {strides = array<i32>} : memref<512xi32, #tpu.memory_space<vmem>>, vector<16xi32>,
    %swap3A_169 = vector.shape_cast %swap3A_168 : vector<16xi32> to vector<16xi32>
    %swap3A_170 = vector.shape_cast %add3A_166 : vector<16xi32> to vector<16xi32>
    tpu.vector_store %arg6[%swap3A_167], %swap3A_170 {strides = array<i32>} : memref<512xi32, #tpu.memory_space<vmem>>, vector<16xi32>,
    %get3A_171 = arith.constant 272 : index
    %get3A_172 = tpu.vector_load %arg5[%get3A_171] {strides = array<i32>} : memref<512xi32, #tpu.memory_space<vmem>>, vector<16xi32>,
    %get3A_173 = vector.shape_cast %get3A_172 : vector<16xi32> to vector<16xi32>
    %add3A_174 = arith.constant 0 : i32
    %add3A_175 = vector.broadcast %add3A_174 : i32 to vector<16xi32>
    %add3A_176 = arith.addi %get3A_173, %add3A_175 : vector<16xi32>
    %swap3A_177 = arith.constant 272 : index
    %swap3A_178 = tpu.vector_load %arg6[%swap3A_177] {strides = array<i32>} : memref<512xi32, #tpu.memory_space<vmem>>, vector<16xi32>,
    %swap3A_179 = vector.shape_cast %swap3A_178 : vector<16xi32> to vector<16xi32>
    %swap3A_180 = vector.shape_cast %add3A_176 : vector<16xi32> to vector<16xi32>
    tpu.vector_store %arg6[%swap3A_177], %swap3A_180 {strides = array<i32>} : memref<512xi32, #tpu.memory_space<vmem>>, vector<16xi32>,
    %get3A_181 = arith.constant 288 : index
    %get3A_182 = tpu.vector_load %arg5[%get3A_181] {strides = array<i32>} : memref<512xi32, #tpu.memory_space<vmem>>, vector<16xi32>,
    %get3A_183 = vector.shape_cast %get3A_182 : vector<16xi32> to vector<16xi32>
    %add3A_184 = arith.constant 0 : i32
    %add3A_185 = vector.broadcast %add3A_184 : i32 to vector<16xi32>
    %add3A_186 = arith.addi %get3A_183, %add3A_185 : vector<16xi32>
    %swap3A_187 = arith.constant 288 : index
    %swap3A_188 = tpu.vector_load %arg6[%swap3A_187] {strides = array<i32>} : memref<512xi32, #tpu.memory_space<vmem>>, vector<16xi32>,
    %swap3A_189 = vector.shape_cast %swap3A_188 : vector<16xi32> to vector<16xi32>
    %swap3A_190 = vector.shape_cast %add3A_186 : vector<16xi32> to vector<16xi32>
    tpu.vector_store %arg6[%swap3A_187], %swap3A_190 {strides = array<i32>} : memref<512xi32, #tpu.memory_space<vmem>>, vector<16xi32>,
    %get3A_191 = arith.constant 304 : index
    %get3A_192 = tpu.vector_load %arg5[%get3A_191] {strides = array<i32>} : memref<512xi32, #tpu.memory_space<vmem>>, vector<16xi32>,
    %get3A_193 = vector.shape_cast %get3A_192 : vector<16xi32> to vector<16xi32>
    %add3A_194 = arith.constant 0 : i32
    %add3A_195 = vector.broadcast %add3A_194 : i32 to vector<16xi32>
    %add3A_196 = arith.addi %get3A_193, %add3A_195 : vector<16xi32>
    %swap3A_197 = arith.constant 304 : index
    %swap3A_198 = tpu.vector_load %arg6[%swap3A_197] {strides = array<i32>} : memref<512xi32, #tpu.memory_space<vmem>>, vector<16xi32>,
    %swap3A_199 = vector.shape_cast %swap3A_198 : vector<16xi32> to vector<16xi32>
    %swap3A_200 = vector.shape_cast %add3A_196 : vector<16xi32> to vector<16xi32>
    tpu.vector_store %arg6[%swap3A_197], %swap3A_200 {strides = array<i32>} : memref<512xi32, #tpu.memory_space<vmem>>, vector<16xi32>,
    %get3A_201 = arith.constant 320 : index
    %get3A_202 = tpu.vector_load %arg5[%get3A_201] {strides = array<i32>} : memref<512xi32, #tpu.memory_space<vmem>>, vector<16xi32>,
    %get3A_203 = vector.shape_cast %get3A_202 : vector<16xi32> to vector<16xi32>
    %add3A_204 = arith.constant 0 : i32
    %add3A_205 = vector.broadcast %add3A_204 : i32 to vector<16xi32>
    %add3A_206 = arith.addi %get3A_203, %add3A_205 : vector<16xi32>
    %swap3A_207 = arith.constant 320 : index
    %swap3A_208 = tpu.vector_load %arg6[%swap3A_207] {strides = array<i32>} : memref<512xi32, #tpu.memory_space<vmem>>, vector<16xi32>,
    %swap3A_209 = vector.shape_cast %swap3A_208 : vector<16xi32> to vector<16xi32>
    %swap3A_210 = vector.shape_cast %add3A_206 : vector<16xi32> to vector<16xi32>
    tpu.vector_store %arg6[%swap3A_207], %swap3A_210 {strides = array<i32>} : memref<512xi32, #tpu.memory_space<vmem>>, vector<16xi32>,
    %get3A_211 = arith.constant 336 : index
    %get3A_212 = tpu.vector_load %arg5[%get3A_211] {strides = array<i32>} : memref<512xi32, #tpu.memory_space<vmem>>, vector<16xi32>,
    %get3A_213 = vector.shape_cast %get3A_212 : vector<16xi32> to vector<16xi32>
    %add3A_214 = arith.constant 0 : i32
    %add3A_215 = vector.broadcast %add3A_214 : i32 to vector<16xi32>
    %add3A_216 = arith.addi %get3A_213, %add3A_215 : vector<16xi32>
    %swap3A_217 = arith.constant 336 : index
    %swap3A_218 = tpu.vector_load %arg6[%swap3A_217] {strides = array<i32>} : memref<512xi32, #tpu.memory_space<vmem>>, vector<16xi32>,
    %swap3A_219 = vector.shape_cast %swap3A_218 : vector<16xi32> to vector<16xi32>
    %swap3A_220 = vector.shape_cast %add3A_216 : vector<16xi32> to vector<16xi32>
    tpu.vector_store %arg6[%swap3A_217], %swap3A_220 {strides = array<i32>} : memref<512xi32, #tpu.memory_space<vmem>>, vector<16xi32>,
    %get3A_221 = arith.constant 352 : index
    %get3A_222 = tpu.vector_load %arg5[%get3A_221] {strides = array<i32>} : memref<512xi32, #tpu.memory_space<vmem>>, vector<16xi32>,
    %get3A_223 = vector.shape_cast %get3A_222 : vector<16xi32> to vector<16xi32>
    %add3A_224 = arith.constant 0 : i32
    %add3A_225 = vector.broadcast %add3A_224 : i32 to vector<16xi32>
    %add3A_226 = arith.addi %get3A_223, %add3A_225 : vector<16xi32>
    %swap3A_227 = arith.constant 352 : index
    %swap3A_228 = tpu.vector_load %arg6[%swap3A_227] {strides = array<i32>} : memref<512xi32, #tpu.memory_space<vmem>>, vector<16xi32>,
    %swap3A_229 = vector.shape_cast %swap3A_228 : vector<16xi32> to vector<16xi32>
    %swap3A_230 = vector.shape_cast %add3A_226 : vector<16xi32> to vector<16xi32>
    tpu.vector_store %arg6[%swap3A_227], %swap3A_230 {strides = array<i32>} : memref<512xi32, #tpu.memory_space<vmem>>, vector<16xi32>,
    %get3A_231 = arith.constant 368 : index
    %get3A_232 = tpu.vector_load %arg5[%get3A_231] {strides = array<i32>} : memref<512xi32, #tpu.memory_space<vmem>>, vector<16xi32>,
    %get3A_233 = vector.shape_cast %get3A_232 : vector<16xi32> to vector<16xi32>
    %add3A_234 = arith.constant 0 : i32
    %add3A_235 = vector.broadcast %add3A_234 : i32 to vector<16xi32>
    %add3A_236 = arith.addi %get3A_233, %add3A_235 : vector<16xi32>
    %swap3A_237 = arith.constant 368 : index
    %swap3A_238 = tpu.vector_load %arg6[%swap3A_237] {strides = array<i32>} : memref<512xi32, #tpu.memory_space<vmem>>, vector<16xi32>,
    %swap3A_239 = vector.shape_cast %swap3A_238 : vector<16xi32> to vector<16xi32>
    %swap3A_240 = vector.shape_cast %add3A_236 : vector<16xi32> to vector<16xi32>
    tpu.vector_store %arg6[%swap3A_237], %swap3A_240 {strides = array<i32>} : memref<512xi32, #tpu.memory_space<vmem>>, vector<16xi32>,
    %get3A_241 = arith.constant 384 : index
    %get3A_242 = tpu.vector_load %arg5[%get3A_241] {strides = array<i32>} : memref<512xi32, #tpu.memory_space<vmem>>, vector<16xi32>,
    %get3A_243 = vector.shape_cast %get3A_242 : vector<16xi32> to vector<16xi32>
    %add3A_244 = arith.constant 0 : i32
    %add3A_245 = vector.broadcast %add3A_244 : i32 to vector<16xi32>
    %add3A_246 = arith.addi %get3A_243, %add3A_245 : vector<16xi32>
    %swap3A_247 = arith.constant 384 : index
    %swap3A_248 = tpu.vector_load %arg6[%swap3A_247] {strides = array<i32>} : memref<512xi32, #tpu.memory_space<vmem>>, vector<16xi32>,
    %swap3A_249 = vector.shape_cast %swap3A_248 : vector<16xi32> to vector<16xi32>
    %swap3A_250 = vector.shape_cast %add3A_246 : vector<16xi32> to vector<16xi32>
    tpu.vector_store %arg6[%swap3A_247], %swap3A_250 {strides = array<i32>} : memref<512xi32, #tpu.memory_space<vmem>>, vector<16xi32>,
    %get3A_251 = arith.constant 400 : index
    %get3A_252 = tpu.vector_load %arg5[%get3A_251] {strides = array<i32>} : memref<512xi32, #tpu.memory_space<vmem>>, vector<16xi32>,
    %get3A_253 = vector.shape_cast %get3A_252 : vector<16xi32> to vector<16xi32>
    %add3A_254 = arith.constant 0 : i32
    %add3A_255 = vector.broadcast %add3A_254 : i32 to vector<16xi32>
    %add3A_256 = arith.addi %get3A_253, %add3A_255 : vector<16xi32>
    %swap3A_257 = arith.constant 400 : index
    %swap3A_258 = tpu.vector_load %arg6[%swap3A_257] {strides = array<i32>} : memref<512xi32, #tpu.memory_space<vmem>>, vector<16xi32>,
    %swap3A_259 = vector.shape_cast %swap3A_258 : vector<16xi32> to vector<16xi32>
    %swap3A_260 = vector.shape_cast %add3A_256 : vector<16xi32> to vector<16xi32>
    tpu.vector_store %arg6[%swap3A_257], %swap3A_260 {strides = array<i32>} : memref<512xi32, #tpu.memory_space<vmem>>, vector<16xi32>,
    %get3A_261 = arith.constant 416 : index
    %get3A_262 = tpu.vector_load %arg5[%get3A_261] {strides = array<i32>} : memref<512xi32, #tpu.memory_space<vmem>>, vector<16xi32>,
    %get3A_263 = vector.shape_cast %get3A_262 : vector<16xi32> to vector<16xi32>
    %add3A_264 = arith.constant 0 : i32
    %add3A_265 = vector.broadcast %add3A_264 : i32 to vector<16xi32>
    %add3A_266 = arith.addi %get3A_263, %add3A_265 : vector<16xi32>
    %swap3A_267 = arith.constant 416 : index
    %swap3A_268 = tpu.vector_load %arg6[%swap3A_267] {strides = array<i32>} : memref<512xi32, #tpu.memory_space<vmem>>, vector<16xi32>,
    %swap3A_269 = vector.shape_cast %swap3A_268 : vector<16xi32> to vector<16xi32>
    %swap3A_270 = vector.shape_cast %add3A_266 : vector<16xi32> to vector<16xi32>
    tpu.vector_store %arg6[%swap3A_267], %swap3A_270 {strides = array<i32>} : memref<512xi32, #tpu.memory_space<vmem>>, vector<16xi32>,
    %get3A_271 = arith.constant 432 : index
    %get3A_272 = tpu.vector_load %arg5[%get3A_271] {strides = array<i32>} : memref<512xi32, #tpu.memory_space<vmem>>, vector<16xi32>,
    %get3A_273 = vector.shape_cast %get3A_272 : vector<16xi32> to vector<16xi32>
    %add3A_274 = arith.constant 0 : i32
    %add3A_275 = vector.broadcast %add3A_274 : i32 to vector<16xi32>
    %add3A_276 = arith.addi %get3A_273, %add3A_275 : vector<16xi32>
    %swap3A_277 = arith.constant 432 : index
    %swap3A_278 = tpu.vector_load %arg6[%swap3A_277] {strides = array<i32>} : memref<512xi32, #tpu.memory_space<vmem>>, vector<16xi32>,
    %swap3A_279 = vector.shape_cast %swap3A_278 : vector<16xi32> to vector<16xi32>
    %swap3A_280 = vector.shape_cast %add3A_276 : vector<16xi32> to vector<16xi32>
    tpu.vector_store %arg6[%swap3A_277], %swap3A_280 {strides = array<i32>} : memref<512xi32, #tpu.memory_space<vmem>>, vector<16xi32>,
    %get3A_281 = arith.constant 448 : index
    %get3A_282 = tpu.vector_load %arg5[%get3A_281] {strides = array<i32>} : memref<512xi32, #tpu.memory_space<vmem>>, vector<16xi32>,
    %get3A_283 = vector.shape_cast %get3A_282 : vector<16xi32> to vector<16xi32>
    %add3A_284 = arith.constant 0 : i32
    %add3A_285 = vector.broadcast %add3A_284 : i32 to vector<16xi32>
    %add3A_286 = arith.addi %get3A_283, %add3A_285 : vector<16xi32>
    %swap3A_287 = arith.constant 448 : index
    %swap3A_288 = tpu.vector_load %arg6[%swap3A_287] {strides = array<i32>} : memref<512xi32, #tpu.memory_space<vmem>>, vector<16xi32>,
    %swap3A_289 = vector.shape_cast %swap3A_288 : vector<16xi32> to vector<16xi32>
    %swap3A_290 = vector.shape_cast %add3A_286 : vector<16xi32> to vector<16xi32>
    tpu.vector_store %arg6[%swap3A_287], %swap3A_290 {strides = array<i32>} : memref<512xi32, #tpu.memory_space<vmem>>, vector<16xi32>,
    %get3A_291 = arith.constant 464 : index
    %get3A_292 = tpu.vector_load %arg5[%get3A_291] {strides = array<i32>} : memref<512xi32, #tpu.memory_space<vmem>>, vector<16xi32>,
    %get3A_293 = vector.shape_cast %get3A_292 : vector<16xi32> to vector<16xi32>
    %add3A_294 = arith.constant 0 : i32
    %add3A_295 = vector.broadcast %add3A_294 : i32 to vector<16xi32>
    %add3A_296 = arith.addi %get3A_293, %add3A_295 : vector<16xi32>
    %swap3A_297 = arith.constant 464 : index
    %swap3A_298 = tpu.vector_load %arg6[%swap3A_297] {strides = array<i32>} : memref<512xi32, #tpu.memory_space<vmem>>, vector<16xi32>,
    %swap3A_299 = vector.shape_cast %swap3A_298 : vector<16xi32> to vector<16xi32>
    %swap3A_300 = vector.shape_cast %add3A_296 : vector<16xi32> to vector<16xi32>
    tpu.vector_store %arg6[%swap3A_297], %swap3A_300 {strides = array<i32>} : memref<512xi32, #tpu.memory_space<vmem>>, vector<16xi32>,
    %get3A_301 = arith.constant 480 : index
    %get3A_302 = tpu.vector_load %arg5[%get3A_301] {strides = array<i32>} : memref<512xi32, #tpu.memory_space<vmem>>, vector<16xi32>,
    %get3A_303 = vector.shape_cast %get3A_302 : vector<16xi32> to vector<16xi32>
    %add3A_304 = arith.constant 0 : i32
    %add3A_305 = vector.broadcast %add3A_304 : i32 to vector<16xi32>
    %add3A_306 = arith.addi %get3A_303, %add3A_305 : vector<16xi32>
    %swap3A_307 = arith.constant 480 : index
    %swap3A_308 = tpu.vector_load %arg6[%swap3A_307] {strides = array<i32>} : memref<512xi32, #tpu.memory_space<vmem>>, vector<16xi32>,
    %swap3A_309 = vector.shape_cast %swap3A_308 : vector<16xi32> to vector<16xi32>
    %swap3A_310 = vector.shape_cast %add3A_306 : vector<16xi32> to vector<16xi32>
    tpu.vector_store %arg6[%swap3A_307], %swap3A_310 {strides = array<i32>} : memref<512xi32, #tpu.memory_space<vmem>>, vector<16xi32>,
    %get3A_311 = arith.constant 496 : index
    %get3A_312 = tpu.vector_load %arg5[%get3A_311] {strides = array<i32>} : memref<512xi32, #tpu.memory_space<vmem>>, vector<16xi32>,
    %get3A_313 = vector.shape_cast %get3A_312 : vector<16xi32> to vector<16xi32>
    %add3A_314 = arith.constant 0 : i32
    %add3A_315 = vector.broadcast %add3A_314 : i32 to vector<16xi32>
    %add3A_316 = arith.addi %get3A_313, %add3A_315 : vector<16xi32>
    %swap3A_317 = arith.constant 496 : index
    %swap3A_318 = tpu.vector_load %arg6[%swap3A_317] {strides = array<i32>} : memref<512xi32, #tpu.memory_space<vmem>>, vector<16xi32>,
    %swap3A_319 = vector.shape_cast %swap3A_318 : vector<16xi32> to vector<16xi32>
    %swap3A_320 = vector.shape_cast %add3A_316 : vector<16xi32> to vector<16xi32>
    tpu.vector_store %arg6[%swap3A_317], %swap3A_320 {strides = array<i32>} : memref<512xi32, #tpu.memory_space<vmem>>, vector<16xi32>,
    %dma_start3A = arith.constant 0 : i32
    %dma_start3A_321 = tpu.memref_slice %arg2[%dma_start3A] : memref<8000xf32, #tpu.memory_space<hbm>> -> memref<8000xf32, #tpu.memory_space<hbm>>
    tpu.enqueue_indirect_dma source(%dma_start3A_321 : memref<8000xf32, #tpu.memory_space<hbm>>) target(%arg7 : memref<512xf32, #tpu.memory_space<vmem>>) offsets(%arg6 : memref<512xi32, #tpu.memory_space<vmem>>) semaphore(%arg8 : memref<!tpu.dma_semaphore, #tpu.memory_space<semaphore_mem>>)
    %dma_wait3A = arith.constant 0 : i32
    %dma_wait3A_322 = tpu.memref_slice %arg2[%dma_wait3A] : memref<8000xf32, #tpu.memory_space<hbm>> -> memref<8000xf32, #tpu.memory_space<hbm>>
    tpu.wait_indirect_dma semaphore(%arg8 : memref<!tpu.dma_semaphore, #tpu.memory_space<semaphore_mem>>) src(%dma_wait3A_322 : memref<8000xf32, #tpu.memory_space<hbm>>) dst(%arg7 : memref<512xf32, #tpu.memory_space<vmem>>)
    %run_scoped3A = arith.constant 0 : i32
    "tpu.region"() ({
      %run_scoped3A_2598 = tpu.sem_alloc : memref<!tpu.dma_semaphore, #tpu.memory_space<semaphore_mem>>
      %dma_start3A_2599 = tpu.memref_slice %arg4[%run_scoped3A, %mul3A_2] : memref<8x16384xf32, #tpu.memory_space<hbm>> -> memref<1x512xf32, #tpu.memory_space<hbm>>
      %dma_start3A_2600 = tpu.memref_squeeze %dma_start3A_2599 : memref<1x512xf32, #tpu.memory_space<hbm>> -> memref<512xf32, #tpu.memory_space<hbm>>
      %dma_start3A_2601 = tpu.memref_slice %arg4[%run_scoped3A, %mul3A_2] : memref<8x16384xf32, #tpu.memory_space<hbm>> -> memref<1x512xf32, #tpu.memory_space<hbm>>
      %dma_start3A_2602 = tpu.memref_squeeze %dma_start3A_2601 : memref<1x512xf32, #tpu.memory_space<hbm>> -> memref<512xf32, #tpu.memory_space<hbm>>
      tpu.enqueue_dma source(%arg7 : memref<512xf32, #tpu.memory_space<vmem>>) target(%dma_start3A_2602 : memref<512xf32, #tpu.memory_space<hbm>>) target_semaphore(%run_scoped3A_2598 : memref<!tpu.dma_semaphore, #tpu.memory_space<semaphore_mem>>)
      %dma_wait3A_2603 = tpu.memref_slice %arg4[%run_scoped3A, %mul3A_2] : memref<8x16384xf32, #tpu.memory_space<hbm>> -> memref<1x512xf32, #tpu.memory_space<hbm>>
      %dma_wait3A_2604 = tpu.memref_squeeze %dma_wait3A_2603 : memref<1x512xf32, #tpu.memory_space<hbm>> -> memref<512xf32, #tpu.memory_space<hbm>>
      %dma_wait3A_2605 = tpu.memref_slice %arg4[%run_scoped3A, %mul3A_2] : memref<8x16384xf32, #tpu.memory_space<hbm>> -> memref<1x512xf32, #tpu.memory_space<hbm>>
      %dma_wait3A_2606 = tpu.memref_squeeze %dma_wait3A_2605 : memref<1x512xf32, #tpu.memory_space<hbm>> -> memref<512xf32, #tpu.memory_space<hbm>>
      tpu.wait_dma2 semaphore(%run_scoped3A_2598 : memref<!tpu.dma_semaphore, #tpu.memory_space<semaphore_mem>>) src(%arg7 : memref<512xf32, #tpu.memory_space<vmem>>) dst(%dma_wait3A_2606 : memref<512xf32, #tpu.memory_space<hbm>>)
      tpu.yield
    }) : () -> ()
    %get3A_323 = arith.constant 0 : index
    %get3A_324 = tpu.vector_load %arg5[%get3A_323] {strides = array<i32>} : memref<512xi32, #tpu.memory_space<vmem>>, vector<16xi32>,
    %get3A_325 = vector.shape_cast %get3A_324 : vector<16xi32> to vector<16xi32>
    %add3A_326 = arith.constant 1000 : i32
    %add3A_327 = vector.broadcast %add3A_326 : i32 to vector<16xi32>
    %add3A_328 = arith.addi %get3A_325, %add3A_327 : vector<16xi32>
    %swap3A_329 = arith.constant 0 : index
    %swap3A_330 = tpu.vector_load %arg6[%swap3A_329] {strides = array<i32>} : memref<512xi32, #tpu.memory_space<vmem>>, vector<16xi32>,
    %swap3A_331 = vector.shape_cast %swap3A_330 : vector<16xi32> to vector<16xi32>
    %swap3A_332 = vector.shape_cast %add3A_328 : vector<16xi32> to vector<16xi32>
    tpu.vector_store %arg6[%swap3A_329], %swap3A_332 {strides = array<i32>} : memref<512xi32, #tpu.memory_space<vmem>>, vector<16xi32>,
    %get3A_333 = arith.constant 16 : index
    %get3A_334 = tpu.vector_load %arg5[%get3A_333] {strides = array<i32>} : memref<512xi32, #tpu.memory_space<vmem>>, vector<16xi32>,
    %get3A_335 = vector.shape_cast %get3A_334 : vector<16xi32> to vector<16xi32>
    %add3A_336 = arith.constant 1000 : i32
    %add3A_337 = vector.broadcast %add3A_336 : i32 to vector<16xi32>
    %add3A_338 = arith.addi %get3A_335, %add3A_337 : vector<16xi32>
    %swap3A_339 = arith.constant 16 : index
    %swap3A_340 = tpu.vector_load %arg6[%swap3A_339] {strides = array<i32>} : memref<512xi32, #tpu.memory_space<vmem>>, vector<16xi32>,
    %swap3A_341 = vector.shape_cast %swap3A_340 : vector<16xi32> to vector<16xi32>
    %swap3A_342 = vector.shape_cast %add3A_338 : vector<16xi32> to vector<16xi32>
    tpu.vector_store %arg6[%swap3A_339], %swap3A_342 {strides = array<i32>} : memref<512xi32, #tpu.memory_space<vmem>>, vector<16xi32>,
    %get3A_343 = arith.constant 32 : index
    %get3A_344 = tpu.vector_load %arg5[%get3A_343] {strides = array<i32>} : memref<512xi32, #tpu.memory_space<vmem>>, vector<16xi32>,
    %get3A_345 = vector.shape_cast %get3A_344 : vector<16xi32> to vector<16xi32>
    %add3A_346 = arith.constant 1000 : i32
    %add3A_347 = vector.broadcast %add3A_346 : i32 to vector<16xi32>
    %add3A_348 = arith.addi %get3A_345, %add3A_347 : vector<16xi32>
    %swap3A_349 = arith.constant 32 : index
    %swap3A_350 = tpu.vector_load %arg6[%swap3A_349] {strides = array<i32>} : memref<512xi32, #tpu.memory_space<vmem>>, vector<16xi32>,
    %swap3A_351 = vector.shape_cast %swap3A_350 : vector<16xi32> to vector<16xi32>
    %swap3A_352 = vector.shape_cast %add3A_348 : vector<16xi32> to vector<16xi32>
    tpu.vector_store %arg6[%swap3A_349], %swap3A_352 {strides = array<i32>} : memref<512xi32, #tpu.memory_space<vmem>>, vector<16xi32>,
    %get3A_353 = arith.constant 48 : index
    %get3A_354 = tpu.vector_load %arg5[%get3A_353] {strides = array<i32>} : memref<512xi32, #tpu.memory_space<vmem>>, vector<16xi32>,
    %get3A_355 = vector.shape_cast %get3A_354 : vector<16xi32> to vector<16xi32>
    %add3A_356 = arith.constant 1000 : i32
    %add3A_357 = vector.broadcast %add3A_356 : i32 to vector<16xi32>
    %add3A_358 = arith.addi %get3A_355, %add3A_357 : vector<16xi32>
    %swap3A_359 = arith.constant 48 : index
    %swap3A_360 = tpu.vector_load %arg6[%swap3A_359] {strides = array<i32>} : memref<512xi32, #tpu.memory_space<vmem>>, vector<16xi32>,
    %swap3A_361 = vector.shape_cast %swap3A_360 : vector<16xi32> to vector<16xi32>
    %swap3A_362 = vector.shape_cast %add3A_358 : vector<16xi32> to vector<16xi32>
    tpu.vector_store %arg6[%swap3A_359], %swap3A_362 {strides = array<i32>} : memref<512xi32, #tpu.memory_space<vmem>>, vector<16xi32>,
    %get3A_363 = arith.constant 64 : index
    %get3A_364 = tpu.vector_load %arg5[%get3A_363] {strides = array<i32>} : memref<512xi32, #tpu.memory_space<vmem>>, vector<16xi32>,
    %get3A_365 = vector.shape_cast %get3A_364 : vector<16xi32> to vector<16xi32>
    %add3A_366 = arith.constant 1000 : i32
    %add3A_367 = vector.broadcast %add3A_366 : i32 to vector<16xi32>
    %add3A_368 = arith.addi %get3A_365, %add3A_367 : vector<16xi32>
    %swap3A_369 = arith.constant 64 : index
    %swap3A_370 = tpu.vector_load %arg6[%swap3A_369] {strides = array<i32>} : memref<512xi32, #tpu.memory_space<vmem>>, vector<16xi32>,
    %swap3A_371 = vector.shape_cast %swap3A_370 : vector<16xi32> to vector<16xi32>
    %swap3A_372 = vector.shape_cast %add3A_368 : vector<16xi32> to vector<16xi32>
    tpu.vector_store %arg6[%swap3A_369], %swap3A_372 {strides = array<i32>} : memref<512xi32, #tpu.memory_space<vmem>>, vector<16xi32>,
    %get3A_373 = arith.constant 80 : index
    %get3A_374 = tpu.vector_load %arg5[%get3A_373] {strides = array<i32>} : memref<512xi32, #tpu.memory_space<vmem>>, vector<16xi32>,
    %get3A_375 = vector.shape_cast %get3A_374 : vector<16xi32> to vector<16xi32>
    %add3A_376 = arith.constant 1000 : i32
    %add3A_377 = vector.broadcast %add3A_376 : i32 to vector<16xi32>
    %add3A_378 = arith.addi %get3A_375, %add3A_377 : vector<16xi32>
    %swap3A_379 = arith.constant 80 : index
    %swap3A_380 = tpu.vector_load %arg6[%swap3A_379] {strides = array<i32>} : memref<512xi32, #tpu.memory_space<vmem>>, vector<16xi32>,
    %swap3A_381 = vector.shape_cast %swap3A_380 : vector<16xi32> to vector<16xi32>
    %swap3A_382 = vector.shape_cast %add3A_378 : vector<16xi32> to vector<16xi32>
    tpu.vector_store %arg6[%swap3A_379], %swap3A_382 {strides = array<i32>} : memref<512xi32, #tpu.memory_space<vmem>>, vector<16xi32>,
    %get3A_383 = arith.constant 96 : index
    %get3A_384 = tpu.vector_load %arg5[%get3A_383] {strides = array<i32>} : memref<512xi32, #tpu.memory_space<vmem>>, vector<16xi32>,
    %get3A_385 = vector.shape_cast %get3A_384 : vector<16xi32> to vector<16xi32>
    %add3A_386 = arith.constant 1000 : i32
    %add3A_387 = vector.broadcast %add3A_386 : i32 to vector<16xi32>
    %add3A_388 = arith.addi %get3A_385, %add3A_387 : vector<16xi32>
    %swap3A_389 = arith.constant 96 : index
    %swap3A_390 = tpu.vector_load %arg6[%swap3A_389] {strides = array<i32>} : memref<512xi32, #tpu.memory_space<vmem>>, vector<16xi32>,
    %swap3A_391 = vector.shape_cast %swap3A_390 : vector<16xi32> to vector<16xi32>
    %swap3A_392 = vector.shape_cast %add3A_388 : vector<16xi32> to vector<16xi32>
    tpu.vector_store %arg6[%swap3A_389], %swap3A_392 {strides = array<i32>} : memref<512xi32, #tpu.memory_space<vmem>>, vector<16xi32>,
    %get3A_393 = arith.constant 112 : index
    %get3A_394 = tpu.vector_load %arg5[%get3A_393] {strides = array<i32>} : memref<512xi32, #tpu.memory_space<vmem>>, vector<16xi32>,
    %get3A_395 = vector.shape_cast %get3A_394 : vector<16xi32> to vector<16xi32>
    %add3A_396 = arith.constant 1000 : i32
    %add3A_397 = vector.broadcast %add3A_396 : i32 to vector<16xi32>
    %add3A_398 = arith.addi %get3A_395, %add3A_397 : vector<16xi32>
    %swap3A_399 = arith.constant 112 : index
    %swap3A_400 = tpu.vector_load %arg6[%swap3A_399] {strides = array<i32>} : memref<512xi32, #tpu.memory_space<vmem>>, vector<16xi32>,
    %swap3A_401 = vector.shape_cast %swap3A_400 : vector<16xi32> to vector<16xi32>
    %swap3A_402 = vector.shape_cast %add3A_398 : vector<16xi32> to vector<16xi32>
    tpu.vector_store %arg6[%swap3A_399], %swap3A_402 {strides = array<i32>} : memref<512xi32, #tpu.memory_space<vmem>>, vector<16xi32>,
    %get3A_403 = arith.constant 128 : index
    %get3A_404 = tpu.vector_load %arg5[%get3A_403] {strides = array<i32>} : memref<512xi32, #tpu.memory_space<vmem>>, vector<16xi32>,
    %get3A_405 = vector.shape_cast %get3A_404 : vector<16xi32> to vector<16xi32>
    %add3A_406 = arith.constant 1000 : i32
    %add3A_407 = vector.broadcast %add3A_406 : i32 to vector<16xi32>
    %add3A_408 = arith.addi %get3A_405, %add3A_407 : vector<16xi32>
    %swap3A_409 = arith.constant 128 : index
    %swap3A_410 = tpu.vector_load %arg6[%swap3A_409] {strides = array<i32>} : memref<512xi32, #tpu.memory_space<vmem>>, vector<16xi32>,
    %swap3A_411 = vector.shape_cast %swap3A_410 : vector<16xi32> to vector<16xi32>
    %swap3A_412 = vector.shape_cast %add3A_408 : vector<16xi32> to vector<16xi32>
    tpu.vector_store %arg6[%swap3A_409], %swap3A_412 {strides = array<i32>} : memref<512xi32, #tpu.memory_space<vmem>>, vector<16xi32>,
    %get3A_413 = arith.constant 144 : index
    %get3A_414 = tpu.vector_load %arg5[%get3A_413] {strides = array<i32>} : memref<512xi32, #tpu.memory_space<vmem>>, vector<16xi32>,
    %get3A_415 = vector.shape_cast %get3A_414 : vector<16xi32> to vector<16xi32>
    %add3A_416 = arith.constant 1000 : i32
    %add3A_417 = vector.broadcast %add3A_416 : i32 to vector<16xi32>
    %add3A_418 = arith.addi %get3A_415, %add3A_417 : vector<16xi32>
    %swap3A_419 = arith.constant 144 : index
    %swap3A_420 = tpu.vector_load %arg6[%swap3A_419] {strides = array<i32>} : memref<512xi32, #tpu.memory_space<vmem>>, vector<16xi32>,
    %swap3A_421 = vector.shape_cast %swap3A_420 : vector<16xi32> to vector<16xi32>
    %swap3A_422 = vector.shape_cast %add3A_418 : vector<16xi32> to vector<16xi32>
    tpu.vector_store %arg6[%swap3A_419], %swap3A_422 {strides = array<i32>} : memref<512xi32, #tpu.memory_space<vmem>>, vector<16xi32>,
    %get3A_423 = arith.constant 160 : index
    %get3A_424 = tpu.vector_load %arg5[%get3A_423] {strides = array<i32>} : memref<512xi32, #tpu.memory_space<vmem>>, vector<16xi32>,
    %get3A_425 = vector.shape_cast %get3A_424 : vector<16xi32> to vector<16xi32>
    %add3A_426 = arith.constant 1000 : i32
    %add3A_427 = vector.broadcast %add3A_426 : i32 to vector<16xi32>
    %add3A_428 = arith.addi %get3A_425, %add3A_427 : vector<16xi32>
    %swap3A_429 = arith.constant 160 : index
    %swap3A_430 = tpu.vector_load %arg6[%swap3A_429] {strides = array<i32>} : memref<512xi32, #tpu.memory_space<vmem>>, vector<16xi32>,
    %swap3A_431 = vector.shape_cast %swap3A_430 : vector<16xi32> to vector<16xi32>
    %swap3A_432 = vector.shape_cast %add3A_428 : vector<16xi32> to vector<16xi32>
    tpu.vector_store %arg6[%swap3A_429], %swap3A_432 {strides = array<i32>} : memref<512xi32, #tpu.memory_space<vmem>>, vector<16xi32>,
    %get3A_433 = arith.constant 176 : index
    %get3A_434 = tpu.vector_load %arg5[%get3A_433] {strides = array<i32>} : memref<512xi32, #tpu.memory_space<vmem>>, vector<16xi32>,
    %get3A_435 = vector.shape_cast %get3A_434 : vector<16xi32> to vector<16xi32>
    %add3A_436 = arith.constant 1000 : i32
    %add3A_437 = vector.broadcast %add3A_436 : i32 to vector<16xi32>
    %add3A_438 = arith.addi %get3A_435, %add3A_437 : vector<16xi32>
    %swap3A_439 = arith.constant 176 : index
    %swap3A_440 = tpu.vector_load %arg6[%swap3A_439] {strides = array<i32>} : memref<512xi32, #tpu.memory_space<vmem>>, vector<16xi32>,
    %swap3A_441 = vector.shape_cast %swap3A_440 : vector<16xi32> to vector<16xi32>
    %swap3A_442 = vector.shape_cast %add3A_438 : vector<16xi32> to vector<16xi32>
    tpu.vector_store %arg6[%swap3A_439], %swap3A_442 {strides = array<i32>} : memref<512xi32, #tpu.memory_space<vmem>>, vector<16xi32>,
    %get3A_443 = arith.constant 192 : index
    %get3A_444 = tpu.vector_load %arg5[%get3A_443] {strides = array<i32>} : memref<512xi32, #tpu.memory_space<vmem>>, vector<16xi32>,
    %get3A_445 = vector.shape_cast %get3A_444 : vector<16xi32> to vector<16xi32>
    %add3A_446 = arith.constant 1000 : i32
    %add3A_447 = vector.broadcast %add3A_446 : i32 to vector<16xi32>
    %add3A_448 = arith.addi %get3A_445, %add3A_447 : vector<16xi32>
    %swap3A_449 = arith.constant 192 : index
    %swap3A_450 = tpu.vector_load %arg6[%swap3A_449] {strides = array<i32>} : memref<512xi32, #tpu.memory_space<vmem>>, vector<16xi32>,
    %swap3A_451 = vector.shape_cast %swap3A_450 : vector<16xi32> to vector<16xi32>
    %swap3A_452 = vector.shape_cast %add3A_448 : vector<16xi32> to vector<16xi32>
    tpu.vector_store %arg6[%swap3A_449], %swap3A_452 {strides = array<i32>} : memref<512xi32, #tpu.memory_space<vmem>>, vector<16xi32>,
    %get3A_453 = arith.constant 208 : index
    %get3A_454 = tpu.vector_load %arg5[%get3A_453] {strides = array<i32>} : memref<512xi32, #tpu.memory_space<vmem>>, vector<16xi32>,
    %get3A_455 = vector.shape_cast %get3A_454 : vector<16xi32> to vector<16xi32>
    %add3A_456 = arith.constant 1000 : i32
    %add3A_457 = vector.broadcast %add3A_456 : i32 to vector<16xi32>
    %add3A_458 = arith.addi %get3A_455, %add3A_457 : vector<16xi32>
    %swap3A_459 = arith.constant 208 : index
    %swap3A_460 = tpu.vector_load %arg6[%swap3A_459] {strides = array<i32>} : memref<512xi32, #tpu.memory_space<vmem>>, vector<16xi32>,
    %swap3A_461 = vector.shape_cast %swap3A_460 : vector<16xi32> to vector<16xi32>
    %swap3A_462 = vector.shape_cast %add3A_458 : vector<16xi32> to vector<16xi32>
    tpu.vector_store %arg6[%swap3A_459], %swap3A_462 {strides = array<i32>} : memref<512xi32, #tpu.memory_space<vmem>>, vector<16xi32>,
    %get3A_463 = arith.constant 224 : index
    %get3A_464 = tpu.vector_load %arg5[%get3A_463] {strides = array<i32>} : memref<512xi32, #tpu.memory_space<vmem>>, vector<16xi32>,
    %get3A_465 = vector.shape_cast %get3A_464 : vector<16xi32> to vector<16xi32>
    %add3A_466 = arith.constant 1000 : i32
    %add3A_467 = vector.broadcast %add3A_466 : i32 to vector<16xi32>
    %add3A_468 = arith.addi %get3A_465, %add3A_467 : vector<16xi32>
    %swap3A_469 = arith.constant 224 : index
    %swap3A_470 = tpu.vector_load %arg6[%swap3A_469] {strides = array<i32>} : memref<512xi32, #tpu.memory_space<vmem>>, vector<16xi32>,
    %swap3A_471 = vector.shape_cast %swap3A_470 : vector<16xi32> to vector<16xi32>
    %swap3A_472 = vector.shape_cast %add3A_468 : vector<16xi32> to vector<16xi32>
    tpu.vector_store %arg6[%swap3A_469], %swap3A_472 {strides = array<i32>} : memref<512xi32, #tpu.memory_space<vmem>>, vector<16xi32>,
    %get3A_473 = arith.constant 240 : index
    %get3A_474 = tpu.vector_load %arg5[%get3A_473] {strides = array<i32>} : memref<512xi32, #tpu.memory_space<vmem>>, vector<16xi32>,
    %get3A_475 = vector.shape_cast %get3A_474 : vector<16xi32> to vector<16xi32>
    %add3A_476 = arith.constant 1000 : i32
    %add3A_477 = vector.broadcast %add3A_476 : i32 to vector<16xi32>
    %add3A_478 = arith.addi %get3A_475, %add3A_477 : vector<16xi32>
    %swap3A_479 = arith.constant 240 : index
    %swap3A_480 = tpu.vector_load %arg6[%swap3A_479] {strides = array<i32>} : memref<512xi32, #tpu.memory_space<vmem>>, vector<16xi32>,
    %swap3A_481 = vector.shape_cast %swap3A_480 : vector<16xi32> to vector<16xi32>
    %swap3A_482 = vector.shape_cast %add3A_478 : vector<16xi32> to vector<16xi32>
    tpu.vector_store %arg6[%swap3A_479], %swap3A_482 {strides = array<i32>} : memref<512xi32, #tpu.memory_space<vmem>>, vector<16xi32>,
    %get3A_483 = arith.constant 256 : index
    %get3A_484 = tpu.vector_load %arg5[%get3A_483] {strides = array<i32>} : memref<512xi32, #tpu.memory_space<vmem>>, vector<16xi32>,
    %get3A_485 = vector.shape_cast %get3A_484 : vector<16xi32> to vector<16xi32>
    %add3A_486 = arith.constant 1000 : i32
    %add3A_487 = vector.broadcast %add3A_486 : i32 to vector<16xi32>
    %add3A_488 = arith.addi %get3A_485, %add3A_487 : vector<16xi32>
    %swap3A_489 = arith.constant 256 : index
    %swap3A_490 = tpu.vector_load %arg6[%swap3A_489] {strides = array<i32>} : memref<512xi32, #tpu.memory_space<vmem>>, vector<16xi32>,
    %swap3A_491 = vector.shape_cast %swap3A_490 : vector<16xi32> to vector<16xi32>
    %swap3A_492 = vector.shape_cast %add3A_488 : vector<16xi32> to vector<16xi32>
    tpu.vector_store %arg6[%swap3A_489], %swap3A_492 {strides = array<i32>} : memref<512xi32, #tpu.memory_space<vmem>>, vector<16xi32>,
    %get3A_493 = arith.constant 272 : index
    %get3A_494 = tpu.vector_load %arg5[%get3A_493] {strides = array<i32>} : memref<512xi32, #tpu.memory_space<vmem>>, vector<16xi32>,
    %get3A_495 = vector.shape_cast %get3A_494 : vector<16xi32> to vector<16xi32>
    %add3A_496 = arith.constant 1000 : i32
    %add3A_497 = vector.broadcast %add3A_496 : i32 to vector<16xi32>
    %add3A_498 = arith.addi %get3A_495, %add3A_497 : vector<16xi32>
    %swap3A_499 = arith.constant 272 : index
    %swap3A_500 = tpu.vector_load %arg6[%swap3A_499] {strides = array<i32>} : memref<512xi32, #tpu.memory_space<vmem>>, vector<16xi32>,
    %swap3A_501 = vector.shape_cast %swap3A_500 : vector<16xi32> to vector<16xi32>
    %swap3A_502 = vector.shape_cast %add3A_498 : vector<16xi32> to vector<16xi32>
    tpu.vector_store %arg6[%swap3A_499], %swap3A_502 {strides = array<i32>} : memref<512xi32, #tpu.memory_space<vmem>>, vector<16xi32>,
    %get3A_503 = arith.constant 288 : index
    %get3A_504 = tpu.vector_load %arg5[%get3A_503] {strides = array<i32>} : memref<512xi32, #tpu.memory_space<vmem>>, vector<16xi32>,
    %get3A_505 = vector.shape_cast %get3A_504 : vector<16xi32> to vector<16xi32>
    %add3A_506 = arith.constant 1000 : i32
    %add3A_507 = vector.broadcast %add3A_506 : i32 to vector<16xi32>
    %add3A_508 = arith.addi %get3A_505, %add3A_507 : vector<16xi32>
    %swap3A_509 = arith.constant 288 : index
    %swap3A_510 = tpu.vector_load %arg6[%swap3A_509] {strides = array<i32>} : memref<512xi32, #tpu.memory_space<vmem>>, vector<16xi32>,
    %swap3A_511 = vector.shape_cast %swap3A_510 : vector<16xi32> to vector<16xi32>
    %swap3A_512 = vector.shape_cast %add3A_508 : vector<16xi32> to vector<16xi32>
    tpu.vector_store %arg6[%swap3A_509], %swap3A_512 {strides = array<i32>} : memref<512xi32, #tpu.memory_space<vmem>>, vector<16xi32>,
    %get3A_513 = arith.constant 304 : index
    %get3A_514 = tpu.vector_load %arg5[%get3A_513] {strides = array<i32>} : memref<512xi32, #tpu.memory_space<vmem>>, vector<16xi32>,
    %get3A_515 = vector.shape_cast %get3A_514 : vector<16xi32> to vector<16xi32>
    %add3A_516 = arith.constant 1000 : i32
    %add3A_517 = vector.broadcast %add3A_516 : i32 to vector<16xi32>
    %add3A_518 = arith.addi %get3A_515, %add3A_517 : vector<16xi32>
    %swap3A_519 = arith.constant 304 : index
    %swap3A_520 = tpu.vector_load %arg6[%swap3A_519] {strides = array<i32>} : memref<512xi32, #tpu.memory_space<vmem>>, vector<16xi32>,
    %swap3A_521 = vector.shape_cast %swap3A_520 : vector<16xi32> to vector<16xi32>
    %swap3A_522 = vector.shape_cast %add3A_518 : vector<16xi32> to vector<16xi32>
    tpu.vector_store %arg6[%swap3A_519], %swap3A_522 {strides = array<i32>} : memref<512xi32, #tpu.memory_space<vmem>>, vector<16xi32>,
    %get3A_523 = arith.constant 320 : index
    %get3A_524 = tpu.vector_load %arg5[%get3A_523] {strides = array<i32>} : memref<512xi32, #tpu.memory_space<vmem>>, vector<16xi32>,
    %get3A_525 = vector.shape_cast %get3A_524 : vector<16xi32> to vector<16xi32>
    %add3A_526 = arith.constant 1000 : i32
    %add3A_527 = vector.broadcast %add3A_526 : i32 to vector<16xi32>
    %add3A_528 = arith.addi %get3A_525, %add3A_527 : vector<16xi32>
    %swap3A_529 = arith.constant 320 : index
    %swap3A_530 = tpu.vector_load %arg6[%swap3A_529] {strides = array<i32>} : memref<512xi32, #tpu.memory_space<vmem>>, vector<16xi32>,
    %swap3A_531 = vector.shape_cast %swap3A_530 : vector<16xi32> to vector<16xi32>
    %swap3A_532 = vector.shape_cast %add3A_528 : vector<16xi32> to vector<16xi32>
    tpu.vector_store %arg6[%swap3A_529], %swap3A_532 {strides = array<i32>} : memref<512xi32, #tpu.memory_space<vmem>>, vector<16xi32>,
    %get3A_533 = arith.constant 336 : index
    %get3A_534 = tpu.vector_load %arg5[%get3A_533] {strides = array<i32>} : memref<512xi32, #tpu.memory_space<vmem>>, vector<16xi32>,
    %get3A_535 = vector.shape_cast %get3A_534 : vector<16xi32> to vector<16xi32>
    %add3A_536 = arith.constant 1000 : i32
    %add3A_537 = vector.broadcast %add3A_536 : i32 to vector<16xi32>
    %add3A_538 = arith.addi %get3A_535, %add3A_537 : vector<16xi32>
    %swap3A_539 = arith.constant 336 : index
    %swap3A_540 = tpu.vector_load %arg6[%swap3A_539] {strides = array<i32>} : memref<512xi32, #tpu.memory_space<vmem>>, vector<16xi32>,
    %swap3A_541 = vector.shape_cast %swap3A_540 : vector<16xi32> to vector<16xi32>
    %swap3A_542 = vector.shape_cast %add3A_538 : vector<16xi32> to vector<16xi32>
    tpu.vector_store %arg6[%swap3A_539], %swap3A_542 {strides = array<i32>} : memref<512xi32, #tpu.memory_space<vmem>>, vector<16xi32>,
    %get3A_543 = arith.constant 352 : index
    %get3A_544 = tpu.vector_load %arg5[%get3A_543] {strides = array<i32>} : memref<512xi32, #tpu.memory_space<vmem>>, vector<16xi32>,
    %get3A_545 = vector.shape_cast %get3A_544 : vector<16xi32> to vector<16xi32>
    %add3A_546 = arith.constant 1000 : i32
    %add3A_547 = vector.broadcast %add3A_546 : i32 to vector<16xi32>
    %add3A_548 = arith.addi %get3A_545, %add3A_547 : vector<16xi32>
    %swap3A_549 = arith.constant 352 : index
    %swap3A_550 = tpu.vector_load %arg6[%swap3A_549] {strides = array<i32>} : memref<512xi32, #tpu.memory_space<vmem>>, vector<16xi32>,
    %swap3A_551 = vector.shape_cast %swap3A_550 : vector<16xi32> to vector<16xi32>
    %swap3A_552 = vector.shape_cast %add3A_548 : vector<16xi32> to vector<16xi32>
    tpu.vector_store %arg6[%swap3A_549], %swap3A_552 {strides = array<i32>} : memref<512xi32, #tpu.memory_space<vmem>>, vector<16xi32>,
    %get3A_553 = arith.constant 368 : index
    %get3A_554 = tpu.vector_load %arg5[%get3A_553] {strides = array<i32>} : memref<512xi32, #tpu.memory_space<vmem>>, vector<16xi32>,
    %get3A_555 = vector.shape_cast %get3A_554 : vector<16xi32> to vector<16xi32>
    %add3A_556 = arith.constant 1000 : i32
    %add3A_557 = vector.broadcast %add3A_556 : i32 to vector<16xi32>
    %add3A_558 = arith.addi %get3A_555, %add3A_557 : vector<16xi32>
    %swap3A_559 = arith.constant 368 : index
    %swap3A_560 = tpu.vector_load %arg6[%swap3A_559] {strides = array<i32>} : memref<512xi32, #tpu.memory_space<vmem>>, vector<16xi32>,
    %swap3A_561 = vector.shape_cast %swap3A_560 : vector<16xi32> to vector<16xi32>
    %swap3A_562 = vector.shape_cast %add3A_558 : vector<16xi32> to vector<16xi32>
    tpu.vector_store %arg6[%swap3A_559], %swap3A_562 {strides = array<i32>} : memref<512xi32, #tpu.memory_space<vmem>>, vector<16xi32>,
    %get3A_563 = arith.constant 384 : index
    %get3A_564 = tpu.vector_load %arg5[%get3A_563] {strides = array<i32>} : memref<512xi32, #tpu.memory_space<vmem>>, vector<16xi32>,
    %get3A_565 = vector.shape_cast %get3A_564 : vector<16xi32> to vector<16xi32>
    %add3A_566 = arith.constant 1000 : i32
    %add3A_567 = vector.broadcast %add3A_566 : i32 to vector<16xi32>
    %add3A_568 = arith.addi %get3A_565, %add3A_567 : vector<16xi32>
    %swap3A_569 = arith.constant 384 : index
    %swap3A_570 = tpu.vector_load %arg6[%swap3A_569] {strides = array<i32>} : memref<512xi32, #tpu.memory_space<vmem>>, vector<16xi32>,
    %swap3A_571 = vector.shape_cast %swap3A_570 : vector<16xi32> to vector<16xi32>
    %swap3A_572 = vector.shape_cast %add3A_568 : vector<16xi32> to vector<16xi32>
    tpu.vector_store %arg6[%swap3A_569], %swap3A_572 {strides = array<i32>} : memref<512xi32, #tpu.memory_space<vmem>>, vector<16xi32>,
    %get3A_573 = arith.constant 400 : index
    %get3A_574 = tpu.vector_load %arg5[%get3A_573] {strides = array<i32>} : memref<512xi32, #tpu.memory_space<vmem>>, vector<16xi32>,
    %get3A_575 = vector.shape_cast %get3A_574 : vector<16xi32> to vector<16xi32>
    %add3A_576 = arith.constant 1000 : i32
    %add3A_577 = vector.broadcast %add3A_576 : i32 to vector<16xi32>
    %add3A_578 = arith.addi %get3A_575, %add3A_577 : vector<16xi32>
    %swap3A_579 = arith.constant 400 : index
    %swap3A_580 = tpu.vector_load %arg6[%swap3A_579] {strides = array<i32>} : memref<512xi32, #tpu.memory_space<vmem>>, vector<16xi32>,
    %swap3A_581 = vector.shape_cast %swap3A_580 : vector<16xi32> to vector<16xi32>
    %swap3A_582 = vector.shape_cast %add3A_578 : vector<16xi32> to vector<16xi32>
    tpu.vector_store %arg6[%swap3A_579], %swap3A_582 {strides = array<i32>} : memref<512xi32, #tpu.memory_space<vmem>>, vector<16xi32>,
    %get3A_583 = arith.constant 416 : index
    %get3A_584 = tpu.vector_load %arg5[%get3A_583] {strides = array<i32>} : memref<512xi32, #tpu.memory_space<vmem>>, vector<16xi32>,
    %get3A_585 = vector.shape_cast %get3A_584 : vector<16xi32> to vector<16xi32>
    %add3A_586 = arith.constant 1000 : i32
    %add3A_587 = vector.broadcast %add3A_586 : i32 to vector<16xi32>
    %add3A_588 = arith.addi %get3A_585, %add3A_587 : vector<16xi32>
    %swap3A_589 = arith.constant 416 : index
    %swap3A_590 = tpu.vector_load %arg6[%swap3A_589] {strides = array<i32>} : memref<512xi32, #tpu.memory_space<vmem>>, vector<16xi32>,
    %swap3A_591 = vector.shape_cast %swap3A_590 : vector<16xi32> to vector<16xi32>
    %swap3A_592 = vector.shape_cast %add3A_588 : vector<16xi32> to vector<16xi32>
    tpu.vector_store %arg6[%swap3A_589], %swap3A_592 {strides = array<i32>} : memref<512xi32, #tpu.memory_space<vmem>>, vector<16xi32>,
    %get3A_593 = arith.constant 432 : index
    %get3A_594 = tpu.vector_load %arg5[%get3A_593] {strides = array<i32>} : memref<512xi32, #tpu.memory_space<vmem>>, vector<16xi32>,
    %get3A_595 = vector.shape_cast %get3A_594 : vector<16xi32> to vector<16xi32>
    %add3A_596 = arith.constant 1000 : i32
    %add3A_597 = vector.broadcast %add3A_596 : i32 to vector<16xi32>
    %add3A_598 = arith.addi %get3A_595, %add3A_597 : vector<16xi32>
    %swap3A_599 = arith.constant 432 : index
    %swap3A_600 = tpu.vector_load %arg6[%swap3A_599] {strides = array<i32>} : memref<512xi32, #tpu.memory_space<vmem>>, vector<16xi32>,
    %swap3A_601 = vector.shape_cast %swap3A_600 : vector<16xi32> to vector<16xi32>
    %swap3A_602 = vector.shape_cast %add3A_598 : vector<16xi32> to vector<16xi32>
    tpu.vector_store %arg6[%swap3A_599], %swap3A_602 {strides = array<i32>} : memref<512xi32, #tpu.memory_space<vmem>>, vector<16xi32>,
    %get3A_603 = arith.constant 448 : index
    %get3A_604 = tpu.vector_load %arg5[%get3A_603] {strides = array<i32>} : memref<512xi32, #tpu.memory_space<vmem>>, vector<16xi32>,
    %get3A_605 = vector.shape_cast %get3A_604 : vector<16xi32> to vector<16xi32>
    %add3A_606 = arith.constant 1000 : i32
    %add3A_607 = vector.broadcast %add3A_606 : i32 to vector<16xi32>
    %add3A_608 = arith.addi %get3A_605, %add3A_607 : vector<16xi32>
    %swap3A_609 = arith.constant 448 : index
    %swap3A_610 = tpu.vector_load %arg6[%swap3A_609] {strides = array<i32>} : memref<512xi32, #tpu.memory_space<vmem>>, vector<16xi32>,
    %swap3A_611 = vector.shape_cast %swap3A_610 : vector<16xi32> to vector<16xi32>
    %swap3A_612 = vector.shape_cast %add3A_608 : vector<16xi32> to vector<16xi32>
    tpu.vector_store %arg6[%swap3A_609], %swap3A_612 {strides = array<i32>} : memref<512xi32, #tpu.memory_space<vmem>>, vector<16xi32>,
    %get3A_613 = arith.constant 464 : index
    %get3A_614 = tpu.vector_load %arg5[%get3A_613] {strides = array<i32>} : memref<512xi32, #tpu.memory_space<vmem>>, vector<16xi32>,
    %get3A_615 = vector.shape_cast %get3A_614 : vector<16xi32> to vector<16xi32>
    %add3A_616 = arith.constant 1000 : i32
    %add3A_617 = vector.broadcast %add3A_616 : i32 to vector<16xi32>
    %add3A_618 = arith.addi %get3A_615, %add3A_617 : vector<16xi32>
    %swap3A_619 = arith.constant 464 : index
    %swap3A_620 = tpu.vector_load %arg6[%swap3A_619] {strides = array<i32>} : memref<512xi32, #tpu.memory_space<vmem>>, vector<16xi32>,
    %swap3A_621 = vector.shape_cast %swap3A_620 : vector<16xi32> to vector<16xi32>
    %swap3A_622 = vector.shape_cast %add3A_618 : vector<16xi32> to vector<16xi32>
    tpu.vector_store %arg6[%swap3A_619], %swap3A_622 {strides = array<i32>} : memref<512xi32, #tpu.memory_space<vmem>>, vector<16xi32>,
    %get3A_623 = arith.constant 480 : index
    %get3A_624 = tpu.vector_load %arg5[%get3A_623] {strides = array<i32>} : memref<512xi32, #tpu.memory_space<vmem>>, vector<16xi32>,
    %get3A_625 = vector.shape_cast %get3A_624 : vector<16xi32> to vector<16xi32>
    %add3A_626 = arith.constant 1000 : i32
    %add3A_627 = vector.broadcast %add3A_626 : i32 to vector<16xi32>
    %add3A_628 = arith.addi %get3A_625, %add3A_627 : vector<16xi32>
    %swap3A_629 = arith.constant 480 : index
    %swap3A_630 = tpu.vector_load %arg6[%swap3A_629] {strides = array<i32>} : memref<512xi32, #tpu.memory_space<vmem>>, vector<16xi32>,
    %swap3A_631 = vector.shape_cast %swap3A_630 : vector<16xi32> to vector<16xi32>
    %swap3A_632 = vector.shape_cast %add3A_628 : vector<16xi32> to vector<16xi32>
    tpu.vector_store %arg6[%swap3A_629], %swap3A_632 {strides = array<i32>} : memref<512xi32, #tpu.memory_space<vmem>>, vector<16xi32>,
    %get3A_633 = arith.constant 496 : index
    %get3A_634 = tpu.vector_load %arg5[%get3A_633] {strides = array<i32>} : memref<512xi32, #tpu.memory_space<vmem>>, vector<16xi32>,
    %get3A_635 = vector.shape_cast %get3A_634 : vector<16xi32> to vector<16xi32>
    %add3A_636 = arith.constant 1000 : i32
    %add3A_637 = vector.broadcast %add3A_636 : i32 to vector<16xi32>
    %add3A_638 = arith.addi %get3A_635, %add3A_637 : vector<16xi32>
    %swap3A_639 = arith.constant 496 : index
    %swap3A_640 = tpu.vector_load %arg6[%swap3A_639] {strides = array<i32>} : memref<512xi32, #tpu.memory_space<vmem>>, vector<16xi32>,
    %swap3A_641 = vector.shape_cast %swap3A_640 : vector<16xi32> to vector<16xi32>
    %swap3A_642 = vector.shape_cast %add3A_638 : vector<16xi32> to vector<16xi32>
    tpu.vector_store %arg6[%swap3A_639], %swap3A_642 {strides = array<i32>} : memref<512xi32, #tpu.memory_space<vmem>>, vector<16xi32>,
    %dma_start3A_643 = arith.constant 0 : i32
    %dma_start3A_644 = tpu.memref_slice %arg2[%dma_start3A_643] : memref<8000xf32, #tpu.memory_space<hbm>> -> memref<8000xf32, #tpu.memory_space<hbm>>
    tpu.enqueue_indirect_dma source(%dma_start3A_644 : memref<8000xf32, #tpu.memory_space<hbm>>) target(%arg7 : memref<512xf32, #tpu.memory_space<vmem>>) offsets(%arg6 : memref<512xi32, #tpu.memory_space<vmem>>) semaphore(%arg8 : memref<!tpu.dma_semaphore, #tpu.memory_space<semaphore_mem>>)
    %dma_wait3A_645 = arith.constant 0 : i32
    %dma_wait3A_646 = tpu.memref_slice %arg2[%dma_wait3A_645] : memref<8000xf32, #tpu.memory_space<hbm>> -> memref<8000xf32, #tpu.memory_space<hbm>>
    tpu.wait_indirect_dma semaphore(%arg8 : memref<!tpu.dma_semaphore, #tpu.memory_space<semaphore_mem>>) src(%dma_wait3A_646 : memref<8000xf32, #tpu.memory_space<hbm>>) dst(%arg7 : memref<512xf32, #tpu.memory_space<vmem>>)
    %run_scoped3A_647 = arith.constant 1 : i32
    "tpu.region"() ({
      %run_scoped3A_2598 = tpu.sem_alloc : memref<!tpu.dma_semaphore, #tpu.memory_space<semaphore_mem>>
      %dma_start3A_2599 = tpu.memref_slice %arg4[%run_scoped3A_647, %mul3A_2] : memref<8x16384xf32, #tpu.memory_space<hbm>> -> memref<1x512xf32, #tpu.memory_space<hbm>>
      %dma_start3A_2600 = tpu.memref_squeeze %dma_start3A_2599 : memref<1x512xf32, #tpu.memory_space<hbm>> -> memref<512xf32, #tpu.memory_space<hbm>>
      %dma_start3A_2601 = tpu.memref_slice %arg4[%run_scoped3A_647, %mul3A_2] : memref<8x16384xf32, #tpu.memory_space<hbm>> -> memref<1x512xf32, #tpu.memory_space<hbm>>
      %dma_start3A_2602 = tpu.memref_squeeze %dma_start3A_2601 : memref<1x512xf32, #tpu.memory_space<hbm>> -> memref<512xf32, #tpu.memory_space<hbm>>
      tpu.enqueue_dma source(%arg7 : memref<512xf32, #tpu.memory_space<vmem>>) target(%dma_start3A_2602 : memref<512xf32, #tpu.memory_space<hbm>>) target_semaphore(%run_scoped3A_2598 : memref<!tpu.dma_semaphore, #tpu.memory_space<semaphore_mem>>)
      %dma_wait3A_2603 = tpu.memref_slice %arg4[%run_scoped3A_647, %mul3A_2] : memref<8x16384xf32, #tpu.memory_space<hbm>> -> memref<1x512xf32, #tpu.memory_space<hbm>>
      %dma_wait3A_2604 = tpu.memref_squeeze %dma_wait3A_2603 : memref<1x512xf32, #tpu.memory_space<hbm>> -> memref<512xf32, #tpu.memory_space<hbm>>
      %dma_wait3A_2605 = tpu.memref_slice %arg4[%run_scoped3A_647, %mul3A_2] : memref<8x16384xf32, #tpu.memory_space<hbm>> -> memref<1x512xf32, #tpu.memory_space<hbm>>
      %dma_wait3A_2606 = tpu.memref_squeeze %dma_wait3A_2605 : memref<1x512xf32, #tpu.memory_space<hbm>> -> memref<512xf32, #tpu.memory_space<hbm>>
      tpu.wait_dma2 semaphore(%run_scoped3A_2598 : memref<!tpu.dma_semaphore, #tpu.memory_space<semaphore_mem>>) src(%arg7 : memref<512xf32, #tpu.memory_space<vmem>>) dst(%dma_wait3A_2606 : memref<512xf32, #tpu.memory_space<hbm>>)
      tpu.yield
    }) : () -> ()
    %get3A_648 = arith.constant 0 : index
    %get3A_649 = tpu.vector_load %arg5[%get3A_648] {strides = array<i32>} : memref<512xi32, #tpu.memory_space<vmem>>, vector<16xi32>,
    %get3A_650 = vector.shape_cast %get3A_649 : vector<16xi32> to vector<16xi32>
    %add3A_651 = arith.constant 2000 : i32
    %add3A_652 = vector.broadcast %add3A_651 : i32 to vector<16xi32>
    %add3A_653 = arith.addi %get3A_650, %add3A_652 : vector<16xi32>
    %swap3A_654 = arith.constant 0 : index
    %swap3A_655 = tpu.vector_load %arg6[%swap3A_654] {strides = array<i32>} : memref<512xi32, #tpu.memory_space<vmem>>, vector<16xi32>,
    %swap3A_656 = vector.shape_cast %swap3A_655 : vector<16xi32> to vector<16xi32>
    %swap3A_657 = vector.shape_cast %add3A_653 : vector<16xi32> to vector<16xi32>
    tpu.vector_store %arg6[%swap3A_654], %swap3A_657 {strides = array<i32>} : memref<512xi32, #tpu.memory_space<vmem>>, vector<16xi32>,
    %get3A_658 = arith.constant 16 : index
    %get3A_659 = tpu.vector_load %arg5[%get3A_658] {strides = array<i32>} : memref<512xi32, #tpu.memory_space<vmem>>, vector<16xi32>,
    %get3A_660 = vector.shape_cast %get3A_659 : vector<16xi32> to vector<16xi32>
    %add3A_661 = arith.constant 2000 : i32
    %add3A_662 = vector.broadcast %add3A_661 : i32 to vector<16xi32>
    %add3A_663 = arith.addi %get3A_660, %add3A_662 : vector<16xi32>
    %swap3A_664 = arith.constant 16 : index
    %swap3A_665 = tpu.vector_load %arg6[%swap3A_664] {strides = array<i32>} : memref<512xi32, #tpu.memory_space<vmem>>, vector<16xi32>,
    %swap3A_666 = vector.shape_cast %swap3A_665 : vector<16xi32> to vector<16xi32>
    %swap3A_667 = vector.shape_cast %add3A_663 : vector<16xi32> to vector<16xi32>
    tpu.vector_store %arg6[%swap3A_664], %swap3A_667 {strides = array<i32>} : memref<512xi32, #tpu.memory_space<vmem>>, vector<16xi32>,
    %get3A_668 = arith.constant 32 : index
    %get3A_669 = tpu.vector_load %arg5[%get3A_668] {strides = array<i32>} : memref<512xi32, #tpu.memory_space<vmem>>, vector<16xi32>,
    %get3A_670 = vector.shape_cast %get3A_669 : vector<16xi32> to vector<16xi32>
    %add3A_671 = arith.constant 2000 : i32
    %add3A_672 = vector.broadcast %add3A_671 : i32 to vector<16xi32>
    %add3A_673 = arith.addi %get3A_670, %add3A_672 : vector<16xi32>
    %swap3A_674 = arith.constant 32 : index
    %swap3A_675 = tpu.vector_load %arg6[%swap3A_674] {strides = array<i32>} : memref<512xi32, #tpu.memory_space<vmem>>, vector<16xi32>,
    %swap3A_676 = vector.shape_cast %swap3A_675 : vector<16xi32> to vector<16xi32>
    %swap3A_677 = vector.shape_cast %add3A_673 : vector<16xi32> to vector<16xi32>
    tpu.vector_store %arg6[%swap3A_674], %swap3A_677 {strides = array<i32>} : memref<512xi32, #tpu.memory_space<vmem>>, vector<16xi32>,
    %get3A_678 = arith.constant 48 : index
    %get3A_679 = tpu.vector_load %arg5[%get3A_678] {strides = array<i32>} : memref<512xi32, #tpu.memory_space<vmem>>, vector<16xi32>,
    %get3A_680 = vector.shape_cast %get3A_679 : vector<16xi32> to vector<16xi32>
    %add3A_681 = arith.constant 2000 : i32
    %add3A_682 = vector.broadcast %add3A_681 : i32 to vector<16xi32>
    %add3A_683 = arith.addi %get3A_680, %add3A_682 : vector<16xi32>
    %swap3A_684 = arith.constant 48 : index
    %swap3A_685 = tpu.vector_load %arg6[%swap3A_684] {strides = array<i32>} : memref<512xi32, #tpu.memory_space<vmem>>, vector<16xi32>,
    %swap3A_686 = vector.shape_cast %swap3A_685 : vector<16xi32> to vector<16xi32>
    %swap3A_687 = vector.shape_cast %add3A_683 : vector<16xi32> to vector<16xi32>
    tpu.vector_store %arg6[%swap3A_684], %swap3A_687 {strides = array<i32>} : memref<512xi32, #tpu.memory_space<vmem>>, vector<16xi32>,
    %get3A_688 = arith.constant 64 : index
    %get3A_689 = tpu.vector_load %arg5[%get3A_688] {strides = array<i32>} : memref<512xi32, #tpu.memory_space<vmem>>, vector<16xi32>,
    %get3A_690 = vector.shape_cast %get3A_689 : vector<16xi32> to vector<16xi32>
    %add3A_691 = arith.constant 2000 : i32
    %add3A_692 = vector.broadcast %add3A_691 : i32 to vector<16xi32>
    %add3A_693 = arith.addi %get3A_690, %add3A_692 : vector<16xi32>
    %swap3A_694 = arith.constant 64 : index
    %swap3A_695 = tpu.vector_load %arg6[%swap3A_694] {strides = array<i32>} : memref<512xi32, #tpu.memory_space<vmem>>, vector<16xi32>,
    %swap3A_696 = vector.shape_cast %swap3A_695 : vector<16xi32> to vector<16xi32>
    %swap3A_697 = vector.shape_cast %add3A_693 : vector<16xi32> to vector<16xi32>
    tpu.vector_store %arg6[%swap3A_694], %swap3A_697 {strides = array<i32>} : memref<512xi32, #tpu.memory_space<vmem>>, vector<16xi32>,
    %get3A_698 = arith.constant 80 : index
    %get3A_699 = tpu.vector_load %arg5[%get3A_698] {strides = array<i32>} : memref<512xi32, #tpu.memory_space<vmem>>, vector<16xi32>,
    %get3A_700 = vector.shape_cast %get3A_699 : vector<16xi32> to vector<16xi32>
    %add3A_701 = arith.constant 2000 : i32
    %add3A_702 = vector.broadcast %add3A_701 : i32 to vector<16xi32>
    %add3A_703 = arith.addi %get3A_700, %add3A_702 : vector<16xi32>
    %swap3A_704 = arith.constant 80 : index
    %swap3A_705 = tpu.vector_load %arg6[%swap3A_704] {strides = array<i32>} : memref<512xi32, #tpu.memory_space<vmem>>, vector<16xi32>,
    %swap3A_706 = vector.shape_cast %swap3A_705 : vector<16xi32> to vector<16xi32>
    %swap3A_707 = vector.shape_cast %add3A_703 : vector<16xi32> to vector<16xi32>
    tpu.vector_store %arg6[%swap3A_704], %swap3A_707 {strides = array<i32>} : memref<512xi32, #tpu.memory_space<vmem>>, vector<16xi32>,
    %get3A_708 = arith.constant 96 : index
    %get3A_709 = tpu.vector_load %arg5[%get3A_708] {strides = array<i32>} : memref<512xi32, #tpu.memory_space<vmem>>, vector<16xi32>,
    %get3A_710 = vector.shape_cast %get3A_709 : vector<16xi32> to vector<16xi32>
    %add3A_711 = arith.constant 2000 : i32
    %add3A_712 = vector.broadcast %add3A_711 : i32 to vector<16xi32>
    %add3A_713 = arith.addi %get3A_710, %add3A_712 : vector<16xi32>
    %swap3A_714 = arith.constant 96 : index
    %swap3A_715 = tpu.vector_load %arg6[%swap3A_714] {strides = array<i32>} : memref<512xi32, #tpu.memory_space<vmem>>, vector<16xi32>,
    %swap3A_716 = vector.shape_cast %swap3A_715 : vector<16xi32> to vector<16xi32>
    %swap3A_717 = vector.shape_cast %add3A_713 : vector<16xi32> to vector<16xi32>
    tpu.vector_store %arg6[%swap3A_714], %swap3A_717 {strides = array<i32>} : memref<512xi32, #tpu.memory_space<vmem>>, vector<16xi32>,
    %get3A_718 = arith.constant 112 : index
    %get3A_719 = tpu.vector_load %arg5[%get3A_718] {strides = array<i32>} : memref<512xi32, #tpu.memory_space<vmem>>, vector<16xi32>,
    %get3A_720 = vector.shape_cast %get3A_719 : vector<16xi32> to vector<16xi32>
    %add3A_721 = arith.constant 2000 : i32
    %add3A_722 = vector.broadcast %add3A_721 : i32 to vector<16xi32>
    %add3A_723 = arith.addi %get3A_720, %add3A_722 : vector<16xi32>
    %swap3A_724 = arith.constant 112 : index
    %swap3A_725 = tpu.vector_load %arg6[%swap3A_724] {strides = array<i32>} : memref<512xi32, #tpu.memory_space<vmem>>, vector<16xi32>,
    %swap3A_726 = vector.shape_cast %swap3A_725 : vector<16xi32> to vector<16xi32>
    %swap3A_727 = vector.shape_cast %add3A_723 : vector<16xi32> to vector<16xi32>
    tpu.vector_store %arg6[%swap3A_724], %swap3A_727 {strides = array<i32>} : memref<512xi32, #tpu.memory_space<vmem>>, vector<16xi32>,
    %get3A_728 = arith.constant 128 : index
    %get3A_729 = tpu.vector_load %arg5[%get3A_728] {strides = array<i32>} : memref<512xi32, #tpu.memory_space<vmem>>, vector<16xi32>,
    %get3A_730 = vector.shape_cast %get3A_729 : vector<16xi32> to vector<16xi32>
    %add3A_731 = arith.constant 2000 : i32
    %add3A_732 = vector.broadcast %add3A_731 : i32 to vector<16xi32>
    %add3A_733 = arith.addi %get3A_730, %add3A_732 : vector<16xi32>
    %swap3A_734 = arith.constant 128 : index
    %swap3A_735 = tpu.vector_load %arg6[%swap3A_734] {strides = array<i32>} : memref<512xi32, #tpu.memory_space<vmem>>, vector<16xi32>,
    %swap3A_736 = vector.shape_cast %swap3A_735 : vector<16xi32> to vector<16xi32>
    %swap3A_737 = vector.shape_cast %add3A_733 : vector<16xi32> to vector<16xi32>
    tpu.vector_store %arg6[%swap3A_734], %swap3A_737 {strides = array<i32>} : memref<512xi32, #tpu.memory_space<vmem>>, vector<16xi32>,
    %get3A_738 = arith.constant 144 : index
    %get3A_739 = tpu.vector_load %arg5[%get3A_738] {strides = array<i32>} : memref<512xi32, #tpu.memory_space<vmem>>, vector<16xi32>,
    %get3A_740 = vector.shape_cast %get3A_739 : vector<16xi32> to vector<16xi32>
    %add3A_741 = arith.constant 2000 : i32
    %add3A_742 = vector.broadcast %add3A_741 : i32 to vector<16xi32>
    %add3A_743 = arith.addi %get3A_740, %add3A_742 : vector<16xi32>
    %swap3A_744 = arith.constant 144 : index
    %swap3A_745 = tpu.vector_load %arg6[%swap3A_744] {strides = array<i32>} : memref<512xi32, #tpu.memory_space<vmem>>, vector<16xi32>,
    %swap3A_746 = vector.shape_cast %swap3A_745 : vector<16xi32> to vector<16xi32>
    %swap3A_747 = vector.shape_cast %add3A_743 : vector<16xi32> to vector<16xi32>
    tpu.vector_store %arg6[%swap3A_744], %swap3A_747 {strides = array<i32>} : memref<512xi32, #tpu.memory_space<vmem>>, vector<16xi32>,
    %get3A_748 = arith.constant 160 : index
    %get3A_749 = tpu.vector_load %arg5[%get3A_748] {strides = array<i32>} : memref<512xi32, #tpu.memory_space<vmem>>, vector<16xi32>,
    %get3A_750 = vector.shape_cast %get3A_749 : vector<16xi32> to vector<16xi32>
    %add3A_751 = arith.constant 2000 : i32
    %add3A_752 = vector.broadcast %add3A_751 : i32 to vector<16xi32>
    %add3A_753 = arith.addi %get3A_750, %add3A_752 : vector<16xi32>
    %swap3A_754 = arith.constant 160 : index
    %swap3A_755 = tpu.vector_load %arg6[%swap3A_754] {strides = array<i32>} : memref<512xi32, #tpu.memory_space<vmem>>, vector<16xi32>,
    %swap3A_756 = vector.shape_cast %swap3A_755 : vector<16xi32> to vector<16xi32>
    %swap3A_757 = vector.shape_cast %add3A_753 : vector<16xi32> to vector<16xi32>
    tpu.vector_store %arg6[%swap3A_754], %swap3A_757 {strides = array<i32>} : memref<512xi32, #tpu.memory_space<vmem>>, vector<16xi32>,
    %get3A_758 = arith.constant 176 : index
    %get3A_759 = tpu.vector_load %arg5[%get3A_758] {strides = array<i32>} : memref<512xi32, #tpu.memory_space<vmem>>, vector<16xi32>,
    %get3A_760 = vector.shape_cast %get3A_759 : vector<16xi32> to vector<16xi32>
    %add3A_761 = arith.constant 2000 : i32
    %add3A_762 = vector.broadcast %add3A_761 : i32 to vector<16xi32>
    %add3A_763 = arith.addi %get3A_760, %add3A_762 : vector<16xi32>
    %swap3A_764 = arith.constant 176 : index
    %swap3A_765 = tpu.vector_load %arg6[%swap3A_764] {strides = array<i32>} : memref<512xi32, #tpu.memory_space<vmem>>, vector<16xi32>,
    %swap3A_766 = vector.shape_cast %swap3A_765 : vector<16xi32> to vector<16xi32>
    %swap3A_767 = vector.shape_cast %add3A_763 : vector<16xi32> to vector<16xi32>
    tpu.vector_store %arg6[%swap3A_764], %swap3A_767 {strides = array<i32>} : memref<512xi32, #tpu.memory_space<vmem>>, vector<16xi32>,
    %get3A_768 = arith.constant 192 : index
    %get3A_769 = tpu.vector_load %arg5[%get3A_768] {strides = array<i32>} : memref<512xi32, #tpu.memory_space<vmem>>, vector<16xi32>,
    %get3A_770 = vector.shape_cast %get3A_769 : vector<16xi32> to vector<16xi32>
    %add3A_771 = arith.constant 2000 : i32
    %add3A_772 = vector.broadcast %add3A_771 : i32 to vector<16xi32>
    %add3A_773 = arith.addi %get3A_770, %add3A_772 : vector<16xi32>
    %swap3A_774 = arith.constant 192 : index
    %swap3A_775 = tpu.vector_load %arg6[%swap3A_774] {strides = array<i32>} : memref<512xi32, #tpu.memory_space<vmem>>, vector<16xi32>,
    %swap3A_776 = vector.shape_cast %swap3A_775 : vector<16xi32> to vector<16xi32>
    %swap3A_777 = vector.shape_cast %add3A_773 : vector<16xi32> to vector<16xi32>
    tpu.vector_store %arg6[%swap3A_774], %swap3A_777 {strides = array<i32>} : memref<512xi32, #tpu.memory_space<vmem>>, vector<16xi32>,
    %get3A_778 = arith.constant 208 : index
    %get3A_779 = tpu.vector_load %arg5[%get3A_778] {strides = array<i32>} : memref<512xi32, #tpu.memory_space<vmem>>, vector<16xi32>,
    %get3A_780 = vector.shape_cast %get3A_779 : vector<16xi32> to vector<16xi32>
    %add3A_781 = arith.constant 2000 : i32
    %add3A_782 = vector.broadcast %add3A_781 : i32 to vector<16xi32>
    %add3A_783 = arith.addi %get3A_780, %add3A_782 : vector<16xi32>
    %swap3A_784 = arith.constant 208 : index
    %swap3A_785 = tpu.vector_load %arg6[%swap3A_784] {strides = array<i32>} : memref<512xi32, #tpu.memory_space<vmem>>, vector<16xi32>,
    %swap3A_786 = vector.shape_cast %swap3A_785 : vector<16xi32> to vector<16xi32>
    %swap3A_787 = vector.shape_cast %add3A_783 : vector<16xi32> to vector<16xi32>
    tpu.vector_store %arg6[%swap3A_784], %swap3A_787 {strides = array<i32>} : memref<512xi32, #tpu.memory_space<vmem>>, vector<16xi32>,
    %get3A_788 = arith.constant 224 : index
    %get3A_789 = tpu.vector_load %arg5[%get3A_788] {strides = array<i32>} : memref<512xi32, #tpu.memory_space<vmem>>, vector<16xi32>,
    %get3A_790 = vector.shape_cast %get3A_789 : vector<16xi32> to vector<16xi32>
    %add3A_791 = arith.constant 2000 : i32
    %add3A_792 = vector.broadcast %add3A_791 : i32 to vector<16xi32>
    %add3A_793 = arith.addi %get3A_790, %add3A_792 : vector<16xi32>
    %swap3A_794 = arith.constant 224 : index
    %swap3A_795 = tpu.vector_load %arg6[%swap3A_794] {strides = array<i32>} : memref<512xi32, #tpu.memory_space<vmem>>, vector<16xi32>,
    %swap3A_796 = vector.shape_cast %swap3A_795 : vector<16xi32> to vector<16xi32>
    %swap3A_797 = vector.shape_cast %add3A_793 : vector<16xi32> to vector<16xi32>
    tpu.vector_store %arg6[%swap3A_794], %swap3A_797 {strides = array<i32>} : memref<512xi32, #tpu.memory_space<vmem>>, vector<16xi32>,
    %get3A_798 = arith.constant 240 : index
    %get3A_799 = tpu.vector_load %arg5[%get3A_798] {strides = array<i32>} : memref<512xi32, #tpu.memory_space<vmem>>, vector<16xi32>,
    %get3A_800 = vector.shape_cast %get3A_799 : vector<16xi32> to vector<16xi32>
    %add3A_801 = arith.constant 2000 : i32
    %add3A_802 = vector.broadcast %add3A_801 : i32 to vector<16xi32>
    %add3A_803 = arith.addi %get3A_800, %add3A_802 : vector<16xi32>
    %swap3A_804 = arith.constant 240 : index
    %swap3A_805 = tpu.vector_load %arg6[%swap3A_804] {strides = array<i32>} : memref<512xi32, #tpu.memory_space<vmem>>, vector<16xi32>,
    %swap3A_806 = vector.shape_cast %swap3A_805 : vector<16xi32> to vector<16xi32>
    %swap3A_807 = vector.shape_cast %add3A_803 : vector<16xi32> to vector<16xi32>
    tpu.vector_store %arg6[%swap3A_804], %swap3A_807 {strides = array<i32>} : memref<512xi32, #tpu.memory_space<vmem>>, vector<16xi32>,
    %get3A_808 = arith.constant 256 : index
    %get3A_809 = tpu.vector_load %arg5[%get3A_808] {strides = array<i32>} : memref<512xi32, #tpu.memory_space<vmem>>, vector<16xi32>,
    %get3A_810 = vector.shape_cast %get3A_809 : vector<16xi32> to vector<16xi32>
    %add3A_811 = arith.constant 2000 : i32
    %add3A_812 = vector.broadcast %add3A_811 : i32 to vector<16xi32>
    %add3A_813 = arith.addi %get3A_810, %add3A_812 : vector<16xi32>
    %swap3A_814 = arith.constant 256 : index
    %swap3A_815 = tpu.vector_load %arg6[%swap3A_814] {strides = array<i32>} : memref<512xi32, #tpu.memory_space<vmem>>, vector<16xi32>,
    %swap3A_816 = vector.shape_cast %swap3A_815 : vector<16xi32> to vector<16xi32>
    %swap3A_817 = vector.shape_cast %add3A_813 : vector<16xi32> to vector<16xi32>
    tpu.vector_store %arg6[%swap3A_814], %swap3A_817 {strides = array<i32>} : memref<512xi32, #tpu.memory_space<vmem>>, vector<16xi32>,
    %get3A_818 = arith.constant 272 : index
    %get3A_819 = tpu.vector_load %arg5[%get3A_818] {strides = array<i32>} : memref<512xi32, #tpu.memory_space<vmem>>, vector<16xi32>,
    %get3A_820 = vector.shape_cast %get3A_819 : vector<16xi32> to vector<16xi32>
    %add3A_821 = arith.constant 2000 : i32
    %add3A_822 = vector.broadcast %add3A_821 : i32 to vector<16xi32>
    %add3A_823 = arith.addi %get3A_820, %add3A_822 : vector<16xi32>
    %swap3A_824 = arith.constant 272 : index
    %swap3A_825 = tpu.vector_load %arg6[%swap3A_824] {strides = array<i32>} : memref<512xi32, #tpu.memory_space<vmem>>, vector<16xi32>,
    %swap3A_826 = vector.shape_cast %swap3A_825 : vector<16xi32> to vector<16xi32>
    %swap3A_827 = vector.shape_cast %add3A_823 : vector<16xi32> to vector<16xi32>
    tpu.vector_store %arg6[%swap3A_824], %swap3A_827 {strides = array<i32>} : memref<512xi32, #tpu.memory_space<vmem>>, vector<16xi32>,
    %get3A_828 = arith.constant 288 : index
    %get3A_829 = tpu.vector_load %arg5[%get3A_828] {strides = array<i32>} : memref<512xi32, #tpu.memory_space<vmem>>, vector<16xi32>,
    %get3A_830 = vector.shape_cast %get3A_829 : vector<16xi32> to vector<16xi32>
    %add3A_831 = arith.constant 2000 : i32
    %add3A_832 = vector.broadcast %add3A_831 : i32 to vector<16xi32>
    %add3A_833 = arith.addi %get3A_830, %add3A_832 : vector<16xi32>
    %swap3A_834 = arith.constant 288 : index
    %swap3A_835 = tpu.vector_load %arg6[%swap3A_834] {strides = array<i32>} : memref<512xi32, #tpu.memory_space<vmem>>, vector<16xi32>,
    %swap3A_836 = vector.shape_cast %swap3A_835 : vector<16xi32> to vector<16xi32>
    %swap3A_837 = vector.shape_cast %add3A_833 : vector<16xi32> to vector<16xi32>
    tpu.vector_store %arg6[%swap3A_834], %swap3A_837 {strides = array<i32>} : memref<512xi32, #tpu.memory_space<vmem>>, vector<16xi32>,
    %get3A_838 = arith.constant 304 : index
    %get3A_839 = tpu.vector_load %arg5[%get3A_838] {strides = array<i32>} : memref<512xi32, #tpu.memory_space<vmem>>, vector<16xi32>,
    %get3A_840 = vector.shape_cast %get3A_839 : vector<16xi32> to vector<16xi32>
    %add3A_841 = arith.constant 2000 : i32
    %add3A_842 = vector.broadcast %add3A_841 : i32 to vector<16xi32>
    %add3A_843 = arith.addi %get3A_840, %add3A_842 : vector<16xi32>
    %swap3A_844 = arith.constant 304 : index
    %swap3A_845 = tpu.vector_load %arg6[%swap3A_844] {strides = array<i32>} : memref<512xi32, #tpu.memory_space<vmem>>, vector<16xi32>,
    %swap3A_846 = vector.shape_cast %swap3A_845 : vector<16xi32> to vector<16xi32>
    %swap3A_847 = vector.shape_cast %add3A_843 : vector<16xi32> to vector<16xi32>
    tpu.vector_store %arg6[%swap3A_844], %swap3A_847 {strides = array<i32>} : memref<512xi32, #tpu.memory_space<vmem>>, vector<16xi32>,
    %get3A_848 = arith.constant 320 : index
    %get3A_849 = tpu.vector_load %arg5[%get3A_848] {strides = array<i32>} : memref<512xi32, #tpu.memory_space<vmem>>, vector<16xi32>,
    %get3A_850 = vector.shape_cast %get3A_849 : vector<16xi32> to vector<16xi32>
    %add3A_851 = arith.constant 2000 : i32
    %add3A_852 = vector.broadcast %add3A_851 : i32 to vector<16xi32>
    %add3A_853 = arith.addi %get3A_850, %add3A_852 : vector<16xi32>
    %swap3A_854 = arith.constant 320 : index
    %swap3A_855 = tpu.vector_load %arg6[%swap3A_854] {strides = array<i32>} : memref<512xi32, #tpu.memory_space<vmem>>, vector<16xi32>,
    %swap3A_856 = vector.shape_cast %swap3A_855 : vector<16xi32> to vector<16xi32>
    %swap3A_857 = vector.shape_cast %add3A_853 : vector<16xi32> to vector<16xi32>
    tpu.vector_store %arg6[%swap3A_854], %swap3A_857 {strides = array<i32>} : memref<512xi32, #tpu.memory_space<vmem>>, vector<16xi32>,
    %get3A_858 = arith.constant 336 : index
    %get3A_859 = tpu.vector_load %arg5[%get3A_858] {strides = array<i32>} : memref<512xi32, #tpu.memory_space<vmem>>, vector<16xi32>,
    %get3A_860 = vector.shape_cast %get3A_859 : vector<16xi32> to vector<16xi32>
    %add3A_861 = arith.constant 2000 : i32
    %add3A_862 = vector.broadcast %add3A_861 : i32 to vector<16xi32>
    %add3A_863 = arith.addi %get3A_860, %add3A_862 : vector<16xi32>
    %swap3A_864 = arith.constant 336 : index
    %swap3A_865 = tpu.vector_load %arg6[%swap3A_864] {strides = array<i32>} : memref<512xi32, #tpu.memory_space<vmem>>, vector<16xi32>,
    %swap3A_866 = vector.shape_cast %swap3A_865 : vector<16xi32> to vector<16xi32>
    %swap3A_867 = vector.shape_cast %add3A_863 : vector<16xi32> to vector<16xi32>
    tpu.vector_store %arg6[%swap3A_864], %swap3A_867 {strides = array<i32>} : memref<512xi32, #tpu.memory_space<vmem>>, vector<16xi32>,
    %get3A_868 = arith.constant 352 : index
    %get3A_869 = tpu.vector_load %arg5[%get3A_868] {strides = array<i32>} : memref<512xi32, #tpu.memory_space<vmem>>, vector<16xi32>,
    %get3A_870 = vector.shape_cast %get3A_869 : vector<16xi32> to vector<16xi32>
    %add3A_871 = arith.constant 2000 : i32
    %add3A_872 = vector.broadcast %add3A_871 : i32 to vector<16xi32>
    %add3A_873 = arith.addi %get3A_870, %add3A_872 : vector<16xi32>
    %swap3A_874 = arith.constant 352 : index
    %swap3A_875 = tpu.vector_load %arg6[%swap3A_874] {strides = array<i32>} : memref<512xi32, #tpu.memory_space<vmem>>, vector<16xi32>,
    %swap3A_876 = vector.shape_cast %swap3A_875 : vector<16xi32> to vector<16xi32>
    %swap3A_877 = vector.shape_cast %add3A_873 : vector<16xi32> to vector<16xi32>
    tpu.vector_store %arg6[%swap3A_874], %swap3A_877 {strides = array<i32>} : memref<512xi32, #tpu.memory_space<vmem>>, vector<16xi32>,
    %get3A_878 = arith.constant 368 : index
    %get3A_879 = tpu.vector_load %arg5[%get3A_878] {strides = array<i32>} : memref<512xi32, #tpu.memory_space<vmem>>, vector<16xi32>,
    %get3A_880 = vector.shape_cast %get3A_879 : vector<16xi32> to vector<16xi32>
    %add3A_881 = arith.constant 2000 : i32
    %add3A_882 = vector.broadcast %add3A_881 : i32 to vector<16xi32>
    %add3A_883 = arith.addi %get3A_880, %add3A_882 : vector<16xi32>
    %swap3A_884 = arith.constant 368 : index
    %swap3A_885 = tpu.vector_load %arg6[%swap3A_884] {strides = array<i32>} : memref<512xi32, #tpu.memory_space<vmem>>, vector<16xi32>,
    %swap3A_886 = vector.shape_cast %swap3A_885 : vector<16xi32> to vector<16xi32>
    %swap3A_887 = vector.shape_cast %add3A_883 : vector<16xi32> to vector<16xi32>
    tpu.vector_store %arg6[%swap3A_884], %swap3A_887 {strides = array<i32>} : memref<512xi32, #tpu.memory_space<vmem>>, vector<16xi32>,
    %get3A_888 = arith.constant 384 : index
    %get3A_889 = tpu.vector_load %arg5[%get3A_888] {strides = array<i32>} : memref<512xi32, #tpu.memory_space<vmem>>, vector<16xi32>,
    %get3A_890 = vector.shape_cast %get3A_889 : vector<16xi32> to vector<16xi32>
    %add3A_891 = arith.constant 2000 : i32
    %add3A_892 = vector.broadcast %add3A_891 : i32 to vector<16xi32>
    %add3A_893 = arith.addi %get3A_890, %add3A_892 : vector<16xi32>
    %swap3A_894 = arith.constant 384 : index
    %swap3A_895 = tpu.vector_load %arg6[%swap3A_894] {strides = array<i32>} : memref<512xi32, #tpu.memory_space<vmem>>, vector<16xi32>,
    %swap3A_896 = vector.shape_cast %swap3A_895 : vector<16xi32> to vector<16xi32>
    %swap3A_897 = vector.shape_cast %add3A_893 : vector<16xi32> to vector<16xi32>
    tpu.vector_store %arg6[%swap3A_894], %swap3A_897 {strides = array<i32>} : memref<512xi32, #tpu.memory_space<vmem>>, vector<16xi32>,
    %get3A_898 = arith.constant 400 : index
    %get3A_899 = tpu.vector_load %arg5[%get3A_898] {strides = array<i32>} : memref<512xi32, #tpu.memory_space<vmem>>, vector<16xi32>,
    %get3A_900 = vector.shape_cast %get3A_899 : vector<16xi32> to vector<16xi32>
    %add3A_901 = arith.constant 2000 : i32
    %add3A_902 = vector.broadcast %add3A_901 : i32 to vector<16xi32>
    %add3A_903 = arith.addi %get3A_900, %add3A_902 : vector<16xi32>
    %swap3A_904 = arith.constant 400 : index
    %swap3A_905 = tpu.vector_load %arg6[%swap3A_904] {strides = array<i32>} : memref<512xi32, #tpu.memory_space<vmem>>, vector<16xi32>,
    %swap3A_906 = vector.shape_cast %swap3A_905 : vector<16xi32> to vector<16xi32>
    %swap3A_907 = vector.shape_cast %add3A_903 : vector<16xi32> to vector<16xi32>
    tpu.vector_store %arg6[%swap3A_904], %swap3A_907 {strides = array<i32>} : memref<512xi32, #tpu.memory_space<vmem>>, vector<16xi32>,
    %get3A_908 = arith.constant 416 : index
    %get3A_909 = tpu.vector_load %arg5[%get3A_908] {strides = array<i32>} : memref<512xi32, #tpu.memory_space<vmem>>, vector<16xi32>,
    %get3A_910 = vector.shape_cast %get3A_909 : vector<16xi32> to vector<16xi32>
    %add3A_911 = arith.constant 2000 : i32
    %add3A_912 = vector.broadcast %add3A_911 : i32 to vector<16xi32>
    %add3A_913 = arith.addi %get3A_910, %add3A_912 : vector<16xi32>
    %swap3A_914 = arith.constant 416 : index
    %swap3A_915 = tpu.vector_load %arg6[%swap3A_914] {strides = array<i32>} : memref<512xi32, #tpu.memory_space<vmem>>, vector<16xi32>,
    %swap3A_916 = vector.shape_cast %swap3A_915 : vector<16xi32> to vector<16xi32>
    %swap3A_917 = vector.shape_cast %add3A_913 : vector<16xi32> to vector<16xi32>
    tpu.vector_store %arg6[%swap3A_914], %swap3A_917 {strides = array<i32>} : memref<512xi32, #tpu.memory_space<vmem>>, vector<16xi32>,
    %get3A_918 = arith.constant 432 : index
    %get3A_919 = tpu.vector_load %arg5[%get3A_918] {strides = array<i32>} : memref<512xi32, #tpu.memory_space<vmem>>, vector<16xi32>,
    %get3A_920 = vector.shape_cast %get3A_919 : vector<16xi32> to vector<16xi32>
    %add3A_921 = arith.constant 2000 : i32
    %add3A_922 = vector.broadcast %add3A_921 : i32 to vector<16xi32>
    %add3A_923 = arith.addi %get3A_920, %add3A_922 : vector<16xi32>
    %swap3A_924 = arith.constant 432 : index
    %swap3A_925 = tpu.vector_load %arg6[%swap3A_924] {strides = array<i32>} : memref<512xi32, #tpu.memory_space<vmem>>, vector<16xi32>,
    %swap3A_926 = vector.shape_cast %swap3A_925 : vector<16xi32> to vector<16xi32>
    %swap3A_927 = vector.shape_cast %add3A_923 : vector<16xi32> to vector<16xi32>
    tpu.vector_store %arg6[%swap3A_924], %swap3A_927 {strides = array<i32>} : memref<512xi32, #tpu.memory_space<vmem>>, vector<16xi32>,
    %get3A_928 = arith.constant 448 : index
    %get3A_929 = tpu.vector_load %arg5[%get3A_928] {strides = array<i32>} : memref<512xi32, #tpu.memory_space<vmem>>, vector<16xi32>,
    %get3A_930 = vector.shape_cast %get3A_929 : vector<16xi32> to vector<16xi32>
    %add3A_931 = arith.constant 2000 : i32
    %add3A_932 = vector.broadcast %add3A_931 : i32 to vector<16xi32>
    %add3A_933 = arith.addi %get3A_930, %add3A_932 : vector<16xi32>
    %swap3A_934 = arith.constant 448 : index
    %swap3A_935 = tpu.vector_load %arg6[%swap3A_934] {strides = array<i32>} : memref<512xi32, #tpu.memory_space<vmem>>, vector<16xi32>,
    %swap3A_936 = vector.shape_cast %swap3A_935 : vector<16xi32> to vector<16xi32>
    %swap3A_937 = vector.shape_cast %add3A_933 : vector<16xi32> to vector<16xi32>
    tpu.vector_store %arg6[%swap3A_934], %swap3A_937 {strides = array<i32>} : memref<512xi32, #tpu.memory_space<vmem>>, vector<16xi32>,
    %get3A_938 = arith.constant 464 : index
    %get3A_939 = tpu.vector_load %arg5[%get3A_938] {strides = array<i32>} : memref<512xi32, #tpu.memory_space<vmem>>, vector<16xi32>,
    %get3A_940 = vector.shape_cast %get3A_939 : vector<16xi32> to vector<16xi32>
    %add3A_941 = arith.constant 2000 : i32
    %add3A_942 = vector.broadcast %add3A_941 : i32 to vector<16xi32>
    %add3A_943 = arith.addi %get3A_940, %add3A_942 : vector<16xi32>
    %swap3A_944 = arith.constant 464 : index
    %swap3A_945 = tpu.vector_load %arg6[%swap3A_944] {strides = array<i32>} : memref<512xi32, #tpu.memory_space<vmem>>, vector<16xi32>,
    %swap3A_946 = vector.shape_cast %swap3A_945 : vector<16xi32> to vector<16xi32>
    %swap3A_947 = vector.shape_cast %add3A_943 : vector<16xi32> to vector<16xi32>
    tpu.vector_store %arg6[%swap3A_944], %swap3A_947 {strides = array<i32>} : memref<512xi32, #tpu.memory_space<vmem>>, vector<16xi32>,
    %get3A_948 = arith.constant 480 : index
    %get3A_949 = tpu.vector_load %arg5[%get3A_948] {strides = array<i32>} : memref<512xi32, #tpu.memory_space<vmem>>, vector<16xi32>,
    %get3A_950 = vector.shape_cast %get3A_949 : vector<16xi32> to vector<16xi32>
    %add3A_951 = arith.constant 2000 : i32
    %add3A_952 = vector.broadcast %add3A_951 : i32 to vector<16xi32>
    %add3A_953 = arith.addi %get3A_950, %add3A_952 : vector<16xi32>
    %swap3A_954 = arith.constant 480 : index
    %swap3A_955 = tpu.vector_load %arg6[%swap3A_954] {strides = array<i32>} : memref<512xi32, #tpu.memory_space<vmem>>, vector<16xi32>,
    %swap3A_956 = vector.shape_cast %swap3A_955 : vector<16xi32> to vector<16xi32>
    %swap3A_957 = vector.shape_cast %add3A_953 : vector<16xi32> to vector<16xi32>
    tpu.vector_store %arg6[%swap3A_954], %swap3A_957 {strides = array<i32>} : memref<512xi32, #tpu.memory_space<vmem>>, vector<16xi32>,
    %get3A_958 = arith.constant 496 : index
    %get3A_959 = tpu.vector_load %arg5[%get3A_958] {strides = array<i32>} : memref<512xi32, #tpu.memory_space<vmem>>, vector<16xi32>,
    %get3A_960 = vector.shape_cast %get3A_959 : vector<16xi32> to vector<16xi32>
    %add3A_961 = arith.constant 2000 : i32
    %add3A_962 = vector.broadcast %add3A_961 : i32 to vector<16xi32>
    %add3A_963 = arith.addi %get3A_960, %add3A_962 : vector<16xi32>
    %swap3A_964 = arith.constant 496 : index
    %swap3A_965 = tpu.vector_load %arg6[%swap3A_964] {strides = array<i32>} : memref<512xi32, #tpu.memory_space<vmem>>, vector<16xi32>,
    %swap3A_966 = vector.shape_cast %swap3A_965 : vector<16xi32> to vector<16xi32>
    %swap3A_967 = vector.shape_cast %add3A_963 : vector<16xi32> to vector<16xi32>
    tpu.vector_store %arg6[%swap3A_964], %swap3A_967 {strides = array<i32>} : memref<512xi32, #tpu.memory_space<vmem>>, vector<16xi32>,
    %dma_start3A_968 = arith.constant 0 : i32
    %dma_start3A_969 = tpu.memref_slice %arg2[%dma_start3A_968] : memref<8000xf32, #tpu.memory_space<hbm>> -> memref<8000xf32, #tpu.memory_space<hbm>>
    tpu.enqueue_indirect_dma source(%dma_start3A_969 : memref<8000xf32, #tpu.memory_space<hbm>>) target(%arg7 : memref<512xf32, #tpu.memory_space<vmem>>) offsets(%arg6 : memref<512xi32, #tpu.memory_space<vmem>>) semaphore(%arg8 : memref<!tpu.dma_semaphore, #tpu.memory_space<semaphore_mem>>)
    %dma_wait3A_970 = arith.constant 0 : i32
    %dma_wait3A_971 = tpu.memref_slice %arg2[%dma_wait3A_970] : memref<8000xf32, #tpu.memory_space<hbm>> -> memref<8000xf32, #tpu.memory_space<hbm>>
    tpu.wait_indirect_dma semaphore(%arg8 : memref<!tpu.dma_semaphore, #tpu.memory_space<semaphore_mem>>) src(%dma_wait3A_971 : memref<8000xf32, #tpu.memory_space<hbm>>) dst(%arg7 : memref<512xf32, #tpu.memory_space<vmem>>)
    %run_scoped3A_972 = arith.constant 2 : i32
    "tpu.region"() ({
      %run_scoped3A_2598 = tpu.sem_alloc : memref<!tpu.dma_semaphore, #tpu.memory_space<semaphore_mem>>
      %dma_start3A_2599 = tpu.memref_slice %arg4[%run_scoped3A_972, %mul3A_2] : memref<8x16384xf32, #tpu.memory_space<hbm>> -> memref<1x512xf32, #tpu.memory_space<hbm>>
      %dma_start3A_2600 = tpu.memref_squeeze %dma_start3A_2599 : memref<1x512xf32, #tpu.memory_space<hbm>> -> memref<512xf32, #tpu.memory_space<hbm>>
      %dma_start3A_2601 = tpu.memref_slice %arg4[%run_scoped3A_972, %mul3A_2] : memref<8x16384xf32, #tpu.memory_space<hbm>> -> memref<1x512xf32, #tpu.memory_space<hbm>>
      %dma_start3A_2602 = tpu.memref_squeeze %dma_start3A_2601 : memref<1x512xf32, #tpu.memory_space<hbm>> -> memref<512xf32, #tpu.memory_space<hbm>>
      tpu.enqueue_dma source(%arg7 : memref<512xf32, #tpu.memory_space<vmem>>) target(%dma_start3A_2602 : memref<512xf32, #tpu.memory_space<hbm>>) target_semaphore(%run_scoped3A_2598 : memref<!tpu.dma_semaphore, #tpu.memory_space<semaphore_mem>>)
      %dma_wait3A_2603 = tpu.memref_slice %arg4[%run_scoped3A_972, %mul3A_2] : memref<8x16384xf32, #tpu.memory_space<hbm>> -> memref<1x512xf32, #tpu.memory_space<hbm>>
      %dma_wait3A_2604 = tpu.memref_squeeze %dma_wait3A_2603 : memref<1x512xf32, #tpu.memory_space<hbm>> -> memref<512xf32, #tpu.memory_space<hbm>>
      %dma_wait3A_2605 = tpu.memref_slice %arg4[%run_scoped3A_972, %mul3A_2] : memref<8x16384xf32, #tpu.memory_space<hbm>> -> memref<1x512xf32, #tpu.memory_space<hbm>>
      %dma_wait3A_2606 = tpu.memref_squeeze %dma_wait3A_2605 : memref<1x512xf32, #tpu.memory_space<hbm>> -> memref<512xf32, #tpu.memory_space<hbm>>
      tpu.wait_dma2 semaphore(%run_scoped3A_2598 : memref<!tpu.dma_semaphore, #tpu.memory_space<semaphore_mem>>) src(%arg7 : memref<512xf32, #tpu.memory_space<vmem>>) dst(%dma_wait3A_2606 : memref<512xf32, #tpu.memory_space<hbm>>)
      tpu.yield
    }) : () -> ()
    %get3A_973 = arith.constant 0 : index
    %get3A_974 = tpu.vector_load %arg5[%get3A_973] {strides = array<i32>} : memref<512xi32, #tpu.memory_space<vmem>>, vector<16xi32>,
    %get3A_975 = vector.shape_cast %get3A_974 : vector<16xi32> to vector<16xi32>
    %add3A_976 = arith.constant 3000 : i32
    %add3A_977 = vector.broadcast %add3A_976 : i32 to vector<16xi32>
    %add3A_978 = arith.addi %get3A_975, %add3A_977 : vector<16xi32>
    %swap3A_979 = arith.constant 0 : index
    %swap3A_980 = tpu.vector_load %arg6[%swap3A_979] {strides = array<i32>} : memref<512xi32, #tpu.memory_space<vmem>>, vector<16xi32>,
    %swap3A_981 = vector.shape_cast %swap3A_980 : vector<16xi32> to vector<16xi32>
    %swap3A_982 = vector.shape_cast %add3A_978 : vector<16xi32> to vector<16xi32>
    tpu.vector_store %arg6[%swap3A_979], %swap3A_982 {strides = array<i32>} : memref<512xi32, #tpu.memory_space<vmem>>, vector<16xi32>,
    %get3A_983 = arith.constant 16 : index
    %get3A_984 = tpu.vector_load %arg5[%get3A_983] {strides = array<i32>} : memref<512xi32, #tpu.memory_space<vmem>>, vector<16xi32>,
    %get3A_985 = vector.shape_cast %get3A_984 : vector<16xi32> to vector<16xi32>
    %add3A_986 = arith.constant 3000 : i32
    %add3A_987 = vector.broadcast %add3A_986 : i32 to vector<16xi32>
    %add3A_988 = arith.addi %get3A_985, %add3A_987 : vector<16xi32>
    %swap3A_989 = arith.constant 16 : index
    %swap3A_990 = tpu.vector_load %arg6[%swap3A_989] {strides = array<i32>} : memref<512xi32, #tpu.memory_space<vmem>>, vector<16xi32>,
    %swap3A_991 = vector.shape_cast %swap3A_990 : vector<16xi32> to vector<16xi32>
    %swap3A_992 = vector.shape_cast %add3A_988 : vector<16xi32> to vector<16xi32>
    tpu.vector_store %arg6[%swap3A_989], %swap3A_992 {strides = array<i32>} : memref<512xi32, #tpu.memory_space<vmem>>, vector<16xi32>,
    %get3A_993 = arith.constant 32 : index
    %get3A_994 = tpu.vector_load %arg5[%get3A_993] {strides = array<i32>} : memref<512xi32, #tpu.memory_space<vmem>>, vector<16xi32>,
    %get3A_995 = vector.shape_cast %get3A_994 : vector<16xi32> to vector<16xi32>
    %add3A_996 = arith.constant 3000 : i32
    %add3A_997 = vector.broadcast %add3A_996 : i32 to vector<16xi32>
    %add3A_998 = arith.addi %get3A_995, %add3A_997 : vector<16xi32>
    %swap3A_999 = arith.constant 32 : index
    %swap3A_1000 = tpu.vector_load %arg6[%swap3A_999] {strides = array<i32>} : memref<512xi32, #tpu.memory_space<vmem>>, vector<16xi32>,
    %swap3A_1001 = vector.shape_cast %swap3A_1000 : vector<16xi32> to vector<16xi32>
    %swap3A_1002 = vector.shape_cast %add3A_998 : vector<16xi32> to vector<16xi32>
    tpu.vector_store %arg6[%swap3A_999], %swap3A_1002 {strides = array<i32>} : memref<512xi32, #tpu.memory_space<vmem>>, vector<16xi32>,
    %get3A_1003 = arith.constant 48 : index
    %get3A_1004 = tpu.vector_load %arg5[%get3A_1003] {strides = array<i32>} : memref<512xi32, #tpu.memory_space<vmem>>, vector<16xi32>,
    %get3A_1005 = vector.shape_cast %get3A_1004 : vector<16xi32> to vector<16xi32>
    %add3A_1006 = arith.constant 3000 : i32
    %add3A_1007 = vector.broadcast %add3A_1006 : i32 to vector<16xi32>
    %add3A_1008 = arith.addi %get3A_1005, %add3A_1007 : vector<16xi32>
    %swap3A_1009 = arith.constant 48 : index
    %swap3A_1010 = tpu.vector_load %arg6[%swap3A_1009] {strides = array<i32>} : memref<512xi32, #tpu.memory_space<vmem>>, vector<16xi32>,
    %swap3A_1011 = vector.shape_cast %swap3A_1010 : vector<16xi32> to vector<16xi32>
    %swap3A_1012 = vector.shape_cast %add3A_1008 : vector<16xi32> to vector<16xi32>
    tpu.vector_store %arg6[%swap3A_1009], %swap3A_1012 {strides = array<i32>} : memref<512xi32, #tpu.memory_space<vmem>>, vector<16xi32>,
    %get3A_1013 = arith.constant 64 : index
    %get3A_1014 = tpu.vector_load %arg5[%get3A_1013] {strides = array<i32>} : memref<512xi32, #tpu.memory_space<vmem>>, vector<16xi32>,
    %get3A_1015 = vector.shape_cast %get3A_1014 : vector<16xi32> to vector<16xi32>
    %add3A_1016 = arith.constant 3000 : i32
    %add3A_1017 = vector.broadcast %add3A_1016 : i32 to vector<16xi32>
    %add3A_1018 = arith.addi %get3A_1015, %add3A_1017 : vector<16xi32>
    %swap3A_1019 = arith.constant 64 : index
    %swap3A_1020 = tpu.vector_load %arg6[%swap3A_1019] {strides = array<i32>} : memref<512xi32, #tpu.memory_space<vmem>>, vector<16xi32>,
    %swap3A_1021 = vector.shape_cast %swap3A_1020 : vector<16xi32> to vector<16xi32>
    %swap3A_1022 = vector.shape_cast %add3A_1018 : vector<16xi32> to vector<16xi32>
    tpu.vector_store %arg6[%swap3A_1019], %swap3A_1022 {strides = array<i32>} : memref<512xi32, #tpu.memory_space<vmem>>, vector<16xi32>,
    %get3A_1023 = arith.constant 80 : index
    %get3A_1024 = tpu.vector_load %arg5[%get3A_1023] {strides = array<i32>} : memref<512xi32, #tpu.memory_space<vmem>>, vector<16xi32>,
    %get3A_1025 = vector.shape_cast %get3A_1024 : vector<16xi32> to vector<16xi32>
    %add3A_1026 = arith.constant 3000 : i32
    %add3A_1027 = vector.broadcast %add3A_1026 : i32 to vector<16xi32>
    %add3A_1028 = arith.addi %get3A_1025, %add3A_1027 : vector<16xi32>
    %swap3A_1029 = arith.constant 80 : index
    %swap3A_1030 = tpu.vector_load %arg6[%swap3A_1029] {strides = array<i32>} : memref<512xi32, #tpu.memory_space<vmem>>, vector<16xi32>,
    %swap3A_1031 = vector.shape_cast %swap3A_1030 : vector<16xi32> to vector<16xi32>
    %swap3A_1032 = vector.shape_cast %add3A_1028 : vector<16xi32> to vector<16xi32>
    tpu.vector_store %arg6[%swap3A_1029], %swap3A_1032 {strides = array<i32>} : memref<512xi32, #tpu.memory_space<vmem>>, vector<16xi32>,
    %get3A_1033 = arith.constant 96 : index
    %get3A_1034 = tpu.vector_load %arg5[%get3A_1033] {strides = array<i32>} : memref<512xi32, #tpu.memory_space<vmem>>, vector<16xi32>,
    %get3A_1035 = vector.shape_cast %get3A_1034 : vector<16xi32> to vector<16xi32>
    %add3A_1036 = arith.constant 3000 : i32
    %add3A_1037 = vector.broadcast %add3A_1036 : i32 to vector<16xi32>
    %add3A_1038 = arith.addi %get3A_1035, %add3A_1037 : vector<16xi32>
    %swap3A_1039 = arith.constant 96 : index
    %swap3A_1040 = tpu.vector_load %arg6[%swap3A_1039] {strides = array<i32>} : memref<512xi32, #tpu.memory_space<vmem>>, vector<16xi32>,
    %swap3A_1041 = vector.shape_cast %swap3A_1040 : vector<16xi32> to vector<16xi32>
    %swap3A_1042 = vector.shape_cast %add3A_1038 : vector<16xi32> to vector<16xi32>
    tpu.vector_store %arg6[%swap3A_1039], %swap3A_1042 {strides = array<i32>} : memref<512xi32, #tpu.memory_space<vmem>>, vector<16xi32>,
    %get3A_1043 = arith.constant 112 : index
    %get3A_1044 = tpu.vector_load %arg5[%get3A_1043] {strides = array<i32>} : memref<512xi32, #tpu.memory_space<vmem>>, vector<16xi32>,
    %get3A_1045 = vector.shape_cast %get3A_1044 : vector<16xi32> to vector<16xi32>
    %add3A_1046 = arith.constant 3000 : i32
    %add3A_1047 = vector.broadcast %add3A_1046 : i32 to vector<16xi32>
    %add3A_1048 = arith.addi %get3A_1045, %add3A_1047 : vector<16xi32>
    %swap3A_1049 = arith.constant 112 : index
    %swap3A_1050 = tpu.vector_load %arg6[%swap3A_1049] {strides = array<i32>} : memref<512xi32, #tpu.memory_space<vmem>>, vector<16xi32>,
    %swap3A_1051 = vector.shape_cast %swap3A_1050 : vector<16xi32> to vector<16xi32>
    %swap3A_1052 = vector.shape_cast %add3A_1048 : vector<16xi32> to vector<16xi32>
    tpu.vector_store %arg6[%swap3A_1049], %swap3A_1052 {strides = array<i32>} : memref<512xi32, #tpu.memory_space<vmem>>, vector<16xi32>,
    %get3A_1053 = arith.constant 128 : index
    %get3A_1054 = tpu.vector_load %arg5[%get3A_1053] {strides = array<i32>} : memref<512xi32, #tpu.memory_space<vmem>>, vector<16xi32>,
    %get3A_1055 = vector.shape_cast %get3A_1054 : vector<16xi32> to vector<16xi32>
    %add3A_1056 = arith.constant 3000 : i32
    %add3A_1057 = vector.broadcast %add3A_1056 : i32 to vector<16xi32>
    %add3A_1058 = arith.addi %get3A_1055, %add3A_1057 : vector<16xi32>
    %swap3A_1059 = arith.constant 128 : index
    %swap3A_1060 = tpu.vector_load %arg6[%swap3A_1059] {strides = array<i32>} : memref<512xi32, #tpu.memory_space<vmem>>, vector<16xi32>,
    %swap3A_1061 = vector.shape_cast %swap3A_1060 : vector<16xi32> to vector<16xi32>
    %swap3A_1062 = vector.shape_cast %add3A_1058 : vector<16xi32> to vector<16xi32>
    tpu.vector_store %arg6[%swap3A_1059], %swap3A_1062 {strides = array<i32>} : memref<512xi32, #tpu.memory_space<vmem>>, vector<16xi32>,
    %get3A_1063 = arith.constant 144 : index
    %get3A_1064 = tpu.vector_load %arg5[%get3A_1063] {strides = array<i32>} : memref<512xi32, #tpu.memory_space<vmem>>, vector<16xi32>,
    %get3A_1065 = vector.shape_cast %get3A_1064 : vector<16xi32> to vector<16xi32>
    %add3A_1066 = arith.constant 3000 : i32
    %add3A_1067 = vector.broadcast %add3A_1066 : i32 to vector<16xi32>
    %add3A_1068 = arith.addi %get3A_1065, %add3A_1067 : vector<16xi32>
    %swap3A_1069 = arith.constant 144 : index
    %swap3A_1070 = tpu.vector_load %arg6[%swap3A_1069] {strides = array<i32>} : memref<512xi32, #tpu.memory_space<vmem>>, vector<16xi32>,
    %swap3A_1071 = vector.shape_cast %swap3A_1070 : vector<16xi32> to vector<16xi32>
    %swap3A_1072 = vector.shape_cast %add3A_1068 : vector<16xi32> to vector<16xi32>
    tpu.vector_store %arg6[%swap3A_1069], %swap3A_1072 {strides = array<i32>} : memref<512xi32, #tpu.memory_space<vmem>>, vector<16xi32>,
    %get3A_1073 = arith.constant 160 : index
    %get3A_1074 = tpu.vector_load %arg5[%get3A_1073] {strides = array<i32>} : memref<512xi32, #tpu.memory_space<vmem>>, vector<16xi32>,
    %get3A_1075 = vector.shape_cast %get3A_1074 : vector<16xi32> to vector<16xi32>
    %add3A_1076 = arith.constant 3000 : i32
    %add3A_1077 = vector.broadcast %add3A_1076 : i32 to vector<16xi32>
    %add3A_1078 = arith.addi %get3A_1075, %add3A_1077 : vector<16xi32>
    %swap3A_1079 = arith.constant 160 : index
    %swap3A_1080 = tpu.vector_load %arg6[%swap3A_1079] {strides = array<i32>} : memref<512xi32, #tpu.memory_space<vmem>>, vector<16xi32>,
    %swap3A_1081 = vector.shape_cast %swap3A_1080 : vector<16xi32> to vector<16xi32>
    %swap3A_1082 = vector.shape_cast %add3A_1078 : vector<16xi32> to vector<16xi32>
    tpu.vector_store %arg6[%swap3A_1079], %swap3A_1082 {strides = array<i32>} : memref<512xi32, #tpu.memory_space<vmem>>, vector<16xi32>,
    %get3A_1083 = arith.constant 176 : index
    %get3A_1084 = tpu.vector_load %arg5[%get3A_1083] {strides = array<i32>} : memref<512xi32, #tpu.memory_space<vmem>>, vector<16xi32>,
    %get3A_1085 = vector.shape_cast %get3A_1084 : vector<16xi32> to vector<16xi32>
    %add3A_1086 = arith.constant 3000 : i32
    %add3A_1087 = vector.broadcast %add3A_1086 : i32 to vector<16xi32>
    %add3A_1088 = arith.addi %get3A_1085, %add3A_1087 : vector<16xi32>
    %swap3A_1089 = arith.constant 176 : index
    %swap3A_1090 = tpu.vector_load %arg6[%swap3A_1089] {strides = array<i32>} : memref<512xi32, #tpu.memory_space<vmem>>, vector<16xi32>,
    %swap3A_1091 = vector.shape_cast %swap3A_1090 : vector<16xi32> to vector<16xi32>
    %swap3A_1092 = vector.shape_cast %add3A_1088 : vector<16xi32> to vector<16xi32>
    tpu.vector_store %arg6[%swap3A_1089], %swap3A_1092 {strides = array<i32>} : memref<512xi32, #tpu.memory_space<vmem>>, vector<16xi32>,
    %get3A_1093 = arith.constant 192 : index
    %get3A_1094 = tpu.vector_load %arg5[%get3A_1093] {strides = array<i32>} : memref<512xi32, #tpu.memory_space<vmem>>, vector<16xi32>,
    %get3A_1095 = vector.shape_cast %get3A_1094 : vector<16xi32> to vector<16xi32>
    %add3A_1096 = arith.constant 3000 : i32
    %add3A_1097 = vector.broadcast %add3A_1096 : i32 to vector<16xi32>
    %add3A_1098 = arith.addi %get3A_1095, %add3A_1097 : vector<16xi32>
    %swap3A_1099 = arith.constant 192 : index
    %swap3A_1100 = tpu.vector_load %arg6[%swap3A_1099] {strides = array<i32>} : memref<512xi32, #tpu.memory_space<vmem>>, vector<16xi32>,
    %swap3A_1101 = vector.shape_cast %swap3A_1100 : vector<16xi32> to vector<16xi32>
    %swap3A_1102 = vector.shape_cast %add3A_1098 : vector<16xi32> to vector<16xi32>
    tpu.vector_store %arg6[%swap3A_1099], %swap3A_1102 {strides = array<i32>} : memref<512xi32, #tpu.memory_space<vmem>>, vector<16xi32>,
    %get3A_1103 = arith.constant 208 : index
    %get3A_1104 = tpu.vector_load %arg5[%get3A_1103] {strides = array<i32>} : memref<512xi32, #tpu.memory_space<vmem>>, vector<16xi32>,
    %get3A_1105 = vector.shape_cast %get3A_1104 : vector<16xi32> to vector<16xi32>
    %add3A_1106 = arith.constant 3000 : i32
    %add3A_1107 = vector.broadcast %add3A_1106 : i32 to vector<16xi32>
    %add3A_1108 = arith.addi %get3A_1105, %add3A_1107 : vector<16xi32>
    %swap3A_1109 = arith.constant 208 : index
    %swap3A_1110 = tpu.vector_load %arg6[%swap3A_1109] {strides = array<i32>} : memref<512xi32, #tpu.memory_space<vmem>>, vector<16xi32>,
    %swap3A_1111 = vector.shape_cast %swap3A_1110 : vector<16xi32> to vector<16xi32>
    %swap3A_1112 = vector.shape_cast %add3A_1108 : vector<16xi32> to vector<16xi32>
    tpu.vector_store %arg6[%swap3A_1109], %swap3A_1112 {strides = array<i32>} : memref<512xi32, #tpu.memory_space<vmem>>, vector<16xi32>,
    %get3A_1113 = arith.constant 224 : index
    %get3A_1114 = tpu.vector_load %arg5[%get3A_1113] {strides = array<i32>} : memref<512xi32, #tpu.memory_space<vmem>>, vector<16xi32>,
    %get3A_1115 = vector.shape_cast %get3A_1114 : vector<16xi32> to vector<16xi32>
    %add3A_1116 = arith.constant 3000 : i32
    %add3A_1117 = vector.broadcast %add3A_1116 : i32 to vector<16xi32>
    %add3A_1118 = arith.addi %get3A_1115, %add3A_1117 : vector<16xi32>
    %swap3A_1119 = arith.constant 224 : index
    %swap3A_1120 = tpu.vector_load %arg6[%swap3A_1119] {strides = array<i32>} : memref<512xi32, #tpu.memory_space<vmem>>, vector<16xi32>,
    %swap3A_1121 = vector.shape_cast %swap3A_1120 : vector<16xi32> to vector<16xi32>
    %swap3A_1122 = vector.shape_cast %add3A_1118 : vector<16xi32> to vector<16xi32>
    tpu.vector_store %arg6[%swap3A_1119], %swap3A_1122 {strides = array<i32>} : memref<512xi32, #tpu.memory_space<vmem>>, vector<16xi32>,
    %get3A_1123 = arith.constant 240 : index
    %get3A_1124 = tpu.vector_load %arg5[%get3A_1123] {strides = array<i32>} : memref<512xi32, #tpu.memory_space<vmem>>, vector<16xi32>,
    %get3A_1125 = vector.shape_cast %get3A_1124 : vector<16xi32> to vector<16xi32>
    %add3A_1126 = arith.constant 3000 : i32
    %add3A_1127 = vector.broadcast %add3A_1126 : i32 to vector<16xi32>
    %add3A_1128 = arith.addi %get3A_1125, %add3A_1127 : vector<16xi32>
    %swap3A_1129 = arith.constant 240 : index
    %swap3A_1130 = tpu.vector_load %arg6[%swap3A_1129] {strides = array<i32>} : memref<512xi32, #tpu.memory_space<vmem>>, vector<16xi32>,
    %swap3A_1131 = vector.shape_cast %swap3A_1130 : vector<16xi32> to vector<16xi32>
    %swap3A_1132 = vector.shape_cast %add3A_1128 : vector<16xi32> to vector<16xi32>
    tpu.vector_store %arg6[%swap3A_1129], %swap3A_1132 {strides = array<i32>} : memref<512xi32, #tpu.memory_space<vmem>>, vector<16xi32>,
    %get3A_1133 = arith.constant 256 : index
    %get3A_1134 = tpu.vector_load %arg5[%get3A_1133] {strides = array<i32>} : memref<512xi32, #tpu.memory_space<vmem>>, vector<16xi32>,
    %get3A_1135 = vector.shape_cast %get3A_1134 : vector<16xi32> to vector<16xi32>
    %add3A_1136 = arith.constant 3000 : i32
    %add3A_1137 = vector.broadcast %add3A_1136 : i32 to vector<16xi32>
    %add3A_1138 = arith.addi %get3A_1135, %add3A_1137 : vector<16xi32>
    %swap3A_1139 = arith.constant 256 : index
    %swap3A_1140 = tpu.vector_load %arg6[%swap3A_1139] {strides = array<i32>} : memref<512xi32, #tpu.memory_space<vmem>>, vector<16xi32>,
    %swap3A_1141 = vector.shape_cast %swap3A_1140 : vector<16xi32> to vector<16xi32>
    %swap3A_1142 = vector.shape_cast %add3A_1138 : vector<16xi32> to vector<16xi32>
    tpu.vector_store %arg6[%swap3A_1139], %swap3A_1142 {strides = array<i32>} : memref<512xi32, #tpu.memory_space<vmem>>, vector<16xi32>,
    %get3A_1143 = arith.constant 272 : index
    %get3A_1144 = tpu.vector_load %arg5[%get3A_1143] {strides = array<i32>} : memref<512xi32, #tpu.memory_space<vmem>>, vector<16xi32>,
    %get3A_1145 = vector.shape_cast %get3A_1144 : vector<16xi32> to vector<16xi32>
    %add3A_1146 = arith.constant 3000 : i32
    %add3A_1147 = vector.broadcast %add3A_1146 : i32 to vector<16xi32>
    %add3A_1148 = arith.addi %get3A_1145, %add3A_1147 : vector<16xi32>
    %swap3A_1149 = arith.constant 272 : index
    %swap3A_1150 = tpu.vector_load %arg6[%swap3A_1149] {strides = array<i32>} : memref<512xi32, #tpu.memory_space<vmem>>, vector<16xi32>,
    %swap3A_1151 = vector.shape_cast %swap3A_1150 : vector<16xi32> to vector<16xi32>
    %swap3A_1152 = vector.shape_cast %add3A_1148 : vector<16xi32> to vector<16xi32>
    tpu.vector_store %arg6[%swap3A_1149], %swap3A_1152 {strides = array<i32>} : memref<512xi32, #tpu.memory_space<vmem>>, vector<16xi32>,
    %get3A_1153 = arith.constant 288 : index
    %get3A_1154 = tpu.vector_load %arg5[%get3A_1153] {strides = array<i32>} : memref<512xi32, #tpu.memory_space<vmem>>, vector<16xi32>,
    %get3A_1155 = vector.shape_cast %get3A_1154 : vector<16xi32> to vector<16xi32>
    %add3A_1156 = arith.constant 3000 : i32
    %add3A_1157 = vector.broadcast %add3A_1156 : i32 to vector<16xi32>
    %add3A_1158 = arith.addi %get3A_1155, %add3A_1157 : vector<16xi32>
    %swap3A_1159 = arith.constant 288 : index
    %swap3A_1160 = tpu.vector_load %arg6[%swap3A_1159] {strides = array<i32>} : memref<512xi32, #tpu.memory_space<vmem>>, vector<16xi32>,
    %swap3A_1161 = vector.shape_cast %swap3A_1160 : vector<16xi32> to vector<16xi32>
    %swap3A_1162 = vector.shape_cast %add3A_1158 : vector<16xi32> to vector<16xi32>
    tpu.vector_store %arg6[%swap3A_1159], %swap3A_1162 {strides = array<i32>} : memref<512xi32, #tpu.memory_space<vmem>>, vector<16xi32>,
    %get3A_1163 = arith.constant 304 : index
    %get3A_1164 = tpu.vector_load %arg5[%get3A_1163] {strides = array<i32>} : memref<512xi32, #tpu.memory_space<vmem>>, vector<16xi32>,
    %get3A_1165 = vector.shape_cast %get3A_1164 : vector<16xi32> to vector<16xi32>
    %add3A_1166 = arith.constant 3000 : i32
    %add3A_1167 = vector.broadcast %add3A_1166 : i32 to vector<16xi32>
    %add3A_1168 = arith.addi %get3A_1165, %add3A_1167 : vector<16xi32>
    %swap3A_1169 = arith.constant 304 : index
    %swap3A_1170 = tpu.vector_load %arg6[%swap3A_1169] {strides = array<i32>} : memref<512xi32, #tpu.memory_space<vmem>>, vector<16xi32>,
    %swap3A_1171 = vector.shape_cast %swap3A_1170 : vector<16xi32> to vector<16xi32>
    %swap3A_1172 = vector.shape_cast %add3A_1168 : vector<16xi32> to vector<16xi32>
    tpu.vector_store %arg6[%swap3A_1169], %swap3A_1172 {strides = array<i32>} : memref<512xi32, #tpu.memory_space<vmem>>, vector<16xi32>,
    %get3A_1173 = arith.constant 320 : index
    %get3A_1174 = tpu.vector_load %arg5[%get3A_1173] {strides = array<i32>} : memref<512xi32, #tpu.memory_space<vmem>>, vector<16xi32>,
    %get3A_1175 = vector.shape_cast %get3A_1174 : vector<16xi32> to vector<16xi32>
    %add3A_1176 = arith.constant 3000 : i32
    %add3A_1177 = vector.broadcast %add3A_1176 : i32 to vector<16xi32>
    %add3A_1178 = arith.addi %get3A_1175, %add3A_1177 : vector<16xi32>
    %swap3A_1179 = arith.constant 320 : index
    %swap3A_1180 = tpu.vector_load %arg6[%swap3A_1179] {strides = array<i32>} : memref<512xi32, #tpu.memory_space<vmem>>, vector<16xi32>,
    %swap3A_1181 = vector.shape_cast %swap3A_1180 : vector<16xi32> to vector<16xi32>
    %swap3A_1182 = vector.shape_cast %add3A_1178 : vector<16xi32> to vector<16xi32>
    tpu.vector_store %arg6[%swap3A_1179], %swap3A_1182 {strides = array<i32>} : memref<512xi32, #tpu.memory_space<vmem>>, vector<16xi32>,
    %get3A_1183 = arith.constant 336 : index
    %get3A_1184 = tpu.vector_load %arg5[%get3A_1183] {strides = array<i32>} : memref<512xi32, #tpu.memory_space<vmem>>, vector<16xi32>,
    %get3A_1185 = vector.shape_cast %get3A_1184 : vector<16xi32> to vector<16xi32>
    %add3A_1186 = arith.constant 3000 : i32
    %add3A_1187 = vector.broadcast %add3A_1186 : i32 to vector<16xi32>
    %add3A_1188 = arith.addi %get3A_1185, %add3A_1187 : vector<16xi32>
    %swap3A_1189 = arith.constant 336 : index
    %swap3A_1190 = tpu.vector_load %arg6[%swap3A_1189] {strides = array<i32>} : memref<512xi32, #tpu.memory_space<vmem>>, vector<16xi32>,
    %swap3A_1191 = vector.shape_cast %swap3A_1190 : vector<16xi32> to vector<16xi32>
    %swap3A_1192 = vector.shape_cast %add3A_1188 : vector<16xi32> to vector<16xi32>
    tpu.vector_store %arg6[%swap3A_1189], %swap3A_1192 {strides = array<i32>} : memref<512xi32, #tpu.memory_space<vmem>>, vector<16xi32>,
    %get3A_1193 = arith.constant 352 : index
    %get3A_1194 = tpu.vector_load %arg5[%get3A_1193] {strides = array<i32>} : memref<512xi32, #tpu.memory_space<vmem>>, vector<16xi32>,
    %get3A_1195 = vector.shape_cast %get3A_1194 : vector<16xi32> to vector<16xi32>
    %add3A_1196 = arith.constant 3000 : i32
    %add3A_1197 = vector.broadcast %add3A_1196 : i32 to vector<16xi32>
    %add3A_1198 = arith.addi %get3A_1195, %add3A_1197 : vector<16xi32>
    %swap3A_1199 = arith.constant 352 : index
    %swap3A_1200 = tpu.vector_load %arg6[%swap3A_1199] {strides = array<i32>} : memref<512xi32, #tpu.memory_space<vmem>>, vector<16xi32>,
    %swap3A_1201 = vector.shape_cast %swap3A_1200 : vector<16xi32> to vector<16xi32>
    %swap3A_1202 = vector.shape_cast %add3A_1198 : vector<16xi32> to vector<16xi32>
    tpu.vector_store %arg6[%swap3A_1199], %swap3A_1202 {strides = array<i32>} : memref<512xi32, #tpu.memory_space<vmem>>, vector<16xi32>,
    %get3A_1203 = arith.constant 368 : index
    %get3A_1204 = tpu.vector_load %arg5[%get3A_1203] {strides = array<i32>} : memref<512xi32, #tpu.memory_space<vmem>>, vector<16xi32>,
    %get3A_1205 = vector.shape_cast %get3A_1204 : vector<16xi32> to vector<16xi32>
    %add3A_1206 = arith.constant 3000 : i32
    %add3A_1207 = vector.broadcast %add3A_1206 : i32 to vector<16xi32>
    %add3A_1208 = arith.addi %get3A_1205, %add3A_1207 : vector<16xi32>
    %swap3A_1209 = arith.constant 368 : index
    %swap3A_1210 = tpu.vector_load %arg6[%swap3A_1209] {strides = array<i32>} : memref<512xi32, #tpu.memory_space<vmem>>, vector<16xi32>,
    %swap3A_1211 = vector.shape_cast %swap3A_1210 : vector<16xi32> to vector<16xi32>
    %swap3A_1212 = vector.shape_cast %add3A_1208 : vector<16xi32> to vector<16xi32>
    tpu.vector_store %arg6[%swap3A_1209], %swap3A_1212 {strides = array<i32>} : memref<512xi32, #tpu.memory_space<vmem>>, vector<16xi32>,
    %get3A_1213 = arith.constant 384 : index
    %get3A_1214 = tpu.vector_load %arg5[%get3A_1213] {strides = array<i32>} : memref<512xi32, #tpu.memory_space<vmem>>, vector<16xi32>,
    %get3A_1215 = vector.shape_cast %get3A_1214 : vector<16xi32> to vector<16xi32>
    %add3A_1216 = arith.constant 3000 : i32
    %add3A_1217 = vector.broadcast %add3A_1216 : i32 to vector<16xi32>
    %add3A_1218 = arith.addi %get3A_1215, %add3A_1217 : vector<16xi32>
    %swap3A_1219 = arith.constant 384 : index
    %swap3A_1220 = tpu.vector_load %arg6[%swap3A_1219] {strides = array<i32>} : memref<512xi32, #tpu.memory_space<vmem>>, vector<16xi32>,
    %swap3A_1221 = vector.shape_cast %swap3A_1220 : vector<16xi32> to vector<16xi32>
    %swap3A_1222 = vector.shape_cast %add3A_1218 : vector<16xi32> to vector<16xi32>
    tpu.vector_store %arg6[%swap3A_1219], %swap3A_1222 {strides = array<i32>} : memref<512xi32, #tpu.memory_space<vmem>>, vector<16xi32>,
    %get3A_1223 = arith.constant 400 : index
    %get3A_1224 = tpu.vector_load %arg5[%get3A_1223] {strides = array<i32>} : memref<512xi32, #tpu.memory_space<vmem>>, vector<16xi32>,
    %get3A_1225 = vector.shape_cast %get3A_1224 : vector<16xi32> to vector<16xi32>
    %add3A_1226 = arith.constant 3000 : i32
    %add3A_1227 = vector.broadcast %add3A_1226 : i32 to vector<16xi32>
    %add3A_1228 = arith.addi %get3A_1225, %add3A_1227 : vector<16xi32>
    %swap3A_1229 = arith.constant 400 : index
    %swap3A_1230 = tpu.vector_load %arg6[%swap3A_1229] {strides = array<i32>} : memref<512xi32, #tpu.memory_space<vmem>>, vector<16xi32>,
    %swap3A_1231 = vector.shape_cast %swap3A_1230 : vector<16xi32> to vector<16xi32>
    %swap3A_1232 = vector.shape_cast %add3A_1228 : vector<16xi32> to vector<16xi32>
    tpu.vector_store %arg6[%swap3A_1229], %swap3A_1232 {strides = array<i32>} : memref<512xi32, #tpu.memory_space<vmem>>, vector<16xi32>,
    %get3A_1233 = arith.constant 416 : index
    %get3A_1234 = tpu.vector_load %arg5[%get3A_1233] {strides = array<i32>} : memref<512xi32, #tpu.memory_space<vmem>>, vector<16xi32>,
    %get3A_1235 = vector.shape_cast %get3A_1234 : vector<16xi32> to vector<16xi32>
    %add3A_1236 = arith.constant 3000 : i32
    %add3A_1237 = vector.broadcast %add3A_1236 : i32 to vector<16xi32>
    %add3A_1238 = arith.addi %get3A_1235, %add3A_1237 : vector<16xi32>
    %swap3A_1239 = arith.constant 416 : index
    %swap3A_1240 = tpu.vector_load %arg6[%swap3A_1239] {strides = array<i32>} : memref<512xi32, #tpu.memory_space<vmem>>, vector<16xi32>,
    %swap3A_1241 = vector.shape_cast %swap3A_1240 : vector<16xi32> to vector<16xi32>
    %swap3A_1242 = vector.shape_cast %add3A_1238 : vector<16xi32> to vector<16xi32>
    tpu.vector_store %arg6[%swap3A_1239], %swap3A_1242 {strides = array<i32>} : memref<512xi32, #tpu.memory_space<vmem>>, vector<16xi32>,
    %get3A_1243 = arith.constant 432 : index
    %get3A_1244 = tpu.vector_load %arg5[%get3A_1243] {strides = array<i32>} : memref<512xi32, #tpu.memory_space<vmem>>, vector<16xi32>,
    %get3A_1245 = vector.shape_cast %get3A_1244 : vector<16xi32> to vector<16xi32>
    %add3A_1246 = arith.constant 3000 : i32
    %add3A_1247 = vector.broadcast %add3A_1246 : i32 to vector<16xi32>
    %add3A_1248 = arith.addi %get3A_1245, %add3A_1247 : vector<16xi32>
    %swap3A_1249 = arith.constant 432 : index
    %swap3A_1250 = tpu.vector_load %arg6[%swap3A_1249] {strides = array<i32>} : memref<512xi32, #tpu.memory_space<vmem>>, vector<16xi32>,
    %swap3A_1251 = vector.shape_cast %swap3A_1250 : vector<16xi32> to vector<16xi32>
    %swap3A_1252 = vector.shape_cast %add3A_1248 : vector<16xi32> to vector<16xi32>
    tpu.vector_store %arg6[%swap3A_1249], %swap3A_1252 {strides = array<i32>} : memref<512xi32, #tpu.memory_space<vmem>>, vector<16xi32>,
    %get3A_1253 = arith.constant 448 : index
    %get3A_1254 = tpu.vector_load %arg5[%get3A_1253] {strides = array<i32>} : memref<512xi32, #tpu.memory_space<vmem>>, vector<16xi32>,
    %get3A_1255 = vector.shape_cast %get3A_1254 : vector<16xi32> to vector<16xi32>
    %add3A_1256 = arith.constant 3000 : i32
    %add3A_1257 = vector.broadcast %add3A_1256 : i32 to vector<16xi32>
    %add3A_1258 = arith.addi %get3A_1255, %add3A_1257 : vector<16xi32>
    %swap3A_1259 = arith.constant 448 : index
    %swap3A_1260 = tpu.vector_load %arg6[%swap3A_1259] {strides = array<i32>} : memref<512xi32, #tpu.memory_space<vmem>>, vector<16xi32>,
    %swap3A_1261 = vector.shape_cast %swap3A_1260 : vector<16xi32> to vector<16xi32>
    %swap3A_1262 = vector.shape_cast %add3A_1258 : vector<16xi32> to vector<16xi32>
    tpu.vector_store %arg6[%swap3A_1259], %swap3A_1262 {strides = array<i32>} : memref<512xi32, #tpu.memory_space<vmem>>, vector<16xi32>,
    %get3A_1263 = arith.constant 464 : index
    %get3A_1264 = tpu.vector_load %arg5[%get3A_1263] {strides = array<i32>} : memref<512xi32, #tpu.memory_space<vmem>>, vector<16xi32>,
    %get3A_1265 = vector.shape_cast %get3A_1264 : vector<16xi32> to vector<16xi32>
    %add3A_1266 = arith.constant 3000 : i32
    %add3A_1267 = vector.broadcast %add3A_1266 : i32 to vector<16xi32>
    %add3A_1268 = arith.addi %get3A_1265, %add3A_1267 : vector<16xi32>
    %swap3A_1269 = arith.constant 464 : index
    %swap3A_1270 = tpu.vector_load %arg6[%swap3A_1269] {strides = array<i32>} : memref<512xi32, #tpu.memory_space<vmem>>, vector<16xi32>,
    %swap3A_1271 = vector.shape_cast %swap3A_1270 : vector<16xi32> to vector<16xi32>
    %swap3A_1272 = vector.shape_cast %add3A_1268 : vector<16xi32> to vector<16xi32>
    tpu.vector_store %arg6[%swap3A_1269], %swap3A_1272 {strides = array<i32>} : memref<512xi32, #tpu.memory_space<vmem>>, vector<16xi32>,
    %get3A_1273 = arith.constant 480 : index
    %get3A_1274 = tpu.vector_load %arg5[%get3A_1273] {strides = array<i32>} : memref<512xi32, #tpu.memory_space<vmem>>, vector<16xi32>,
    %get3A_1275 = vector.shape_cast %get3A_1274 : vector<16xi32> to vector<16xi32>
    %add3A_1276 = arith.constant 3000 : i32
    %add3A_1277 = vector.broadcast %add3A_1276 : i32 to vector<16xi32>
    %add3A_1278 = arith.addi %get3A_1275, %add3A_1277 : vector<16xi32>
    %swap3A_1279 = arith.constant 480 : index
    %swap3A_1280 = tpu.vector_load %arg6[%swap3A_1279] {strides = array<i32>} : memref<512xi32, #tpu.memory_space<vmem>>, vector<16xi32>,
    %swap3A_1281 = vector.shape_cast %swap3A_1280 : vector<16xi32> to vector<16xi32>
    %swap3A_1282 = vector.shape_cast %add3A_1278 : vector<16xi32> to vector<16xi32>
    tpu.vector_store %arg6[%swap3A_1279], %swap3A_1282 {strides = array<i32>} : memref<512xi32, #tpu.memory_space<vmem>>, vector<16xi32>,
    %get3A_1283 = arith.constant 496 : index
    %get3A_1284 = tpu.vector_load %arg5[%get3A_1283] {strides = array<i32>} : memref<512xi32, #tpu.memory_space<vmem>>, vector<16xi32>,
    %get3A_1285 = vector.shape_cast %get3A_1284 : vector<16xi32> to vector<16xi32>
    %add3A_1286 = arith.constant 3000 : i32
    %add3A_1287 = vector.broadcast %add3A_1286 : i32 to vector<16xi32>
    %add3A_1288 = arith.addi %get3A_1285, %add3A_1287 : vector<16xi32>
    %swap3A_1289 = arith.constant 496 : index
    %swap3A_1290 = tpu.vector_load %arg6[%swap3A_1289] {strides = array<i32>} : memref<512xi32, #tpu.memory_space<vmem>>, vector<16xi32>,
    %swap3A_1291 = vector.shape_cast %swap3A_1290 : vector<16xi32> to vector<16xi32>
    %swap3A_1292 = vector.shape_cast %add3A_1288 : vector<16xi32> to vector<16xi32>
    tpu.vector_store %arg6[%swap3A_1289], %swap3A_1292 {strides = array<i32>} : memref<512xi32, #tpu.memory_space<vmem>>, vector<16xi32>,
    %dma_start3A_1293 = arith.constant 0 : i32
    %dma_start3A_1294 = tpu.memref_slice %arg2[%dma_start3A_1293] : memref<8000xf32, #tpu.memory_space<hbm>> -> memref<8000xf32, #tpu.memory_space<hbm>>
    tpu.enqueue_indirect_dma source(%dma_start3A_1294 : memref<8000xf32, #tpu.memory_space<hbm>>) target(%arg7 : memref<512xf32, #tpu.memory_space<vmem>>) offsets(%arg6 : memref<512xi32, #tpu.memory_space<vmem>>) semaphore(%arg8 : memref<!tpu.dma_semaphore, #tpu.memory_space<semaphore_mem>>)
    %dma_wait3A_1295 = arith.constant 0 : i32
    %dma_wait3A_1296 = tpu.memref_slice %arg2[%dma_wait3A_1295] : memref<8000xf32, #tpu.memory_space<hbm>> -> memref<8000xf32, #tpu.memory_space<hbm>>
    tpu.wait_indirect_dma semaphore(%arg8 : memref<!tpu.dma_semaphore, #tpu.memory_space<semaphore_mem>>) src(%dma_wait3A_1296 : memref<8000xf32, #tpu.memory_space<hbm>>) dst(%arg7 : memref<512xf32, #tpu.memory_space<vmem>>)
    %run_scoped3A_1297 = arith.constant 3 : i32
    "tpu.region"() ({
      %run_scoped3A_2598 = tpu.sem_alloc : memref<!tpu.dma_semaphore, #tpu.memory_space<semaphore_mem>>
      %dma_start3A_2599 = tpu.memref_slice %arg4[%run_scoped3A_1297, %mul3A_2] : memref<8x16384xf32, #tpu.memory_space<hbm>> -> memref<1x512xf32, #tpu.memory_space<hbm>>
      %dma_start3A_2600 = tpu.memref_squeeze %dma_start3A_2599 : memref<1x512xf32, #tpu.memory_space<hbm>> -> memref<512xf32, #tpu.memory_space<hbm>>
      %dma_start3A_2601 = tpu.memref_slice %arg4[%run_scoped3A_1297, %mul3A_2] : memref<8x16384xf32, #tpu.memory_space<hbm>> -> memref<1x512xf32, #tpu.memory_space<hbm>>
      %dma_start3A_2602 = tpu.memref_squeeze %dma_start3A_2601 : memref<1x512xf32, #tpu.memory_space<hbm>> -> memref<512xf32, #tpu.memory_space<hbm>>
      tpu.enqueue_dma source(%arg7 : memref<512xf32, #tpu.memory_space<vmem>>) target(%dma_start3A_2602 : memref<512xf32, #tpu.memory_space<hbm>>) target_semaphore(%run_scoped3A_2598 : memref<!tpu.dma_semaphore, #tpu.memory_space<semaphore_mem>>)
      %dma_wait3A_2603 = tpu.memref_slice %arg4[%run_scoped3A_1297, %mul3A_2] : memref<8x16384xf32, #tpu.memory_space<hbm>> -> memref<1x512xf32, #tpu.memory_space<hbm>>
      %dma_wait3A_2604 = tpu.memref_squeeze %dma_wait3A_2603 : memref<1x512xf32, #tpu.memory_space<hbm>> -> memref<512xf32, #tpu.memory_space<hbm>>
      %dma_wait3A_2605 = tpu.memref_slice %arg4[%run_scoped3A_1297, %mul3A_2] : memref<8x16384xf32, #tpu.memory_space<hbm>> -> memref<1x512xf32, #tpu.memory_space<hbm>>
      %dma_wait3A_2606 = tpu.memref_squeeze %dma_wait3A_2605 : memref<1x512xf32, #tpu.memory_space<hbm>> -> memref<512xf32, #tpu.memory_space<hbm>>
      tpu.wait_dma2 semaphore(%run_scoped3A_2598 : memref<!tpu.dma_semaphore, #tpu.memory_space<semaphore_mem>>) src(%arg7 : memref<512xf32, #tpu.memory_space<vmem>>) dst(%dma_wait3A_2606 : memref<512xf32, #tpu.memory_space<hbm>>)
      tpu.yield
    }) : () -> ()
    %get3A_1298 = arith.constant 0 : index
    %get3A_1299 = tpu.vector_load %arg5[%get3A_1298] {strides = array<i32>} : memref<512xi32, #tpu.memory_space<vmem>>, vector<16xi32>,
    %get3A_1300 = vector.shape_cast %get3A_1299 : vector<16xi32> to vector<16xi32>
    %add3A_1301 = arith.constant 4000 : i32
    %add3A_1302 = vector.broadcast %add3A_1301 : i32 to vector<16xi32>
    %add3A_1303 = arith.addi %get3A_1300, %add3A_1302 : vector<16xi32>
    %swap3A_1304 = arith.constant 0 : index
    %swap3A_1305 = tpu.vector_load %arg6[%swap3A_1304] {strides = array<i32>} : memref<512xi32, #tpu.memory_space<vmem>>, vector<16xi32>,
    %swap3A_1306 = vector.shape_cast %swap3A_1305 : vector<16xi32> to vector<16xi32>
    %swap3A_1307 = vector.shape_cast %add3A_1303 : vector<16xi32> to vector<16xi32>
    tpu.vector_store %arg6[%swap3A_1304], %swap3A_1307 {strides = array<i32>} : memref<512xi32, #tpu.memory_space<vmem>>, vector<16xi32>,
    %get3A_1308 = arith.constant 16 : index
    %get3A_1309 = tpu.vector_load %arg5[%get3A_1308] {strides = array<i32>} : memref<512xi32, #tpu.memory_space<vmem>>, vector<16xi32>,
    %get3A_1310 = vector.shape_cast %get3A_1309 : vector<16xi32> to vector<16xi32>
    %add3A_1311 = arith.constant 4000 : i32
    %add3A_1312 = vector.broadcast %add3A_1311 : i32 to vector<16xi32>
    %add3A_1313 = arith.addi %get3A_1310, %add3A_1312 : vector<16xi32>
    %swap3A_1314 = arith.constant 16 : index
    %swap3A_1315 = tpu.vector_load %arg6[%swap3A_1314] {strides = array<i32>} : memref<512xi32, #tpu.memory_space<vmem>>, vector<16xi32>,
    %swap3A_1316 = vector.shape_cast %swap3A_1315 : vector<16xi32> to vector<16xi32>
    %swap3A_1317 = vector.shape_cast %add3A_1313 : vector<16xi32> to vector<16xi32>
    tpu.vector_store %arg6[%swap3A_1314], %swap3A_1317 {strides = array<i32>} : memref<512xi32, #tpu.memory_space<vmem>>, vector<16xi32>,
    %get3A_1318 = arith.constant 32 : index
    %get3A_1319 = tpu.vector_load %arg5[%get3A_1318] {strides = array<i32>} : memref<512xi32, #tpu.memory_space<vmem>>, vector<16xi32>,
    %get3A_1320 = vector.shape_cast %get3A_1319 : vector<16xi32> to vector<16xi32>
    %add3A_1321 = arith.constant 4000 : i32
    %add3A_1322 = vector.broadcast %add3A_1321 : i32 to vector<16xi32>
    %add3A_1323 = arith.addi %get3A_1320, %add3A_1322 : vector<16xi32>
    %swap3A_1324 = arith.constant 32 : index
    %swap3A_1325 = tpu.vector_load %arg6[%swap3A_1324] {strides = array<i32>} : memref<512xi32, #tpu.memory_space<vmem>>, vector<16xi32>,
    %swap3A_1326 = vector.shape_cast %swap3A_1325 : vector<16xi32> to vector<16xi32>
    %swap3A_1327 = vector.shape_cast %add3A_1323 : vector<16xi32> to vector<16xi32>
    tpu.vector_store %arg6[%swap3A_1324], %swap3A_1327 {strides = array<i32>} : memref<512xi32, #tpu.memory_space<vmem>>, vector<16xi32>,
    %get3A_1328 = arith.constant 48 : index
    %get3A_1329 = tpu.vector_load %arg5[%get3A_1328] {strides = array<i32>} : memref<512xi32, #tpu.memory_space<vmem>>, vector<16xi32>,
    %get3A_1330 = vector.shape_cast %get3A_1329 : vector<16xi32> to vector<16xi32>
    %add3A_1331 = arith.constant 4000 : i32
    %add3A_1332 = vector.broadcast %add3A_1331 : i32 to vector<16xi32>
    %add3A_1333 = arith.addi %get3A_1330, %add3A_1332 : vector<16xi32>
    %swap3A_1334 = arith.constant 48 : index
    %swap3A_1335 = tpu.vector_load %arg6[%swap3A_1334] {strides = array<i32>} : memref<512xi32, #tpu.memory_space<vmem>>, vector<16xi32>,
    %swap3A_1336 = vector.shape_cast %swap3A_1335 : vector<16xi32> to vector<16xi32>
    %swap3A_1337 = vector.shape_cast %add3A_1333 : vector<16xi32> to vector<16xi32>
    tpu.vector_store %arg6[%swap3A_1334], %swap3A_1337 {strides = array<i32>} : memref<512xi32, #tpu.memory_space<vmem>>, vector<16xi32>,
    %get3A_1338 = arith.constant 64 : index
    %get3A_1339 = tpu.vector_load %arg5[%get3A_1338] {strides = array<i32>} : memref<512xi32, #tpu.memory_space<vmem>>, vector<16xi32>,
    %get3A_1340 = vector.shape_cast %get3A_1339 : vector<16xi32> to vector<16xi32>
    %add3A_1341 = arith.constant 4000 : i32
    %add3A_1342 = vector.broadcast %add3A_1341 : i32 to vector<16xi32>
    %add3A_1343 = arith.addi %get3A_1340, %add3A_1342 : vector<16xi32>
    %swap3A_1344 = arith.constant 64 : index
    %swap3A_1345 = tpu.vector_load %arg6[%swap3A_1344] {strides = array<i32>} : memref<512xi32, #tpu.memory_space<vmem>>, vector<16xi32>,
    %swap3A_1346 = vector.shape_cast %swap3A_1345 : vector<16xi32> to vector<16xi32>
    %swap3A_1347 = vector.shape_cast %add3A_1343 : vector<16xi32> to vector<16xi32>
    tpu.vector_store %arg6[%swap3A_1344], %swap3A_1347 {strides = array<i32>} : memref<512xi32, #tpu.memory_space<vmem>>, vector<16xi32>,
    %get3A_1348 = arith.constant 80 : index
    %get3A_1349 = tpu.vector_load %arg5[%get3A_1348] {strides = array<i32>} : memref<512xi32, #tpu.memory_space<vmem>>, vector<16xi32>,
    %get3A_1350 = vector.shape_cast %get3A_1349 : vector<16xi32> to vector<16xi32>
    %add3A_1351 = arith.constant 4000 : i32
    %add3A_1352 = vector.broadcast %add3A_1351 : i32 to vector<16xi32>
    %add3A_1353 = arith.addi %get3A_1350, %add3A_1352 : vector<16xi32>
    %swap3A_1354 = arith.constant 80 : index
    %swap3A_1355 = tpu.vector_load %arg6[%swap3A_1354] {strides = array<i32>} : memref<512xi32, #tpu.memory_space<vmem>>, vector<16xi32>,
    %swap3A_1356 = vector.shape_cast %swap3A_1355 : vector<16xi32> to vector<16xi32>
    %swap3A_1357 = vector.shape_cast %add3A_1353 : vector<16xi32> to vector<16xi32>
    tpu.vector_store %arg6[%swap3A_1354], %swap3A_1357 {strides = array<i32>} : memref<512xi32, #tpu.memory_space<vmem>>, vector<16xi32>,
    %get3A_1358 = arith.constant 96 : index
    %get3A_1359 = tpu.vector_load %arg5[%get3A_1358] {strides = array<i32>} : memref<512xi32, #tpu.memory_space<vmem>>, vector<16xi32>,
    %get3A_1360 = vector.shape_cast %get3A_1359 : vector<16xi32> to vector<16xi32>
    %add3A_1361 = arith.constant 4000 : i32
    %add3A_1362 = vector.broadcast %add3A_1361 : i32 to vector<16xi32>
    %add3A_1363 = arith.addi %get3A_1360, %add3A_1362 : vector<16xi32>
    %swap3A_1364 = arith.constant 96 : index
    %swap3A_1365 = tpu.vector_load %arg6[%swap3A_1364] {strides = array<i32>} : memref<512xi32, #tpu.memory_space<vmem>>, vector<16xi32>,
    %swap3A_1366 = vector.shape_cast %swap3A_1365 : vector<16xi32> to vector<16xi32>
    %swap3A_1367 = vector.shape_cast %add3A_1363 : vector<16xi32> to vector<16xi32>
    tpu.vector_store %arg6[%swap3A_1364], %swap3A_1367 {strides = array<i32>} : memref<512xi32, #tpu.memory_space<vmem>>, vector<16xi32>,
    %get3A_1368 = arith.constant 112 : index
    %get3A_1369 = tpu.vector_load %arg5[%get3A_1368] {strides = array<i32>} : memref<512xi32, #tpu.memory_space<vmem>>, vector<16xi32>,
    %get3A_1370 = vector.shape_cast %get3A_1369 : vector<16xi32> to vector<16xi32>
    %add3A_1371 = arith.constant 4000 : i32
    %add3A_1372 = vector.broadcast %add3A_1371 : i32 to vector<16xi32>
    %add3A_1373 = arith.addi %get3A_1370, %add3A_1372 : vector<16xi32>
    %swap3A_1374 = arith.constant 112 : index
    %swap3A_1375 = tpu.vector_load %arg6[%swap3A_1374] {strides = array<i32>} : memref<512xi32, #tpu.memory_space<vmem>>, vector<16xi32>,
    %swap3A_1376 = vector.shape_cast %swap3A_1375 : vector<16xi32> to vector<16xi32>
    %swap3A_1377 = vector.shape_cast %add3A_1373 : vector<16xi32> to vector<16xi32>
    tpu.vector_store %arg6[%swap3A_1374], %swap3A_1377 {strides = array<i32>} : memref<512xi32, #tpu.memory_space<vmem>>, vector<16xi32>,
    %get3A_1378 = arith.constant 128 : index
    %get3A_1379 = tpu.vector_load %arg5[%get3A_1378] {strides = array<i32>} : memref<512xi32, #tpu.memory_space<vmem>>, vector<16xi32>,
    %get3A_1380 = vector.shape_cast %get3A_1379 : vector<16xi32> to vector<16xi32>
    %add3A_1381 = arith.constant 4000 : i32
    %add3A_1382 = vector.broadcast %add3A_1381 : i32 to vector<16xi32>
    %add3A_1383 = arith.addi %get3A_1380, %add3A_1382 : vector<16xi32>
    %swap3A_1384 = arith.constant 128 : index
    %swap3A_1385 = tpu.vector_load %arg6[%swap3A_1384] {strides = array<i32>} : memref<512xi32, #tpu.memory_space<vmem>>, vector<16xi32>,
    %swap3A_1386 = vector.shape_cast %swap3A_1385 : vector<16xi32> to vector<16xi32>
    %swap3A_1387 = vector.shape_cast %add3A_1383 : vector<16xi32> to vector<16xi32>
    tpu.vector_store %arg6[%swap3A_1384], %swap3A_1387 {strides = array<i32>} : memref<512xi32, #tpu.memory_space<vmem>>, vector<16xi32>,
    %get3A_1388 = arith.constant 144 : index
    %get3A_1389 = tpu.vector_load %arg5[%get3A_1388] {strides = array<i32>} : memref<512xi32, #tpu.memory_space<vmem>>, vector<16xi32>,
    %get3A_1390 = vector.shape_cast %get3A_1389 : vector<16xi32> to vector<16xi32>
    %add3A_1391 = arith.constant 4000 : i32
    %add3A_1392 = vector.broadcast %add3A_1391 : i32 to vector<16xi32>
    %add3A_1393 = arith.addi %get3A_1390, %add3A_1392 : vector<16xi32>
    %swap3A_1394 = arith.constant 144 : index
    %swap3A_1395 = tpu.vector_load %arg6[%swap3A_1394] {strides = array<i32>} : memref<512xi32, #tpu.memory_space<vmem>>, vector<16xi32>,
    %swap3A_1396 = vector.shape_cast %swap3A_1395 : vector<16xi32> to vector<16xi32>
    %swap3A_1397 = vector.shape_cast %add3A_1393 : vector<16xi32> to vector<16xi32>
    tpu.vector_store %arg6[%swap3A_1394], %swap3A_1397 {strides = array<i32>} : memref<512xi32, #tpu.memory_space<vmem>>, vector<16xi32>,
    %get3A_1398 = arith.constant 160 : index
    %get3A_1399 = tpu.vector_load %arg5[%get3A_1398] {strides = array<i32>} : memref<512xi32, #tpu.memory_space<vmem>>, vector<16xi32>,
    %get3A_1400 = vector.shape_cast %get3A_1399 : vector<16xi32> to vector<16xi32>
    %add3A_1401 = arith.constant 4000 : i32
    %add3A_1402 = vector.broadcast %add3A_1401 : i32 to vector<16xi32>
    %add3A_1403 = arith.addi %get3A_1400, %add3A_1402 : vector<16xi32>
    %swap3A_1404 = arith.constant 160 : index
    %swap3A_1405 = tpu.vector_load %arg6[%swap3A_1404] {strides = array<i32>} : memref<512xi32, #tpu.memory_space<vmem>>, vector<16xi32>,
    %swap3A_1406 = vector.shape_cast %swap3A_1405 : vector<16xi32> to vector<16xi32>
    %swap3A_1407 = vector.shape_cast %add3A_1403 : vector<16xi32> to vector<16xi32>
    tpu.vector_store %arg6[%swap3A_1404], %swap3A_1407 {strides = array<i32>} : memref<512xi32, #tpu.memory_space<vmem>>, vector<16xi32>,
    %get3A_1408 = arith.constant 176 : index
    %get3A_1409 = tpu.vector_load %arg5[%get3A_1408] {strides = array<i32>} : memref<512xi32, #tpu.memory_space<vmem>>, vector<16xi32>,
    %get3A_1410 = vector.shape_cast %get3A_1409 : vector<16xi32> to vector<16xi32>
    %add3A_1411 = arith.constant 4000 : i32
    %add3A_1412 = vector.broadcast %add3A_1411 : i32 to vector<16xi32>
    %add3A_1413 = arith.addi %get3A_1410, %add3A_1412 : vector<16xi32>
    %swap3A_1414 = arith.constant 176 : index
    %swap3A_1415 = tpu.vector_load %arg6[%swap3A_1414] {strides = array<i32>} : memref<512xi32, #tpu.memory_space<vmem>>, vector<16xi32>,
    %swap3A_1416 = vector.shape_cast %swap3A_1415 : vector<16xi32> to vector<16xi32>
    %swap3A_1417 = vector.shape_cast %add3A_1413 : vector<16xi32> to vector<16xi32>
    tpu.vector_store %arg6[%swap3A_1414], %swap3A_1417 {strides = array<i32>} : memref<512xi32, #tpu.memory_space<vmem>>, vector<16xi32>,
    %get3A_1418 = arith.constant 192 : index
    %get3A_1419 = tpu.vector_load %arg5[%get3A_1418] {strides = array<i32>} : memref<512xi32, #tpu.memory_space<vmem>>, vector<16xi32>,
    %get3A_1420 = vector.shape_cast %get3A_1419 : vector<16xi32> to vector<16xi32>
    %add3A_1421 = arith.constant 4000 : i32
    %add3A_1422 = vector.broadcast %add3A_1421 : i32 to vector<16xi32>
    %add3A_1423 = arith.addi %get3A_1420, %add3A_1422 : vector<16xi32>
    %swap3A_1424 = arith.constant 192 : index
    %swap3A_1425 = tpu.vector_load %arg6[%swap3A_1424] {strides = array<i32>} : memref<512xi32, #tpu.memory_space<vmem>>, vector<16xi32>,
    %swap3A_1426 = vector.shape_cast %swap3A_1425 : vector<16xi32> to vector<16xi32>
    %swap3A_1427 = vector.shape_cast %add3A_1423 : vector<16xi32> to vector<16xi32>
    tpu.vector_store %arg6[%swap3A_1424], %swap3A_1427 {strides = array<i32>} : memref<512xi32, #tpu.memory_space<vmem>>, vector<16xi32>,
    %get3A_1428 = arith.constant 208 : index
    %get3A_1429 = tpu.vector_load %arg5[%get3A_1428] {strides = array<i32>} : memref<512xi32, #tpu.memory_space<vmem>>, vector<16xi32>,
    %get3A_1430 = vector.shape_cast %get3A_1429 : vector<16xi32> to vector<16xi32>
    %add3A_1431 = arith.constant 4000 : i32
    %add3A_1432 = vector.broadcast %add3A_1431 : i32 to vector<16xi32>
    %add3A_1433 = arith.addi %get3A_1430, %add3A_1432 : vector<16xi32>
    %swap3A_1434 = arith.constant 208 : index
    %swap3A_1435 = tpu.vector_load %arg6[%swap3A_1434] {strides = array<i32>} : memref<512xi32, #tpu.memory_space<vmem>>, vector<16xi32>,
    %swap3A_1436 = vector.shape_cast %swap3A_1435 : vector<16xi32> to vector<16xi32>
    %swap3A_1437 = vector.shape_cast %add3A_1433 : vector<16xi32> to vector<16xi32>
    tpu.vector_store %arg6[%swap3A_1434], %swap3A_1437 {strides = array<i32>} : memref<512xi32, #tpu.memory_space<vmem>>, vector<16xi32>,
    %get3A_1438 = arith.constant 224 : index
    %get3A_1439 = tpu.vector_load %arg5[%get3A_1438] {strides = array<i32>} : memref<512xi32, #tpu.memory_space<vmem>>, vector<16xi32>,
    %get3A_1440 = vector.shape_cast %get3A_1439 : vector<16xi32> to vector<16xi32>
    %add3A_1441 = arith.constant 4000 : i32
    %add3A_1442 = vector.broadcast %add3A_1441 : i32 to vector<16xi32>
    %add3A_1443 = arith.addi %get3A_1440, %add3A_1442 : vector<16xi32>
    %swap3A_1444 = arith.constant 224 : index
    %swap3A_1445 = tpu.vector_load %arg6[%swap3A_1444] {strides = array<i32>} : memref<512xi32, #tpu.memory_space<vmem>>, vector<16xi32>,
    %swap3A_1446 = vector.shape_cast %swap3A_1445 : vector<16xi32> to vector<16xi32>
    %swap3A_1447 = vector.shape_cast %add3A_1443 : vector<16xi32> to vector<16xi32>
    tpu.vector_store %arg6[%swap3A_1444], %swap3A_1447 {strides = array<i32>} : memref<512xi32, #tpu.memory_space<vmem>>, vector<16xi32>,
    %get3A_1448 = arith.constant 240 : index
    %get3A_1449 = tpu.vector_load %arg5[%get3A_1448] {strides = array<i32>} : memref<512xi32, #tpu.memory_space<vmem>>, vector<16xi32>,
    %get3A_1450 = vector.shape_cast %get3A_1449 : vector<16xi32> to vector<16xi32>
    %add3A_1451 = arith.constant 4000 : i32
    %add3A_1452 = vector.broadcast %add3A_1451 : i32 to vector<16xi32>
    %add3A_1453 = arith.addi %get3A_1450, %add3A_1452 : vector<16xi32>
    %swap3A_1454 = arith.constant 240 : index
    %swap3A_1455 = tpu.vector_load %arg6[%swap3A_1454] {strides = array<i32>} : memref<512xi32, #tpu.memory_space<vmem>>, vector<16xi32>,
    %swap3A_1456 = vector.shape_cast %swap3A_1455 : vector<16xi32> to vector<16xi32>
    %swap3A_1457 = vector.shape_cast %add3A_1453 : vector<16xi32> to vector<16xi32>
    tpu.vector_store %arg6[%swap3A_1454], %swap3A_1457 {strides = array<i32>} : memref<512xi32, #tpu.memory_space<vmem>>, vector<16xi32>,
    %get3A_1458 = arith.constant 256 : index
    %get3A_1459 = tpu.vector_load %arg5[%get3A_1458] {strides = array<i32>} : memref<512xi32, #tpu.memory_space<vmem>>, vector<16xi32>,
    %get3A_1460 = vector.shape_cast %get3A_1459 : vector<16xi32> to vector<16xi32>
    %add3A_1461 = arith.constant 4000 : i32
    %add3A_1462 = vector.broadcast %add3A_1461 : i32 to vector<16xi32>
    %add3A_1463 = arith.addi %get3A_1460, %add3A_1462 : vector<16xi32>
    %swap3A_1464 = arith.constant 256 : index
    %swap3A_1465 = tpu.vector_load %arg6[%swap3A_1464] {strides = array<i32>} : memref<512xi32, #tpu.memory_space<vmem>>, vector<16xi32>,
    %swap3A_1466 = vector.shape_cast %swap3A_1465 : vector<16xi32> to vector<16xi32>
    %swap3A_1467 = vector.shape_cast %add3A_1463 : vector<16xi32> to vector<16xi32>
    tpu.vector_store %arg6[%swap3A_1464], %swap3A_1467 {strides = array<i32>} : memref<512xi32, #tpu.memory_space<vmem>>, vector<16xi32>,
    %get3A_1468 = arith.constant 272 : index
    %get3A_1469 = tpu.vector_load %arg5[%get3A_1468] {strides = array<i32>} : memref<512xi32, #tpu.memory_space<vmem>>, vector<16xi32>,
    %get3A_1470 = vector.shape_cast %get3A_1469 : vector<16xi32> to vector<16xi32>
    %add3A_1471 = arith.constant 4000 : i32
    %add3A_1472 = vector.broadcast %add3A_1471 : i32 to vector<16xi32>
    %add3A_1473 = arith.addi %get3A_1470, %add3A_1472 : vector<16xi32>
    %swap3A_1474 = arith.constant 272 : index
    %swap3A_1475 = tpu.vector_load %arg6[%swap3A_1474] {strides = array<i32>} : memref<512xi32, #tpu.memory_space<vmem>>, vector<16xi32>,
    %swap3A_1476 = vector.shape_cast %swap3A_1475 : vector<16xi32> to vector<16xi32>
    %swap3A_1477 = vector.shape_cast %add3A_1473 : vector<16xi32> to vector<16xi32>
    tpu.vector_store %arg6[%swap3A_1474], %swap3A_1477 {strides = array<i32>} : memref<512xi32, #tpu.memory_space<vmem>>, vector<16xi32>,
    %get3A_1478 = arith.constant 288 : index
    %get3A_1479 = tpu.vector_load %arg5[%get3A_1478] {strides = array<i32>} : memref<512xi32, #tpu.memory_space<vmem>>, vector<16xi32>,
    %get3A_1480 = vector.shape_cast %get3A_1479 : vector<16xi32> to vector<16xi32>
    %add3A_1481 = arith.constant 4000 : i32
    %add3A_1482 = vector.broadcast %add3A_1481 : i32 to vector<16xi32>
    %add3A_1483 = arith.addi %get3A_1480, %add3A_1482 : vector<16xi32>
    %swap3A_1484 = arith.constant 288 : index
    %swap3A_1485 = tpu.vector_load %arg6[%swap3A_1484] {strides = array<i32>} : memref<512xi32, #tpu.memory_space<vmem>>, vector<16xi32>,
    %swap3A_1486 = vector.shape_cast %swap3A_1485 : vector<16xi32> to vector<16xi32>
    %swap3A_1487 = vector.shape_cast %add3A_1483 : vector<16xi32> to vector<16xi32>
    tpu.vector_store %arg6[%swap3A_1484], %swap3A_1487 {strides = array<i32>} : memref<512xi32, #tpu.memory_space<vmem>>, vector<16xi32>,
    %get3A_1488 = arith.constant 304 : index
    %get3A_1489 = tpu.vector_load %arg5[%get3A_1488] {strides = array<i32>} : memref<512xi32, #tpu.memory_space<vmem>>, vector<16xi32>,
    %get3A_1490 = vector.shape_cast %get3A_1489 : vector<16xi32> to vector<16xi32>
    %add3A_1491 = arith.constant 4000 : i32
    %add3A_1492 = vector.broadcast %add3A_1491 : i32 to vector<16xi32>
    %add3A_1493 = arith.addi %get3A_1490, %add3A_1492 : vector<16xi32>
    %swap3A_1494 = arith.constant 304 : index
    %swap3A_1495 = tpu.vector_load %arg6[%swap3A_1494] {strides = array<i32>} : memref<512xi32, #tpu.memory_space<vmem>>, vector<16xi32>,
    %swap3A_1496 = vector.shape_cast %swap3A_1495 : vector<16xi32> to vector<16xi32>
    %swap3A_1497 = vector.shape_cast %add3A_1493 : vector<16xi32> to vector<16xi32>
    tpu.vector_store %arg6[%swap3A_1494], %swap3A_1497 {strides = array<i32>} : memref<512xi32, #tpu.memory_space<vmem>>, vector<16xi32>,
    %get3A_1498 = arith.constant 320 : index
    %get3A_1499 = tpu.vector_load %arg5[%get3A_1498] {strides = array<i32>} : memref<512xi32, #tpu.memory_space<vmem>>, vector<16xi32>,
    %get3A_1500 = vector.shape_cast %get3A_1499 : vector<16xi32> to vector<16xi32>
    %add3A_1501 = arith.constant 4000 : i32
    %add3A_1502 = vector.broadcast %add3A_1501 : i32 to vector<16xi32>
    %add3A_1503 = arith.addi %get3A_1500, %add3A_1502 : vector<16xi32>
    %swap3A_1504 = arith.constant 320 : index
    %swap3A_1505 = tpu.vector_load %arg6[%swap3A_1504] {strides = array<i32>} : memref<512xi32, #tpu.memory_space<vmem>>, vector<16xi32>,
    %swap3A_1506 = vector.shape_cast %swap3A_1505 : vector<16xi32> to vector<16xi32>
    %swap3A_1507 = vector.shape_cast %add3A_1503 : vector<16xi32> to vector<16xi32>
    tpu.vector_store %arg6[%swap3A_1504], %swap3A_1507 {strides = array<i32>} : memref<512xi32, #tpu.memory_space<vmem>>, vector<16xi32>,
    %get3A_1508 = arith.constant 336 : index
    %get3A_1509 = tpu.vector_load %arg5[%get3A_1508] {strides = array<i32>} : memref<512xi32, #tpu.memory_space<vmem>>, vector<16xi32>,
    %get3A_1510 = vector.shape_cast %get3A_1509 : vector<16xi32> to vector<16xi32>
    %add3A_1511 = arith.constant 4000 : i32
    %add3A_1512 = vector.broadcast %add3A_1511 : i32 to vector<16xi32>
    %add3A_1513 = arith.addi %get3A_1510, %add3A_1512 : vector<16xi32>
    %swap3A_1514 = arith.constant 336 : index
    %swap3A_1515 = tpu.vector_load %arg6[%swap3A_1514] {strides = array<i32>} : memref<512xi32, #tpu.memory_space<vmem>>, vector<16xi32>,
    %swap3A_1516 = vector.shape_cast %swap3A_1515 : vector<16xi32> to vector<16xi32>
    %swap3A_1517 = vector.shape_cast %add3A_1513 : vector<16xi32> to vector<16xi32>
    tpu.vector_store %arg6[%swap3A_1514], %swap3A_1517 {strides = array<i32>} : memref<512xi32, #tpu.memory_space<vmem>>, vector<16xi32>,
    %get3A_1518 = arith.constant 352 : index
    %get3A_1519 = tpu.vector_load %arg5[%get3A_1518] {strides = array<i32>} : memref<512xi32, #tpu.memory_space<vmem>>, vector<16xi32>,
    %get3A_1520 = vector.shape_cast %get3A_1519 : vector<16xi32> to vector<16xi32>
    %add3A_1521 = arith.constant 4000 : i32
    %add3A_1522 = vector.broadcast %add3A_1521 : i32 to vector<16xi32>
    %add3A_1523 = arith.addi %get3A_1520, %add3A_1522 : vector<16xi32>
    %swap3A_1524 = arith.constant 352 : index
    %swap3A_1525 = tpu.vector_load %arg6[%swap3A_1524] {strides = array<i32>} : memref<512xi32, #tpu.memory_space<vmem>>, vector<16xi32>,
    %swap3A_1526 = vector.shape_cast %swap3A_1525 : vector<16xi32> to vector<16xi32>
    %swap3A_1527 = vector.shape_cast %add3A_1523 : vector<16xi32> to vector<16xi32>
    tpu.vector_store %arg6[%swap3A_1524], %swap3A_1527 {strides = array<i32>} : memref<512xi32, #tpu.memory_space<vmem>>, vector<16xi32>,
    %get3A_1528 = arith.constant 368 : index
    %get3A_1529 = tpu.vector_load %arg5[%get3A_1528] {strides = array<i32>} : memref<512xi32, #tpu.memory_space<vmem>>, vector<16xi32>,
    %get3A_1530 = vector.shape_cast %get3A_1529 : vector<16xi32> to vector<16xi32>
    %add3A_1531 = arith.constant 4000 : i32
    %add3A_1532 = vector.broadcast %add3A_1531 : i32 to vector<16xi32>
    %add3A_1533 = arith.addi %get3A_1530, %add3A_1532 : vector<16xi32>
    %swap3A_1534 = arith.constant 368 : index
    %swap3A_1535 = tpu.vector_load %arg6[%swap3A_1534] {strides = array<i32>} : memref<512xi32, #tpu.memory_space<vmem>>, vector<16xi32>,
    %swap3A_1536 = vector.shape_cast %swap3A_1535 : vector<16xi32> to vector<16xi32>
    %swap3A_1537 = vector.shape_cast %add3A_1533 : vector<16xi32> to vector<16xi32>
    tpu.vector_store %arg6[%swap3A_1534], %swap3A_1537 {strides = array<i32>} : memref<512xi32, #tpu.memory_space<vmem>>, vector<16xi32>,
    %get3A_1538 = arith.constant 384 : index
    %get3A_1539 = tpu.vector_load %arg5[%get3A_1538] {strides = array<i32>} : memref<512xi32, #tpu.memory_space<vmem>>, vector<16xi32>,
    %get3A_1540 = vector.shape_cast %get3A_1539 : vector<16xi32> to vector<16xi32>
    %add3A_1541 = arith.constant 4000 : i32
    %add3A_1542 = vector.broadcast %add3A_1541 : i32 to vector<16xi32>
    %add3A_1543 = arith.addi %get3A_1540, %add3A_1542 : vector<16xi32>
    %swap3A_1544 = arith.constant 384 : index
    %swap3A_1545 = tpu.vector_load %arg6[%swap3A_1544] {strides = array<i32>} : memref<512xi32, #tpu.memory_space<vmem>>, vector<16xi32>,
    %swap3A_1546 = vector.shape_cast %swap3A_1545 : vector<16xi32> to vector<16xi32>
    %swap3A_1547 = vector.shape_cast %add3A_1543 : vector<16xi32> to vector<16xi32>
    tpu.vector_store %arg6[%swap3A_1544], %swap3A_1547 {strides = array<i32>} : memref<512xi32, #tpu.memory_space<vmem>>, vector<16xi32>,
    %get3A_1548 = arith.constant 400 : index
    %get3A_1549 = tpu.vector_load %arg5[%get3A_1548] {strides = array<i32>} : memref<512xi32, #tpu.memory_space<vmem>>, vector<16xi32>,
    %get3A_1550 = vector.shape_cast %get3A_1549 : vector<16xi32> to vector<16xi32>
    %add3A_1551 = arith.constant 4000 : i32
    %add3A_1552 = vector.broadcast %add3A_1551 : i32 to vector<16xi32>
    %add3A_1553 = arith.addi %get3A_1550, %add3A_1552 : vector<16xi32>
    %swap3A_1554 = arith.constant 400 : index
    %swap3A_1555 = tpu.vector_load %arg6[%swap3A_1554] {strides = array<i32>} : memref<512xi32, #tpu.memory_space<vmem>>, vector<16xi32>,
    %swap3A_1556 = vector.shape_cast %swap3A_1555 : vector<16xi32> to vector<16xi32>
    %swap3A_1557 = vector.shape_cast %add3A_1553 : vector<16xi32> to vector<16xi32>
    tpu.vector_store %arg6[%swap3A_1554], %swap3A_1557 {strides = array<i32>} : memref<512xi32, #tpu.memory_space<vmem>>, vector<16xi32>,
    %get3A_1558 = arith.constant 416 : index
    %get3A_1559 = tpu.vector_load %arg5[%get3A_1558] {strides = array<i32>} : memref<512xi32, #tpu.memory_space<vmem>>, vector<16xi32>,
    %get3A_1560 = vector.shape_cast %get3A_1559 : vector<16xi32> to vector<16xi32>
    %add3A_1561 = arith.constant 4000 : i32
    %add3A_1562 = vector.broadcast %add3A_1561 : i32 to vector<16xi32>
    %add3A_1563 = arith.addi %get3A_1560, %add3A_1562 : vector<16xi32>
    %swap3A_1564 = arith.constant 416 : index
    %swap3A_1565 = tpu.vector_load %arg6[%swap3A_1564] {strides = array<i32>} : memref<512xi32, #tpu.memory_space<vmem>>, vector<16xi32>,
    %swap3A_1566 = vector.shape_cast %swap3A_1565 : vector<16xi32> to vector<16xi32>
    %swap3A_1567 = vector.shape_cast %add3A_1563 : vector<16xi32> to vector<16xi32>
    tpu.vector_store %arg6[%swap3A_1564], %swap3A_1567 {strides = array<i32>} : memref<512xi32, #tpu.memory_space<vmem>>, vector<16xi32>,
    %get3A_1568 = arith.constant 432 : index
    %get3A_1569 = tpu.vector_load %arg5[%get3A_1568] {strides = array<i32>} : memref<512xi32, #tpu.memory_space<vmem>>, vector<16xi32>,
    %get3A_1570 = vector.shape_cast %get3A_1569 : vector<16xi32> to vector<16xi32>
    %add3A_1571 = arith.constant 4000 : i32
    %add3A_1572 = vector.broadcast %add3A_1571 : i32 to vector<16xi32>
    %add3A_1573 = arith.addi %get3A_1570, %add3A_1572 : vector<16xi32>
    %swap3A_1574 = arith.constant 432 : index
    %swap3A_1575 = tpu.vector_load %arg6[%swap3A_1574] {strides = array<i32>} : memref<512xi32, #tpu.memory_space<vmem>>, vector<16xi32>,
    %swap3A_1576 = vector.shape_cast %swap3A_1575 : vector<16xi32> to vector<16xi32>
    %swap3A_1577 = vector.shape_cast %add3A_1573 : vector<16xi32> to vector<16xi32>
    tpu.vector_store %arg6[%swap3A_1574], %swap3A_1577 {strides = array<i32>} : memref<512xi32, #tpu.memory_space<vmem>>, vector<16xi32>,
    %get3A_1578 = arith.constant 448 : index
    %get3A_1579 = tpu.vector_load %arg5[%get3A_1578] {strides = array<i32>} : memref<512xi32, #tpu.memory_space<vmem>>, vector<16xi32>,
    %get3A_1580 = vector.shape_cast %get3A_1579 : vector<16xi32> to vector<16xi32>
    %add3A_1581 = arith.constant 4000 : i32
    %add3A_1582 = vector.broadcast %add3A_1581 : i32 to vector<16xi32>
    %add3A_1583 = arith.addi %get3A_1580, %add3A_1582 : vector<16xi32>
    %swap3A_1584 = arith.constant 448 : index
    %swap3A_1585 = tpu.vector_load %arg6[%swap3A_1584] {strides = array<i32>} : memref<512xi32, #tpu.memory_space<vmem>>, vector<16xi32>,
    %swap3A_1586 = vector.shape_cast %swap3A_1585 : vector<16xi32> to vector<16xi32>
    %swap3A_1587 = vector.shape_cast %add3A_1583 : vector<16xi32> to vector<16xi32>
    tpu.vector_store %arg6[%swap3A_1584], %swap3A_1587 {strides = array<i32>} : memref<512xi32, #tpu.memory_space<vmem>>, vector<16xi32>,
    %get3A_1588 = arith.constant 464 : index
    %get3A_1589 = tpu.vector_load %arg5[%get3A_1588] {strides = array<i32>} : memref<512xi32, #tpu.memory_space<vmem>>, vector<16xi32>,
    %get3A_1590 = vector.shape_cast %get3A_1589 : vector<16xi32> to vector<16xi32>
    %add3A_1591 = arith.constant 4000 : i32
    %add3A_1592 = vector.broadcast %add3A_1591 : i32 to vector<16xi32>
    %add3A_1593 = arith.addi %get3A_1590, %add3A_1592 : vector<16xi32>
    %swap3A_1594 = arith.constant 464 : index
    %swap3A_1595 = tpu.vector_load %arg6[%swap3A_1594] {strides = array<i32>} : memref<512xi32, #tpu.memory_space<vmem>>, vector<16xi32>,
    %swap3A_1596 = vector.shape_cast %swap3A_1595 : vector<16xi32> to vector<16xi32>
    %swap3A_1597 = vector.shape_cast %add3A_1593 : vector<16xi32> to vector<16xi32>
    tpu.vector_store %arg6[%swap3A_1594], %swap3A_1597 {strides = array<i32>} : memref<512xi32, #tpu.memory_space<vmem>>, vector<16xi32>,
    %get3A_1598 = arith.constant 480 : index
    %get3A_1599 = tpu.vector_load %arg5[%get3A_1598] {strides = array<i32>} : memref<512xi32, #tpu.memory_space<vmem>>, vector<16xi32>,
    %get3A_1600 = vector.shape_cast %get3A_1599 : vector<16xi32> to vector<16xi32>
    %add3A_1601 = arith.constant 4000 : i32
    %add3A_1602 = vector.broadcast %add3A_1601 : i32 to vector<16xi32>
    %add3A_1603 = arith.addi %get3A_1600, %add3A_1602 : vector<16xi32>
    %swap3A_1604 = arith.constant 480 : index
    %swap3A_1605 = tpu.vector_load %arg6[%swap3A_1604] {strides = array<i32>} : memref<512xi32, #tpu.memory_space<vmem>>, vector<16xi32>,
    %swap3A_1606 = vector.shape_cast %swap3A_1605 : vector<16xi32> to vector<16xi32>
    %swap3A_1607 = vector.shape_cast %add3A_1603 : vector<16xi32> to vector<16xi32>
    tpu.vector_store %arg6[%swap3A_1604], %swap3A_1607 {strides = array<i32>} : memref<512xi32, #tpu.memory_space<vmem>>, vector<16xi32>,
    %get3A_1608 = arith.constant 496 : index
    %get3A_1609 = tpu.vector_load %arg5[%get3A_1608] {strides = array<i32>} : memref<512xi32, #tpu.memory_space<vmem>>, vector<16xi32>,
    %get3A_1610 = vector.shape_cast %get3A_1609 : vector<16xi32> to vector<16xi32>
    %add3A_1611 = arith.constant 4000 : i32
    %add3A_1612 = vector.broadcast %add3A_1611 : i32 to vector<16xi32>
    %add3A_1613 = arith.addi %get3A_1610, %add3A_1612 : vector<16xi32>
    %swap3A_1614 = arith.constant 496 : index
    %swap3A_1615 = tpu.vector_load %arg6[%swap3A_1614] {strides = array<i32>} : memref<512xi32, #tpu.memory_space<vmem>>, vector<16xi32>,
    %swap3A_1616 = vector.shape_cast %swap3A_1615 : vector<16xi32> to vector<16xi32>
    %swap3A_1617 = vector.shape_cast %add3A_1613 : vector<16xi32> to vector<16xi32>
    tpu.vector_store %arg6[%swap3A_1614], %swap3A_1617 {strides = array<i32>} : memref<512xi32, #tpu.memory_space<vmem>>, vector<16xi32>,
    %dma_start3A_1618 = arith.constant 0 : i32
    %dma_start3A_1619 = tpu.memref_slice %arg2[%dma_start3A_1618] : memref<8000xf32, #tpu.memory_space<hbm>> -> memref<8000xf32, #tpu.memory_space<hbm>>
    tpu.enqueue_indirect_dma source(%dma_start3A_1619 : memref<8000xf32, #tpu.memory_space<hbm>>) target(%arg7 : memref<512xf32, #tpu.memory_space<vmem>>) offsets(%arg6 : memref<512xi32, #tpu.memory_space<vmem>>) semaphore(%arg8 : memref<!tpu.dma_semaphore, #tpu.memory_space<semaphore_mem>>)
    %dma_wait3A_1620 = arith.constant 0 : i32
    %dma_wait3A_1621 = tpu.memref_slice %arg2[%dma_wait3A_1620] : memref<8000xf32, #tpu.memory_space<hbm>> -> memref<8000xf32, #tpu.memory_space<hbm>>
    tpu.wait_indirect_dma semaphore(%arg8 : memref<!tpu.dma_semaphore, #tpu.memory_space<semaphore_mem>>) src(%dma_wait3A_1621 : memref<8000xf32, #tpu.memory_space<hbm>>) dst(%arg7 : memref<512xf32, #tpu.memory_space<vmem>>)
    %run_scoped3A_1622 = arith.constant 4 : i32
    "tpu.region"() ({
      %run_scoped3A_2598 = tpu.sem_alloc : memref<!tpu.dma_semaphore, #tpu.memory_space<semaphore_mem>>
      %dma_start3A_2599 = tpu.memref_slice %arg4[%run_scoped3A_1622, %mul3A_2] : memref<8x16384xf32, #tpu.memory_space<hbm>> -> memref<1x512xf32, #tpu.memory_space<hbm>>
      %dma_start3A_2600 = tpu.memref_squeeze %dma_start3A_2599 : memref<1x512xf32, #tpu.memory_space<hbm>> -> memref<512xf32, #tpu.memory_space<hbm>>
      %dma_start3A_2601 = tpu.memref_slice %arg4[%run_scoped3A_1622, %mul3A_2] : memref<8x16384xf32, #tpu.memory_space<hbm>> -> memref<1x512xf32, #tpu.memory_space<hbm>>
      %dma_start3A_2602 = tpu.memref_squeeze %dma_start3A_2601 : memref<1x512xf32, #tpu.memory_space<hbm>> -> memref<512xf32, #tpu.memory_space<hbm>>
      tpu.enqueue_dma source(%arg7 : memref<512xf32, #tpu.memory_space<vmem>>) target(%dma_start3A_2602 : memref<512xf32, #tpu.memory_space<hbm>>) target_semaphore(%run_scoped3A_2598 : memref<!tpu.dma_semaphore, #tpu.memory_space<semaphore_mem>>)
      %dma_wait3A_2603 = tpu.memref_slice %arg4[%run_scoped3A_1622, %mul3A_2] : memref<8x16384xf32, #tpu.memory_space<hbm>> -> memref<1x512xf32, #tpu.memory_space<hbm>>
      %dma_wait3A_2604 = tpu.memref_squeeze %dma_wait3A_2603 : memref<1x512xf32, #tpu.memory_space<hbm>> -> memref<512xf32, #tpu.memory_space<hbm>>
      %dma_wait3A_2605 = tpu.memref_slice %arg4[%run_scoped3A_1622, %mul3A_2] : memref<8x16384xf32, #tpu.memory_space<hbm>> -> memref<1x512xf32, #tpu.memory_space<hbm>>
      %dma_wait3A_2606 = tpu.memref_squeeze %dma_wait3A_2605 : memref<1x512xf32, #tpu.memory_space<hbm>> -> memref<512xf32, #tpu.memory_space<hbm>>
      tpu.wait_dma2 semaphore(%run_scoped3A_2598 : memref<!tpu.dma_semaphore, #tpu.memory_space<semaphore_mem>>) src(%arg7 : memref<512xf32, #tpu.memory_space<vmem>>) dst(%dma_wait3A_2606 : memref<512xf32, #tpu.memory_space<hbm>>)
      tpu.yield
    }) : () -> ()
    %get3A_1623 = arith.constant 0 : index
    %get3A_1624 = tpu.vector_load %arg5[%get3A_1623] {strides = array<i32>} : memref<512xi32, #tpu.memory_space<vmem>>, vector<16xi32>,
    %get3A_1625 = vector.shape_cast %get3A_1624 : vector<16xi32> to vector<16xi32>
    %add3A_1626 = arith.constant 5000 : i32
    %add3A_1627 = vector.broadcast %add3A_1626 : i32 to vector<16xi32>
    %add3A_1628 = arith.addi %get3A_1625, %add3A_1627 : vector<16xi32>
    %swap3A_1629 = arith.constant 0 : index
    %swap3A_1630 = tpu.vector_load %arg6[%swap3A_1629] {strides = array<i32>} : memref<512xi32, #tpu.memory_space<vmem>>, vector<16xi32>,
    %swap3A_1631 = vector.shape_cast %swap3A_1630 : vector<16xi32> to vector<16xi32>
    %swap3A_1632 = vector.shape_cast %add3A_1628 : vector<16xi32> to vector<16xi32>
    tpu.vector_store %arg6[%swap3A_1629], %swap3A_1632 {strides = array<i32>} : memref<512xi32, #tpu.memory_space<vmem>>, vector<16xi32>,
    %get3A_1633 = arith.constant 16 : index
    %get3A_1634 = tpu.vector_load %arg5[%get3A_1633] {strides = array<i32>} : memref<512xi32, #tpu.memory_space<vmem>>, vector<16xi32>,
    %get3A_1635 = vector.shape_cast %get3A_1634 : vector<16xi32> to vector<16xi32>
    %add3A_1636 = arith.constant 5000 : i32
    %add3A_1637 = vector.broadcast %add3A_1636 : i32 to vector<16xi32>
    %add3A_1638 = arith.addi %get3A_1635, %add3A_1637 : vector<16xi32>
    %swap3A_1639 = arith.constant 16 : index
    %swap3A_1640 = tpu.vector_load %arg6[%swap3A_1639] {strides = array<i32>} : memref<512xi32, #tpu.memory_space<vmem>>, vector<16xi32>,
    %swap3A_1641 = vector.shape_cast %swap3A_1640 : vector<16xi32> to vector<16xi32>
    %swap3A_1642 = vector.shape_cast %add3A_1638 : vector<16xi32> to vector<16xi32>
    tpu.vector_store %arg6[%swap3A_1639], %swap3A_1642 {strides = array<i32>} : memref<512xi32, #tpu.memory_space<vmem>>, vector<16xi32>,
    %get3A_1643 = arith.constant 32 : index
    %get3A_1644 = tpu.vector_load %arg5[%get3A_1643] {strides = array<i32>} : memref<512xi32, #tpu.memory_space<vmem>>, vector<16xi32>,
    %get3A_1645 = vector.shape_cast %get3A_1644 : vector<16xi32> to vector<16xi32>
    %add3A_1646 = arith.constant 5000 : i32
    %add3A_1647 = vector.broadcast %add3A_1646 : i32 to vector<16xi32>
    %add3A_1648 = arith.addi %get3A_1645, %add3A_1647 : vector<16xi32>
    %swap3A_1649 = arith.constant 32 : index
    %swap3A_1650 = tpu.vector_load %arg6[%swap3A_1649] {strides = array<i32>} : memref<512xi32, #tpu.memory_space<vmem>>, vector<16xi32>,
    %swap3A_1651 = vector.shape_cast %swap3A_1650 : vector<16xi32> to vector<16xi32>
    %swap3A_1652 = vector.shape_cast %add3A_1648 : vector<16xi32> to vector<16xi32>
    tpu.vector_store %arg6[%swap3A_1649], %swap3A_1652 {strides = array<i32>} : memref<512xi32, #tpu.memory_space<vmem>>, vector<16xi32>,
    %get3A_1653 = arith.constant 48 : index
    %get3A_1654 = tpu.vector_load %arg5[%get3A_1653] {strides = array<i32>} : memref<512xi32, #tpu.memory_space<vmem>>, vector<16xi32>,
    %get3A_1655 = vector.shape_cast %get3A_1654 : vector<16xi32> to vector<16xi32>
    %add3A_1656 = arith.constant 5000 : i32
    %add3A_1657 = vector.broadcast %add3A_1656 : i32 to vector<16xi32>
    %add3A_1658 = arith.addi %get3A_1655, %add3A_1657 : vector<16xi32>
    %swap3A_1659 = arith.constant 48 : index
    %swap3A_1660 = tpu.vector_load %arg6[%swap3A_1659] {strides = array<i32>} : memref<512xi32, #tpu.memory_space<vmem>>, vector<16xi32>,
    %swap3A_1661 = vector.shape_cast %swap3A_1660 : vector<16xi32> to vector<16xi32>
    %swap3A_1662 = vector.shape_cast %add3A_1658 : vector<16xi32> to vector<16xi32>
    tpu.vector_store %arg6[%swap3A_1659], %swap3A_1662 {strides = array<i32>} : memref<512xi32, #tpu.memory_space<vmem>>, vector<16xi32>,
    %get3A_1663 = arith.constant 64 : index
    %get3A_1664 = tpu.vector_load %arg5[%get3A_1663] {strides = array<i32>} : memref<512xi32, #tpu.memory_space<vmem>>, vector<16xi32>,
    %get3A_1665 = vector.shape_cast %get3A_1664 : vector<16xi32> to vector<16xi32>
    %add3A_1666 = arith.constant 5000 : i32
    %add3A_1667 = vector.broadcast %add3A_1666 : i32 to vector<16xi32>
    %add3A_1668 = arith.addi %get3A_1665, %add3A_1667 : vector<16xi32>
    %swap3A_1669 = arith.constant 64 : index
    %swap3A_1670 = tpu.vector_load %arg6[%swap3A_1669] {strides = array<i32>} : memref<512xi32, #tpu.memory_space<vmem>>, vector<16xi32>,
    %swap3A_1671 = vector.shape_cast %swap3A_1670 : vector<16xi32> to vector<16xi32>
    %swap3A_1672 = vector.shape_cast %add3A_1668 : vector<16xi32> to vector<16xi32>
    tpu.vector_store %arg6[%swap3A_1669], %swap3A_1672 {strides = array<i32>} : memref<512xi32, #tpu.memory_space<vmem>>, vector<16xi32>,
    %get3A_1673 = arith.constant 80 : index
    %get3A_1674 = tpu.vector_load %arg5[%get3A_1673] {strides = array<i32>} : memref<512xi32, #tpu.memory_space<vmem>>, vector<16xi32>,
    %get3A_1675 = vector.shape_cast %get3A_1674 : vector<16xi32> to vector<16xi32>
    %add3A_1676 = arith.constant 5000 : i32
    %add3A_1677 = vector.broadcast %add3A_1676 : i32 to vector<16xi32>
    %add3A_1678 = arith.addi %get3A_1675, %add3A_1677 : vector<16xi32>
    %swap3A_1679 = arith.constant 80 : index
    %swap3A_1680 = tpu.vector_load %arg6[%swap3A_1679] {strides = array<i32>} : memref<512xi32, #tpu.memory_space<vmem>>, vector<16xi32>,
    %swap3A_1681 = vector.shape_cast %swap3A_1680 : vector<16xi32> to vector<16xi32>
    %swap3A_1682 = vector.shape_cast %add3A_1678 : vector<16xi32> to vector<16xi32>
    tpu.vector_store %arg6[%swap3A_1679], %swap3A_1682 {strides = array<i32>} : memref<512xi32, #tpu.memory_space<vmem>>, vector<16xi32>,
    %get3A_1683 = arith.constant 96 : index
    %get3A_1684 = tpu.vector_load %arg5[%get3A_1683] {strides = array<i32>} : memref<512xi32, #tpu.memory_space<vmem>>, vector<16xi32>,
    %get3A_1685 = vector.shape_cast %get3A_1684 : vector<16xi32> to vector<16xi32>
    %add3A_1686 = arith.constant 5000 : i32
    %add3A_1687 = vector.broadcast %add3A_1686 : i32 to vector<16xi32>
    %add3A_1688 = arith.addi %get3A_1685, %add3A_1687 : vector<16xi32>
    %swap3A_1689 = arith.constant 96 : index
    %swap3A_1690 = tpu.vector_load %arg6[%swap3A_1689] {strides = array<i32>} : memref<512xi32, #tpu.memory_space<vmem>>, vector<16xi32>,
    %swap3A_1691 = vector.shape_cast %swap3A_1690 : vector<16xi32> to vector<16xi32>
    %swap3A_1692 = vector.shape_cast %add3A_1688 : vector<16xi32> to vector<16xi32>
    tpu.vector_store %arg6[%swap3A_1689], %swap3A_1692 {strides = array<i32>} : memref<512xi32, #tpu.memory_space<vmem>>, vector<16xi32>,
    %get3A_1693 = arith.constant 112 : index
    %get3A_1694 = tpu.vector_load %arg5[%get3A_1693] {strides = array<i32>} : memref<512xi32, #tpu.memory_space<vmem>>, vector<16xi32>,
    %get3A_1695 = vector.shape_cast %get3A_1694 : vector<16xi32> to vector<16xi32>
    %add3A_1696 = arith.constant 5000 : i32
    %add3A_1697 = vector.broadcast %add3A_1696 : i32 to vector<16xi32>
    %add3A_1698 = arith.addi %get3A_1695, %add3A_1697 : vector<16xi32>
    %swap3A_1699 = arith.constant 112 : index
    %swap3A_1700 = tpu.vector_load %arg6[%swap3A_1699] {strides = array<i32>} : memref<512xi32, #tpu.memory_space<vmem>>, vector<16xi32>,
    %swap3A_1701 = vector.shape_cast %swap3A_1700 : vector<16xi32> to vector<16xi32>
    %swap3A_1702 = vector.shape_cast %add3A_1698 : vector<16xi32> to vector<16xi32>
    tpu.vector_store %arg6[%swap3A_1699], %swap3A_1702 {strides = array<i32>} : memref<512xi32, #tpu.memory_space<vmem>>, vector<16xi32>,
    %get3A_1703 = arith.constant 128 : index
    %get3A_1704 = tpu.vector_load %arg5[%get3A_1703] {strides = array<i32>} : memref<512xi32, #tpu.memory_space<vmem>>, vector<16xi32>,
    %get3A_1705 = vector.shape_cast %get3A_1704 : vector<16xi32> to vector<16xi32>
    %add3A_1706 = arith.constant 5000 : i32
    %add3A_1707 = vector.broadcast %add3A_1706 : i32 to vector<16xi32>
    %add3A_1708 = arith.addi %get3A_1705, %add3A_1707 : vector<16xi32>
    %swap3A_1709 = arith.constant 128 : index
    %swap3A_1710 = tpu.vector_load %arg6[%swap3A_1709] {strides = array<i32>} : memref<512xi32, #tpu.memory_space<vmem>>, vector<16xi32>,
    %swap3A_1711 = vector.shape_cast %swap3A_1710 : vector<16xi32> to vector<16xi32>
    %swap3A_1712 = vector.shape_cast %add3A_1708 : vector<16xi32> to vector<16xi32>
    tpu.vector_store %arg6[%swap3A_1709], %swap3A_1712 {strides = array<i32>} : memref<512xi32, #tpu.memory_space<vmem>>, vector<16xi32>,
    %get3A_1713 = arith.constant 144 : index
    %get3A_1714 = tpu.vector_load %arg5[%get3A_1713] {strides = array<i32>} : memref<512xi32, #tpu.memory_space<vmem>>, vector<16xi32>,
    %get3A_1715 = vector.shape_cast %get3A_1714 : vector<16xi32> to vector<16xi32>
    %add3A_1716 = arith.constant 5000 : i32
    %add3A_1717 = vector.broadcast %add3A_1716 : i32 to vector<16xi32>
    %add3A_1718 = arith.addi %get3A_1715, %add3A_1717 : vector<16xi32>
    %swap3A_1719 = arith.constant 144 : index
    %swap3A_1720 = tpu.vector_load %arg6[%swap3A_1719] {strides = array<i32>} : memref<512xi32, #tpu.memory_space<vmem>>, vector<16xi32>,
    %swap3A_1721 = vector.shape_cast %swap3A_1720 : vector<16xi32> to vector<16xi32>
    %swap3A_1722 = vector.shape_cast %add3A_1718 : vector<16xi32> to vector<16xi32>
    tpu.vector_store %arg6[%swap3A_1719], %swap3A_1722 {strides = array<i32>} : memref<512xi32, #tpu.memory_space<vmem>>, vector<16xi32>,
    %get3A_1723 = arith.constant 160 : index
    %get3A_1724 = tpu.vector_load %arg5[%get3A_1723] {strides = array<i32>} : memref<512xi32, #tpu.memory_space<vmem>>, vector<16xi32>,
    %get3A_1725 = vector.shape_cast %get3A_1724 : vector<16xi32> to vector<16xi32>
    %add3A_1726 = arith.constant 5000 : i32
    %add3A_1727 = vector.broadcast %add3A_1726 : i32 to vector<16xi32>
    %add3A_1728 = arith.addi %get3A_1725, %add3A_1727 : vector<16xi32>
    %swap3A_1729 = arith.constant 160 : index
    %swap3A_1730 = tpu.vector_load %arg6[%swap3A_1729] {strides = array<i32>} : memref<512xi32, #tpu.memory_space<vmem>>, vector<16xi32>,
    %swap3A_1731 = vector.shape_cast %swap3A_1730 : vector<16xi32> to vector<16xi32>
    %swap3A_1732 = vector.shape_cast %add3A_1728 : vector<16xi32> to vector<16xi32>
    tpu.vector_store %arg6[%swap3A_1729], %swap3A_1732 {strides = array<i32>} : memref<512xi32, #tpu.memory_space<vmem>>, vector<16xi32>,
    %get3A_1733 = arith.constant 176 : index
    %get3A_1734 = tpu.vector_load %arg5[%get3A_1733] {strides = array<i32>} : memref<512xi32, #tpu.memory_space<vmem>>, vector<16xi32>,
    %get3A_1735 = vector.shape_cast %get3A_1734 : vector<16xi32> to vector<16xi32>
    %add3A_1736 = arith.constant 5000 : i32
    %add3A_1737 = vector.broadcast %add3A_1736 : i32 to vector<16xi32>
    %add3A_1738 = arith.addi %get3A_1735, %add3A_1737 : vector<16xi32>
    %swap3A_1739 = arith.constant 176 : index
    %swap3A_1740 = tpu.vector_load %arg6[%swap3A_1739] {strides = array<i32>} : memref<512xi32, #tpu.memory_space<vmem>>, vector<16xi32>,
    %swap3A_1741 = vector.shape_cast %swap3A_1740 : vector<16xi32> to vector<16xi32>
    %swap3A_1742 = vector.shape_cast %add3A_1738 : vector<16xi32> to vector<16xi32>
    tpu.vector_store %arg6[%swap3A_1739], %swap3A_1742 {strides = array<i32>} : memref<512xi32, #tpu.memory_space<vmem>>, vector<16xi32>,
    %get3A_1743 = arith.constant 192 : index
    %get3A_1744 = tpu.vector_load %arg5[%get3A_1743] {strides = array<i32>} : memref<512xi32, #tpu.memory_space<vmem>>, vector<16xi32>,
    %get3A_1745 = vector.shape_cast %get3A_1744 : vector<16xi32> to vector<16xi32>
    %add3A_1746 = arith.constant 5000 : i32
    %add3A_1747 = vector.broadcast %add3A_1746 : i32 to vector<16xi32>
    %add3A_1748 = arith.addi %get3A_1745, %add3A_1747 : vector<16xi32>
    %swap3A_1749 = arith.constant 192 : index
    %swap3A_1750 = tpu.vector_load %arg6[%swap3A_1749] {strides = array<i32>} : memref<512xi32, #tpu.memory_space<vmem>>, vector<16xi32>,
    %swap3A_1751 = vector.shape_cast %swap3A_1750 : vector<16xi32> to vector<16xi32>
    %swap3A_1752 = vector.shape_cast %add3A_1748 : vector<16xi32> to vector<16xi32>
    tpu.vector_store %arg6[%swap3A_1749], %swap3A_1752 {strides = array<i32>} : memref<512xi32, #tpu.memory_space<vmem>>, vector<16xi32>,
    %get3A_1753 = arith.constant 208 : index
    %get3A_1754 = tpu.vector_load %arg5[%get3A_1753] {strides = array<i32>} : memref<512xi32, #tpu.memory_space<vmem>>, vector<16xi32>,
    %get3A_1755 = vector.shape_cast %get3A_1754 : vector<16xi32> to vector<16xi32>
    %add3A_1756 = arith.constant 5000 : i32
    %add3A_1757 = vector.broadcast %add3A_1756 : i32 to vector<16xi32>
    %add3A_1758 = arith.addi %get3A_1755, %add3A_1757 : vector<16xi32>
    %swap3A_1759 = arith.constant 208 : index
    %swap3A_1760 = tpu.vector_load %arg6[%swap3A_1759] {strides = array<i32>} : memref<512xi32, #tpu.memory_space<vmem>>, vector<16xi32>,
    %swap3A_1761 = vector.shape_cast %swap3A_1760 : vector<16xi32> to vector<16xi32>
    %swap3A_1762 = vector.shape_cast %add3A_1758 : vector<16xi32> to vector<16xi32>
    tpu.vector_store %arg6[%swap3A_1759], %swap3A_1762 {strides = array<i32>} : memref<512xi32, #tpu.memory_space<vmem>>, vector<16xi32>,
    %get3A_1763 = arith.constant 224 : index
    %get3A_1764 = tpu.vector_load %arg5[%get3A_1763] {strides = array<i32>} : memref<512xi32, #tpu.memory_space<vmem>>, vector<16xi32>,
    %get3A_1765 = vector.shape_cast %get3A_1764 : vector<16xi32> to vector<16xi32>
    %add3A_1766 = arith.constant 5000 : i32
    %add3A_1767 = vector.broadcast %add3A_1766 : i32 to vector<16xi32>
    %add3A_1768 = arith.addi %get3A_1765, %add3A_1767 : vector<16xi32>
    %swap3A_1769 = arith.constant 224 : index
    %swap3A_1770 = tpu.vector_load %arg6[%swap3A_1769] {strides = array<i32>} : memref<512xi32, #tpu.memory_space<vmem>>, vector<16xi32>,
    %swap3A_1771 = vector.shape_cast %swap3A_1770 : vector<16xi32> to vector<16xi32>
    %swap3A_1772 = vector.shape_cast %add3A_1768 : vector<16xi32> to vector<16xi32>
    tpu.vector_store %arg6[%swap3A_1769], %swap3A_1772 {strides = array<i32>} : memref<512xi32, #tpu.memory_space<vmem>>, vector<16xi32>,
    %get3A_1773 = arith.constant 240 : index
    %get3A_1774 = tpu.vector_load %arg5[%get3A_1773] {strides = array<i32>} : memref<512xi32, #tpu.memory_space<vmem>>, vector<16xi32>,
    %get3A_1775 = vector.shape_cast %get3A_1774 : vector<16xi32> to vector<16xi32>
    %add3A_1776 = arith.constant 5000 : i32
    %add3A_1777 = vector.broadcast %add3A_1776 : i32 to vector<16xi32>
    %add3A_1778 = arith.addi %get3A_1775, %add3A_1777 : vector<16xi32>
    %swap3A_1779 = arith.constant 240 : index
    %swap3A_1780 = tpu.vector_load %arg6[%swap3A_1779] {strides = array<i32>} : memref<512xi32, #tpu.memory_space<vmem>>, vector<16xi32>,
    %swap3A_1781 = vector.shape_cast %swap3A_1780 : vector<16xi32> to vector<16xi32>
    %swap3A_1782 = vector.shape_cast %add3A_1778 : vector<16xi32> to vector<16xi32>
    tpu.vector_store %arg6[%swap3A_1779], %swap3A_1782 {strides = array<i32>} : memref<512xi32, #tpu.memory_space<vmem>>, vector<16xi32>,
    %get3A_1783 = arith.constant 256 : index
    %get3A_1784 = tpu.vector_load %arg5[%get3A_1783] {strides = array<i32>} : memref<512xi32, #tpu.memory_space<vmem>>, vector<16xi32>,
    %get3A_1785 = vector.shape_cast %get3A_1784 : vector<16xi32> to vector<16xi32>
    %add3A_1786 = arith.constant 5000 : i32
    %add3A_1787 = vector.broadcast %add3A_1786 : i32 to vector<16xi32>
    %add3A_1788 = arith.addi %get3A_1785, %add3A_1787 : vector<16xi32>
    %swap3A_1789 = arith.constant 256 : index
    %swap3A_1790 = tpu.vector_load %arg6[%swap3A_1789] {strides = array<i32>} : memref<512xi32, #tpu.memory_space<vmem>>, vector<16xi32>,
    %swap3A_1791 = vector.shape_cast %swap3A_1790 : vector<16xi32> to vector<16xi32>
    %swap3A_1792 = vector.shape_cast %add3A_1788 : vector<16xi32> to vector<16xi32>
    tpu.vector_store %arg6[%swap3A_1789], %swap3A_1792 {strides = array<i32>} : memref<512xi32, #tpu.memory_space<vmem>>, vector<16xi32>,
    %get3A_1793 = arith.constant 272 : index
    %get3A_1794 = tpu.vector_load %arg5[%get3A_1793] {strides = array<i32>} : memref<512xi32, #tpu.memory_space<vmem>>, vector<16xi32>,
    %get3A_1795 = vector.shape_cast %get3A_1794 : vector<16xi32> to vector<16xi32>
    %add3A_1796 = arith.constant 5000 : i32
    %add3A_1797 = vector.broadcast %add3A_1796 : i32 to vector<16xi32>
    %add3A_1798 = arith.addi %get3A_1795, %add3A_1797 : vector<16xi32>
    %swap3A_1799 = arith.constant 272 : index
    %swap3A_1800 = tpu.vector_load %arg6[%swap3A_1799] {strides = array<i32>} : memref<512xi32, #tpu.memory_space<vmem>>, vector<16xi32>,
    %swap3A_1801 = vector.shape_cast %swap3A_1800 : vector<16xi32> to vector<16xi32>
    %swap3A_1802 = vector.shape_cast %add3A_1798 : vector<16xi32> to vector<16xi32>
    tpu.vector_store %arg6[%swap3A_1799], %swap3A_1802 {strides = array<i32>} : memref<512xi32, #tpu.memory_space<vmem>>, vector<16xi32>,
    %get3A_1803 = arith.constant 288 : index
    %get3A_1804 = tpu.vector_load %arg5[%get3A_1803] {strides = array<i32>} : memref<512xi32, #tpu.memory_space<vmem>>, vector<16xi32>,
    %get3A_1805 = vector.shape_cast %get3A_1804 : vector<16xi32> to vector<16xi32>
    %add3A_1806 = arith.constant 5000 : i32
    %add3A_1807 = vector.broadcast %add3A_1806 : i32 to vector<16xi32>
    %add3A_1808 = arith.addi %get3A_1805, %add3A_1807 : vector<16xi32>
    %swap3A_1809 = arith.constant 288 : index
    %swap3A_1810 = tpu.vector_load %arg6[%swap3A_1809] {strides = array<i32>} : memref<512xi32, #tpu.memory_space<vmem>>, vector<16xi32>,
    %swap3A_1811 = vector.shape_cast %swap3A_1810 : vector<16xi32> to vector<16xi32>
    %swap3A_1812 = vector.shape_cast %add3A_1808 : vector<16xi32> to vector<16xi32>
    tpu.vector_store %arg6[%swap3A_1809], %swap3A_1812 {strides = array<i32>} : memref<512xi32, #tpu.memory_space<vmem>>, vector<16xi32>,
    %get3A_1813 = arith.constant 304 : index
    %get3A_1814 = tpu.vector_load %arg5[%get3A_1813] {strides = array<i32>} : memref<512xi32, #tpu.memory_space<vmem>>, vector<16xi32>,
    %get3A_1815 = vector.shape_cast %get3A_1814 : vector<16xi32> to vector<16xi32>
    %add3A_1816 = arith.constant 5000 : i32
    %add3A_1817 = vector.broadcast %add3A_1816 : i32 to vector<16xi32>
    %add3A_1818 = arith.addi %get3A_1815, %add3A_1817 : vector<16xi32>
    %swap3A_1819 = arith.constant 304 : index
    %swap3A_1820 = tpu.vector_load %arg6[%swap3A_1819] {strides = array<i32>} : memref<512xi32, #tpu.memory_space<vmem>>, vector<16xi32>,
    %swap3A_1821 = vector.shape_cast %swap3A_1820 : vector<16xi32> to vector<16xi32>
    %swap3A_1822 = vector.shape_cast %add3A_1818 : vector<16xi32> to vector<16xi32>
    tpu.vector_store %arg6[%swap3A_1819], %swap3A_1822 {strides = array<i32>} : memref<512xi32, #tpu.memory_space<vmem>>, vector<16xi32>,
    %get3A_1823 = arith.constant 320 : index
    %get3A_1824 = tpu.vector_load %arg5[%get3A_1823] {strides = array<i32>} : memref<512xi32, #tpu.memory_space<vmem>>, vector<16xi32>,
    %get3A_1825 = vector.shape_cast %get3A_1824 : vector<16xi32> to vector<16xi32>
    %add3A_1826 = arith.constant 5000 : i32
    %add3A_1827 = vector.broadcast %add3A_1826 : i32 to vector<16xi32>
    %add3A_1828 = arith.addi %get3A_1825, %add3A_1827 : vector<16xi32>
    %swap3A_1829 = arith.constant 320 : index
    %swap3A_1830 = tpu.vector_load %arg6[%swap3A_1829] {strides = array<i32>} : memref<512xi32, #tpu.memory_space<vmem>>, vector<16xi32>,
    %swap3A_1831 = vector.shape_cast %swap3A_1830 : vector<16xi32> to vector<16xi32>
    %swap3A_1832 = vector.shape_cast %add3A_1828 : vector<16xi32> to vector<16xi32>
    tpu.vector_store %arg6[%swap3A_1829], %swap3A_1832 {strides = array<i32>} : memref<512xi32, #tpu.memory_space<vmem>>, vector<16xi32>,
    %get3A_1833 = arith.constant 336 : index
    %get3A_1834 = tpu.vector_load %arg5[%get3A_1833] {strides = array<i32>} : memref<512xi32, #tpu.memory_space<vmem>>, vector<16xi32>,
    %get3A_1835 = vector.shape_cast %get3A_1834 : vector<16xi32> to vector<16xi32>
    %add3A_1836 = arith.constant 5000 : i32
    %add3A_1837 = vector.broadcast %add3A_1836 : i32 to vector<16xi32>
    %add3A_1838 = arith.addi %get3A_1835, %add3A_1837 : vector<16xi32>
    %swap3A_1839 = arith.constant 336 : index
    %swap3A_1840 = tpu.vector_load %arg6[%swap3A_1839] {strides = array<i32>} : memref<512xi32, #tpu.memory_space<vmem>>, vector<16xi32>,
    %swap3A_1841 = vector.shape_cast %swap3A_1840 : vector<16xi32> to vector<16xi32>
    %swap3A_1842 = vector.shape_cast %add3A_1838 : vector<16xi32> to vector<16xi32>
    tpu.vector_store %arg6[%swap3A_1839], %swap3A_1842 {strides = array<i32>} : memref<512xi32, #tpu.memory_space<vmem>>, vector<16xi32>,
    %get3A_1843 = arith.constant 352 : index
    %get3A_1844 = tpu.vector_load %arg5[%get3A_1843] {strides = array<i32>} : memref<512xi32, #tpu.memory_space<vmem>>, vector<16xi32>,
    %get3A_1845 = vector.shape_cast %get3A_1844 : vector<16xi32> to vector<16xi32>
    %add3A_1846 = arith.constant 5000 : i32
    %add3A_1847 = vector.broadcast %add3A_1846 : i32 to vector<16xi32>
    %add3A_1848 = arith.addi %get3A_1845, %add3A_1847 : vector<16xi32>
    %swap3A_1849 = arith.constant 352 : index
    %swap3A_1850 = tpu.vector_load %arg6[%swap3A_1849] {strides = array<i32>} : memref<512xi32, #tpu.memory_space<vmem>>, vector<16xi32>,
    %swap3A_1851 = vector.shape_cast %swap3A_1850 : vector<16xi32> to vector<16xi32>
    %swap3A_1852 = vector.shape_cast %add3A_1848 : vector<16xi32> to vector<16xi32>
    tpu.vector_store %arg6[%swap3A_1849], %swap3A_1852 {strides = array<i32>} : memref<512xi32, #tpu.memory_space<vmem>>, vector<16xi32>,
    %get3A_1853 = arith.constant 368 : index
    %get3A_1854 = tpu.vector_load %arg5[%get3A_1853] {strides = array<i32>} : memref<512xi32, #tpu.memory_space<vmem>>, vector<16xi32>,
    %get3A_1855 = vector.shape_cast %get3A_1854 : vector<16xi32> to vector<16xi32>
    %add3A_1856 = arith.constant 5000 : i32
    %add3A_1857 = vector.broadcast %add3A_1856 : i32 to vector<16xi32>
    %add3A_1858 = arith.addi %get3A_1855, %add3A_1857 : vector<16xi32>
    %swap3A_1859 = arith.constant 368 : index
    %swap3A_1860 = tpu.vector_load %arg6[%swap3A_1859] {strides = array<i32>} : memref<512xi32, #tpu.memory_space<vmem>>, vector<16xi32>,
    %swap3A_1861 = vector.shape_cast %swap3A_1860 : vector<16xi32> to vector<16xi32>
    %swap3A_1862 = vector.shape_cast %add3A_1858 : vector<16xi32> to vector<16xi32>
    tpu.vector_store %arg6[%swap3A_1859], %swap3A_1862 {strides = array<i32>} : memref<512xi32, #tpu.memory_space<vmem>>, vector<16xi32>,
    %get3A_1863 = arith.constant 384 : index
    %get3A_1864 = tpu.vector_load %arg5[%get3A_1863] {strides = array<i32>} : memref<512xi32, #tpu.memory_space<vmem>>, vector<16xi32>,
    %get3A_1865 = vector.shape_cast %get3A_1864 : vector<16xi32> to vector<16xi32>
    %add3A_1866 = arith.constant 5000 : i32
    %add3A_1867 = vector.broadcast %add3A_1866 : i32 to vector<16xi32>
    %add3A_1868 = arith.addi %get3A_1865, %add3A_1867 : vector<16xi32>
    %swap3A_1869 = arith.constant 384 : index
    %swap3A_1870 = tpu.vector_load %arg6[%swap3A_1869] {strides = array<i32>} : memref<512xi32, #tpu.memory_space<vmem>>, vector<16xi32>,
    %swap3A_1871 = vector.shape_cast %swap3A_1870 : vector<16xi32> to vector<16xi32>
    %swap3A_1872 = vector.shape_cast %add3A_1868 : vector<16xi32> to vector<16xi32>
    tpu.vector_store %arg6[%swap3A_1869], %swap3A_1872 {strides = array<i32>} : memref<512xi32, #tpu.memory_space<vmem>>, vector<16xi32>,
    %get3A_1873 = arith.constant 400 : index
    %get3A_1874 = tpu.vector_load %arg5[%get3A_1873] {strides = array<i32>} : memref<512xi32, #tpu.memory_space<vmem>>, vector<16xi32>,
    %get3A_1875 = vector.shape_cast %get3A_1874 : vector<16xi32> to vector<16xi32>
    %add3A_1876 = arith.constant 5000 : i32
    %add3A_1877 = vector.broadcast %add3A_1876 : i32 to vector<16xi32>
    %add3A_1878 = arith.addi %get3A_1875, %add3A_1877 : vector<16xi32>
    %swap3A_1879 = arith.constant 400 : index
    %swap3A_1880 = tpu.vector_load %arg6[%swap3A_1879] {strides = array<i32>} : memref<512xi32, #tpu.memory_space<vmem>>, vector<16xi32>,
    %swap3A_1881 = vector.shape_cast %swap3A_1880 : vector<16xi32> to vector<16xi32>
    %swap3A_1882 = vector.shape_cast %add3A_1878 : vector<16xi32> to vector<16xi32>
    tpu.vector_store %arg6[%swap3A_1879], %swap3A_1882 {strides = array<i32>} : memref<512xi32, #tpu.memory_space<vmem>>, vector<16xi32>,
    %get3A_1883 = arith.constant 416 : index
    %get3A_1884 = tpu.vector_load %arg5[%get3A_1883] {strides = array<i32>} : memref<512xi32, #tpu.memory_space<vmem>>, vector<16xi32>,
    %get3A_1885 = vector.shape_cast %get3A_1884 : vector<16xi32> to vector<16xi32>
    %add3A_1886 = arith.constant 5000 : i32
    %add3A_1887 = vector.broadcast %add3A_1886 : i32 to vector<16xi32>
    %add3A_1888 = arith.addi %get3A_1885, %add3A_1887 : vector<16xi32>
    %swap3A_1889 = arith.constant 416 : index
    %swap3A_1890 = tpu.vector_load %arg6[%swap3A_1889] {strides = array<i32>} : memref<512xi32, #tpu.memory_space<vmem>>, vector<16xi32>,
    %swap3A_1891 = vector.shape_cast %swap3A_1890 : vector<16xi32> to vector<16xi32>
    %swap3A_1892 = vector.shape_cast %add3A_1888 : vector<16xi32> to vector<16xi32>
    tpu.vector_store %arg6[%swap3A_1889], %swap3A_1892 {strides = array<i32>} : memref<512xi32, #tpu.memory_space<vmem>>, vector<16xi32>,
    %get3A_1893 = arith.constant 432 : index
    %get3A_1894 = tpu.vector_load %arg5[%get3A_1893] {strides = array<i32>} : memref<512xi32, #tpu.memory_space<vmem>>, vector<16xi32>,
    %get3A_1895 = vector.shape_cast %get3A_1894 : vector<16xi32> to vector<16xi32>
    %add3A_1896 = arith.constant 5000 : i32
    %add3A_1897 = vector.broadcast %add3A_1896 : i32 to vector<16xi32>
    %add3A_1898 = arith.addi %get3A_1895, %add3A_1897 : vector<16xi32>
    %swap3A_1899 = arith.constant 432 : index
    %swap3A_1900 = tpu.vector_load %arg6[%swap3A_1899] {strides = array<i32>} : memref<512xi32, #tpu.memory_space<vmem>>, vector<16xi32>,
    %swap3A_1901 = vector.shape_cast %swap3A_1900 : vector<16xi32> to vector<16xi32>
    %swap3A_1902 = vector.shape_cast %add3A_1898 : vector<16xi32> to vector<16xi32>
    tpu.vector_store %arg6[%swap3A_1899], %swap3A_1902 {strides = array<i32>} : memref<512xi32, #tpu.memory_space<vmem>>, vector<16xi32>,
    %get3A_1903 = arith.constant 448 : index
    %get3A_1904 = tpu.vector_load %arg5[%get3A_1903] {strides = array<i32>} : memref<512xi32, #tpu.memory_space<vmem>>, vector<16xi32>,
    %get3A_1905 = vector.shape_cast %get3A_1904 : vector<16xi32> to vector<16xi32>
    %add3A_1906 = arith.constant 5000 : i32
    %add3A_1907 = vector.broadcast %add3A_1906 : i32 to vector<16xi32>
    %add3A_1908 = arith.addi %get3A_1905, %add3A_1907 : vector<16xi32>
    %swap3A_1909 = arith.constant 448 : index
    %swap3A_1910 = tpu.vector_load %arg6[%swap3A_1909] {strides = array<i32>} : memref<512xi32, #tpu.memory_space<vmem>>, vector<16xi32>,
    %swap3A_1911 = vector.shape_cast %swap3A_1910 : vector<16xi32> to vector<16xi32>
    %swap3A_1912 = vector.shape_cast %add3A_1908 : vector<16xi32> to vector<16xi32>
    tpu.vector_store %arg6[%swap3A_1909], %swap3A_1912 {strides = array<i32>} : memref<512xi32, #tpu.memory_space<vmem>>, vector<16xi32>,
    %get3A_1913 = arith.constant 464 : index
    %get3A_1914 = tpu.vector_load %arg5[%get3A_1913] {strides = array<i32>} : memref<512xi32, #tpu.memory_space<vmem>>, vector<16xi32>,
    %get3A_1915 = vector.shape_cast %get3A_1914 : vector<16xi32> to vector<16xi32>
    %add3A_1916 = arith.constant 5000 : i32
    %add3A_1917 = vector.broadcast %add3A_1916 : i32 to vector<16xi32>
    %add3A_1918 = arith.addi %get3A_1915, %add3A_1917 : vector<16xi32>
    %swap3A_1919 = arith.constant 464 : index
    %swap3A_1920 = tpu.vector_load %arg6[%swap3A_1919] {strides = array<i32>} : memref<512xi32, #tpu.memory_space<vmem>>, vector<16xi32>,
    %swap3A_1921 = vector.shape_cast %swap3A_1920 : vector<16xi32> to vector<16xi32>
    %swap3A_1922 = vector.shape_cast %add3A_1918 : vector<16xi32> to vector<16xi32>
    tpu.vector_store %arg6[%swap3A_1919], %swap3A_1922 {strides = array<i32>} : memref<512xi32, #tpu.memory_space<vmem>>, vector<16xi32>,
    %get3A_1923 = arith.constant 480 : index
    %get3A_1924 = tpu.vector_load %arg5[%get3A_1923] {strides = array<i32>} : memref<512xi32, #tpu.memory_space<vmem>>, vector<16xi32>,
    %get3A_1925 = vector.shape_cast %get3A_1924 : vector<16xi32> to vector<16xi32>
    %add3A_1926 = arith.constant 5000 : i32
    %add3A_1927 = vector.broadcast %add3A_1926 : i32 to vector<16xi32>
    %add3A_1928 = arith.addi %get3A_1925, %add3A_1927 : vector<16xi32>
    %swap3A_1929 = arith.constant 480 : index
    %swap3A_1930 = tpu.vector_load %arg6[%swap3A_1929] {strides = array<i32>} : memref<512xi32, #tpu.memory_space<vmem>>, vector<16xi32>,
    %swap3A_1931 = vector.shape_cast %swap3A_1930 : vector<16xi32> to vector<16xi32>
    %swap3A_1932 = vector.shape_cast %add3A_1928 : vector<16xi32> to vector<16xi32>
    tpu.vector_store %arg6[%swap3A_1929], %swap3A_1932 {strides = array<i32>} : memref<512xi32, #tpu.memory_space<vmem>>, vector<16xi32>,
    %get3A_1933 = arith.constant 496 : index
    %get3A_1934 = tpu.vector_load %arg5[%get3A_1933] {strides = array<i32>} : memref<512xi32, #tpu.memory_space<vmem>>, vector<16xi32>,
    %get3A_1935 = vector.shape_cast %get3A_1934 : vector<16xi32> to vector<16xi32>
    %add3A_1936 = arith.constant 5000 : i32
    %add3A_1937 = vector.broadcast %add3A_1936 : i32 to vector<16xi32>
    %add3A_1938 = arith.addi %get3A_1935, %add3A_1937 : vector<16xi32>
    %swap3A_1939 = arith.constant 496 : index
    %swap3A_1940 = tpu.vector_load %arg6[%swap3A_1939] {strides = array<i32>} : memref<512xi32, #tpu.memory_space<vmem>>, vector<16xi32>,
    %swap3A_1941 = vector.shape_cast %swap3A_1940 : vector<16xi32> to vector<16xi32>
    %swap3A_1942 = vector.shape_cast %add3A_1938 : vector<16xi32> to vector<16xi32>
    tpu.vector_store %arg6[%swap3A_1939], %swap3A_1942 {strides = array<i32>} : memref<512xi32, #tpu.memory_space<vmem>>, vector<16xi32>,
    %dma_start3A_1943 = arith.constant 0 : i32
    %dma_start3A_1944 = tpu.memref_slice %arg2[%dma_start3A_1943] : memref<8000xf32, #tpu.memory_space<hbm>> -> memref<8000xf32, #tpu.memory_space<hbm>>
    tpu.enqueue_indirect_dma source(%dma_start3A_1944 : memref<8000xf32, #tpu.memory_space<hbm>>) target(%arg7 : memref<512xf32, #tpu.memory_space<vmem>>) offsets(%arg6 : memref<512xi32, #tpu.memory_space<vmem>>) semaphore(%arg8 : memref<!tpu.dma_semaphore, #tpu.memory_space<semaphore_mem>>)
    %dma_wait3A_1945 = arith.constant 0 : i32
    %dma_wait3A_1946 = tpu.memref_slice %arg2[%dma_wait3A_1945] : memref<8000xf32, #tpu.memory_space<hbm>> -> memref<8000xf32, #tpu.memory_space<hbm>>
    tpu.wait_indirect_dma semaphore(%arg8 : memref<!tpu.dma_semaphore, #tpu.memory_space<semaphore_mem>>) src(%dma_wait3A_1946 : memref<8000xf32, #tpu.memory_space<hbm>>) dst(%arg7 : memref<512xf32, #tpu.memory_space<vmem>>)
    %run_scoped3A_1947 = arith.constant 5 : i32
    "tpu.region"() ({
      %run_scoped3A_2598 = tpu.sem_alloc : memref<!tpu.dma_semaphore, #tpu.memory_space<semaphore_mem>>
      %dma_start3A_2599 = tpu.memref_slice %arg4[%run_scoped3A_1947, %mul3A_2] : memref<8x16384xf32, #tpu.memory_space<hbm>> -> memref<1x512xf32, #tpu.memory_space<hbm>>
      %dma_start3A_2600 = tpu.memref_squeeze %dma_start3A_2599 : memref<1x512xf32, #tpu.memory_space<hbm>> -> memref<512xf32, #tpu.memory_space<hbm>>
      %dma_start3A_2601 = tpu.memref_slice %arg4[%run_scoped3A_1947, %mul3A_2] : memref<8x16384xf32, #tpu.memory_space<hbm>> -> memref<1x512xf32, #tpu.memory_space<hbm>>
      %dma_start3A_2602 = tpu.memref_squeeze %dma_start3A_2601 : memref<1x512xf32, #tpu.memory_space<hbm>> -> memref<512xf32, #tpu.memory_space<hbm>>
      tpu.enqueue_dma source(%arg7 : memref<512xf32, #tpu.memory_space<vmem>>) target(%dma_start3A_2602 : memref<512xf32, #tpu.memory_space<hbm>>) target_semaphore(%run_scoped3A_2598 : memref<!tpu.dma_semaphore, #tpu.memory_space<semaphore_mem>>)
      %dma_wait3A_2603 = tpu.memref_slice %arg4[%run_scoped3A_1947, %mul3A_2] : memref<8x16384xf32, #tpu.memory_space<hbm>> -> memref<1x512xf32, #tpu.memory_space<hbm>>
      %dma_wait3A_2604 = tpu.memref_squeeze %dma_wait3A_2603 : memref<1x512xf32, #tpu.memory_space<hbm>> -> memref<512xf32, #tpu.memory_space<hbm>>
      %dma_wait3A_2605 = tpu.memref_slice %arg4[%run_scoped3A_1947, %mul3A_2] : memref<8x16384xf32, #tpu.memory_space<hbm>> -> memref<1x512xf32, #tpu.memory_space<hbm>>
      %dma_wait3A_2606 = tpu.memref_squeeze %dma_wait3A_2605 : memref<1x512xf32, #tpu.memory_space<hbm>> -> memref<512xf32, #tpu.memory_space<hbm>>
      tpu.wait_dma2 semaphore(%run_scoped3A_2598 : memref<!tpu.dma_semaphore, #tpu.memory_space<semaphore_mem>>) src(%arg7 : memref<512xf32, #tpu.memory_space<vmem>>) dst(%dma_wait3A_2606 : memref<512xf32, #tpu.memory_space<hbm>>)
      tpu.yield
    }) : () -> ()
    %get3A_1948 = arith.constant 0 : index
    %get3A_1949 = tpu.vector_load %arg5[%get3A_1948] {strides = array<i32>} : memref<512xi32, #tpu.memory_space<vmem>>, vector<16xi32>,
    %get3A_1950 = vector.shape_cast %get3A_1949 : vector<16xi32> to vector<16xi32>
    %add3A_1951 = arith.constant 6000 : i32
    %add3A_1952 = vector.broadcast %add3A_1951 : i32 to vector<16xi32>
    %add3A_1953 = arith.addi %get3A_1950, %add3A_1952 : vector<16xi32>
    %swap3A_1954 = arith.constant 0 : index
    %swap3A_1955 = tpu.vector_load %arg6[%swap3A_1954] {strides = array<i32>} : memref<512xi32, #tpu.memory_space<vmem>>, vector<16xi32>,
    %swap3A_1956 = vector.shape_cast %swap3A_1955 : vector<16xi32> to vector<16xi32>
    %swap3A_1957 = vector.shape_cast %add3A_1953 : vector<16xi32> to vector<16xi32>
    tpu.vector_store %arg6[%swap3A_1954], %swap3A_1957 {strides = array<i32>} : memref<512xi32, #tpu.memory_space<vmem>>, vector<16xi32>,
    %get3A_1958 = arith.constant 16 : index
    %get3A_1959 = tpu.vector_load %arg5[%get3A_1958] {strides = array<i32>} : memref<512xi32, #tpu.memory_space<vmem>>, vector<16xi32>,
    %get3A_1960 = vector.shape_cast %get3A_1959 : vector<16xi32> to vector<16xi32>
    %add3A_1961 = arith.constant 6000 : i32
    %add3A_1962 = vector.broadcast %add3A_1961 : i32 to vector<16xi32>
    %add3A_1963 = arith.addi %get3A_1960, %add3A_1962 : vector<16xi32>
    %swap3A_1964 = arith.constant 16 : index
    %swap3A_1965 = tpu.vector_load %arg6[%swap3A_1964] {strides = array<i32>} : memref<512xi32, #tpu.memory_space<vmem>>, vector<16xi32>,
    %swap3A_1966 = vector.shape_cast %swap3A_1965 : vector<16xi32> to vector<16xi32>
    %swap3A_1967 = vector.shape_cast %add3A_1963 : vector<16xi32> to vector<16xi32>
    tpu.vector_store %arg6[%swap3A_1964], %swap3A_1967 {strides = array<i32>} : memref<512xi32, #tpu.memory_space<vmem>>, vector<16xi32>,
    %get3A_1968 = arith.constant 32 : index
    %get3A_1969 = tpu.vector_load %arg5[%get3A_1968] {strides = array<i32>} : memref<512xi32, #tpu.memory_space<vmem>>, vector<16xi32>,
    %get3A_1970 = vector.shape_cast %get3A_1969 : vector<16xi32> to vector<16xi32>
    %add3A_1971 = arith.constant 6000 : i32
    %add3A_1972 = vector.broadcast %add3A_1971 : i32 to vector<16xi32>
    %add3A_1973 = arith.addi %get3A_1970, %add3A_1972 : vector<16xi32>
    %swap3A_1974 = arith.constant 32 : index
    %swap3A_1975 = tpu.vector_load %arg6[%swap3A_1974] {strides = array<i32>} : memref<512xi32, #tpu.memory_space<vmem>>, vector<16xi32>,
    %swap3A_1976 = vector.shape_cast %swap3A_1975 : vector<16xi32> to vector<16xi32>
    %swap3A_1977 = vector.shape_cast %add3A_1973 : vector<16xi32> to vector<16xi32>
    tpu.vector_store %arg6[%swap3A_1974], %swap3A_1977 {strides = array<i32>} : memref<512xi32, #tpu.memory_space<vmem>>, vector<16xi32>,
    %get3A_1978 = arith.constant 48 : index
    %get3A_1979 = tpu.vector_load %arg5[%get3A_1978] {strides = array<i32>} : memref<512xi32, #tpu.memory_space<vmem>>, vector<16xi32>,
    %get3A_1980 = vector.shape_cast %get3A_1979 : vector<16xi32> to vector<16xi32>
    %add3A_1981 = arith.constant 6000 : i32
    %add3A_1982 = vector.broadcast %add3A_1981 : i32 to vector<16xi32>
    %add3A_1983 = arith.addi %get3A_1980, %add3A_1982 : vector<16xi32>
    %swap3A_1984 = arith.constant 48 : index
    %swap3A_1985 = tpu.vector_load %arg6[%swap3A_1984] {strides = array<i32>} : memref<512xi32, #tpu.memory_space<vmem>>, vector<16xi32>,
    %swap3A_1986 = vector.shape_cast %swap3A_1985 : vector<16xi32> to vector<16xi32>
    %swap3A_1987 = vector.shape_cast %add3A_1983 : vector<16xi32> to vector<16xi32>
    tpu.vector_store %arg6[%swap3A_1984], %swap3A_1987 {strides = array<i32>} : memref<512xi32, #tpu.memory_space<vmem>>, vector<16xi32>,
    %get3A_1988 = arith.constant 64 : index
    %get3A_1989 = tpu.vector_load %arg5[%get3A_1988] {strides = array<i32>} : memref<512xi32, #tpu.memory_space<vmem>>, vector<16xi32>,
    %get3A_1990 = vector.shape_cast %get3A_1989 : vector<16xi32> to vector<16xi32>
    %add3A_1991 = arith.constant 6000 : i32
    %add3A_1992 = vector.broadcast %add3A_1991 : i32 to vector<16xi32>
    %add3A_1993 = arith.addi %get3A_1990, %add3A_1992 : vector<16xi32>
    %swap3A_1994 = arith.constant 64 : index
    %swap3A_1995 = tpu.vector_load %arg6[%swap3A_1994] {strides = array<i32>} : memref<512xi32, #tpu.memory_space<vmem>>, vector<16xi32>,
    %swap3A_1996 = vector.shape_cast %swap3A_1995 : vector<16xi32> to vector<16xi32>
    %swap3A_1997 = vector.shape_cast %add3A_1993 : vector<16xi32> to vector<16xi32>
    tpu.vector_store %arg6[%swap3A_1994], %swap3A_1997 {strides = array<i32>} : memref<512xi32, #tpu.memory_space<vmem>>, vector<16xi32>,
    %get3A_1998 = arith.constant 80 : index
    %get3A_1999 = tpu.vector_load %arg5[%get3A_1998] {strides = array<i32>} : memref<512xi32, #tpu.memory_space<vmem>>, vector<16xi32>,
    %get3A_2000 = vector.shape_cast %get3A_1999 : vector<16xi32> to vector<16xi32>
    %add3A_2001 = arith.constant 6000 : i32
    %add3A_2002 = vector.broadcast %add3A_2001 : i32 to vector<16xi32>
    %add3A_2003 = arith.addi %get3A_2000, %add3A_2002 : vector<16xi32>
    %swap3A_2004 = arith.constant 80 : index
    %swap3A_2005 = tpu.vector_load %arg6[%swap3A_2004] {strides = array<i32>} : memref<512xi32, #tpu.memory_space<vmem>>, vector<16xi32>,
    %swap3A_2006 = vector.shape_cast %swap3A_2005 : vector<16xi32> to vector<16xi32>
    %swap3A_2007 = vector.shape_cast %add3A_2003 : vector<16xi32> to vector<16xi32>
    tpu.vector_store %arg6[%swap3A_2004], %swap3A_2007 {strides = array<i32>} : memref<512xi32, #tpu.memory_space<vmem>>, vector<16xi32>,
    %get3A_2008 = arith.constant 96 : index
    %get3A_2009 = tpu.vector_load %arg5[%get3A_2008] {strides = array<i32>} : memref<512xi32, #tpu.memory_space<vmem>>, vector<16xi32>,
    %get3A_2010 = vector.shape_cast %get3A_2009 : vector<16xi32> to vector<16xi32>
    %add3A_2011 = arith.constant 6000 : i32
    %add3A_2012 = vector.broadcast %add3A_2011 : i32 to vector<16xi32>
    %add3A_2013 = arith.addi %get3A_2010, %add3A_2012 : vector<16xi32>
    %swap3A_2014 = arith.constant 96 : index
    %swap3A_2015 = tpu.vector_load %arg6[%swap3A_2014] {strides = array<i32>} : memref<512xi32, #tpu.memory_space<vmem>>, vector<16xi32>,
    %swap3A_2016 = vector.shape_cast %swap3A_2015 : vector<16xi32> to vector<16xi32>
    %swap3A_2017 = vector.shape_cast %add3A_2013 : vector<16xi32> to vector<16xi32>
    tpu.vector_store %arg6[%swap3A_2014], %swap3A_2017 {strides = array<i32>} : memref<512xi32, #tpu.memory_space<vmem>>, vector<16xi32>,
    %get3A_2018 = arith.constant 112 : index
    %get3A_2019 = tpu.vector_load %arg5[%get3A_2018] {strides = array<i32>} : memref<512xi32, #tpu.memory_space<vmem>>, vector<16xi32>,
    %get3A_2020 = vector.shape_cast %get3A_2019 : vector<16xi32> to vector<16xi32>
    %add3A_2021 = arith.constant 6000 : i32
    %add3A_2022 = vector.broadcast %add3A_2021 : i32 to vector<16xi32>
    %add3A_2023 = arith.addi %get3A_2020, %add3A_2022 : vector<16xi32>
    %swap3A_2024 = arith.constant 112 : index
    %swap3A_2025 = tpu.vector_load %arg6[%swap3A_2024] {strides = array<i32>} : memref<512xi32, #tpu.memory_space<vmem>>, vector<16xi32>,
    %swap3A_2026 = vector.shape_cast %swap3A_2025 : vector<16xi32> to vector<16xi32>
    %swap3A_2027 = vector.shape_cast %add3A_2023 : vector<16xi32> to vector<16xi32>
    tpu.vector_store %arg6[%swap3A_2024], %swap3A_2027 {strides = array<i32>} : memref<512xi32, #tpu.memory_space<vmem>>, vector<16xi32>,
    %get3A_2028 = arith.constant 128 : index
    %get3A_2029 = tpu.vector_load %arg5[%get3A_2028] {strides = array<i32>} : memref<512xi32, #tpu.memory_space<vmem>>, vector<16xi32>,
    %get3A_2030 = vector.shape_cast %get3A_2029 : vector<16xi32> to vector<16xi32>
    %add3A_2031 = arith.constant 6000 : i32
    %add3A_2032 = vector.broadcast %add3A_2031 : i32 to vector<16xi32>
    %add3A_2033 = arith.addi %get3A_2030, %add3A_2032 : vector<16xi32>
    %swap3A_2034 = arith.constant 128 : index
    %swap3A_2035 = tpu.vector_load %arg6[%swap3A_2034] {strides = array<i32>} : memref<512xi32, #tpu.memory_space<vmem>>, vector<16xi32>,
    %swap3A_2036 = vector.shape_cast %swap3A_2035 : vector<16xi32> to vector<16xi32>
    %swap3A_2037 = vector.shape_cast %add3A_2033 : vector<16xi32> to vector<16xi32>
    tpu.vector_store %arg6[%swap3A_2034], %swap3A_2037 {strides = array<i32>} : memref<512xi32, #tpu.memory_space<vmem>>, vector<16xi32>,
    %get3A_2038 = arith.constant 144 : index
    %get3A_2039 = tpu.vector_load %arg5[%get3A_2038] {strides = array<i32>} : memref<512xi32, #tpu.memory_space<vmem>>, vector<16xi32>,
    %get3A_2040 = vector.shape_cast %get3A_2039 : vector<16xi32> to vector<16xi32>
    %add3A_2041 = arith.constant 6000 : i32
    %add3A_2042 = vector.broadcast %add3A_2041 : i32 to vector<16xi32>
    %add3A_2043 = arith.addi %get3A_2040, %add3A_2042 : vector<16xi32>
    %swap3A_2044 = arith.constant 144 : index
    %swap3A_2045 = tpu.vector_load %arg6[%swap3A_2044] {strides = array<i32>} : memref<512xi32, #tpu.memory_space<vmem>>, vector<16xi32>,
    %swap3A_2046 = vector.shape_cast %swap3A_2045 : vector<16xi32> to vector<16xi32>
    %swap3A_2047 = vector.shape_cast %add3A_2043 : vector<16xi32> to vector<16xi32>
    tpu.vector_store %arg6[%swap3A_2044], %swap3A_2047 {strides = array<i32>} : memref<512xi32, #tpu.memory_space<vmem>>, vector<16xi32>,
    %get3A_2048 = arith.constant 160 : index
    %get3A_2049 = tpu.vector_load %arg5[%get3A_2048] {strides = array<i32>} : memref<512xi32, #tpu.memory_space<vmem>>, vector<16xi32>,
    %get3A_2050 = vector.shape_cast %get3A_2049 : vector<16xi32> to vector<16xi32>
    %add3A_2051 = arith.constant 6000 : i32
    %add3A_2052 = vector.broadcast %add3A_2051 : i32 to vector<16xi32>
    %add3A_2053 = arith.addi %get3A_2050, %add3A_2052 : vector<16xi32>
    %swap3A_2054 = arith.constant 160 : index
    %swap3A_2055 = tpu.vector_load %arg6[%swap3A_2054] {strides = array<i32>} : memref<512xi32, #tpu.memory_space<vmem>>, vector<16xi32>,
    %swap3A_2056 = vector.shape_cast %swap3A_2055 : vector<16xi32> to vector<16xi32>
    %swap3A_2057 = vector.shape_cast %add3A_2053 : vector<16xi32> to vector<16xi32>
    tpu.vector_store %arg6[%swap3A_2054], %swap3A_2057 {strides = array<i32>} : memref<512xi32, #tpu.memory_space<vmem>>, vector<16xi32>,
    %get3A_2058 = arith.constant 176 : index
    %get3A_2059 = tpu.vector_load %arg5[%get3A_2058] {strides = array<i32>} : memref<512xi32, #tpu.memory_space<vmem>>, vector<16xi32>,
    %get3A_2060 = vector.shape_cast %get3A_2059 : vector<16xi32> to vector<16xi32>
    %add3A_2061 = arith.constant 6000 : i32
    %add3A_2062 = vector.broadcast %add3A_2061 : i32 to vector<16xi32>
    %add3A_2063 = arith.addi %get3A_2060, %add3A_2062 : vector<16xi32>
    %swap3A_2064 = arith.constant 176 : index
    %swap3A_2065 = tpu.vector_load %arg6[%swap3A_2064] {strides = array<i32>} : memref<512xi32, #tpu.memory_space<vmem>>, vector<16xi32>,
    %swap3A_2066 = vector.shape_cast %swap3A_2065 : vector<16xi32> to vector<16xi32>
    %swap3A_2067 = vector.shape_cast %add3A_2063 : vector<16xi32> to vector<16xi32>
    tpu.vector_store %arg6[%swap3A_2064], %swap3A_2067 {strides = array<i32>} : memref<512xi32, #tpu.memory_space<vmem>>, vector<16xi32>,
    %get3A_2068 = arith.constant 192 : index
    %get3A_2069 = tpu.vector_load %arg5[%get3A_2068] {strides = array<i32>} : memref<512xi32, #tpu.memory_space<vmem>>, vector<16xi32>,
    %get3A_2070 = vector.shape_cast %get3A_2069 : vector<16xi32> to vector<16xi32>
    %add3A_2071 = arith.constant 6000 : i32
    %add3A_2072 = vector.broadcast %add3A_2071 : i32 to vector<16xi32>
    %add3A_2073 = arith.addi %get3A_2070, %add3A_2072 : vector<16xi32>
    %swap3A_2074 = arith.constant 192 : index
    %swap3A_2075 = tpu.vector_load %arg6[%swap3A_2074] {strides = array<i32>} : memref<512xi32, #tpu.memory_space<vmem>>, vector<16xi32>,
    %swap3A_2076 = vector.shape_cast %swap3A_2075 : vector<16xi32> to vector<16xi32>
    %swap3A_2077 = vector.shape_cast %add3A_2073 : vector<16xi32> to vector<16xi32>
    tpu.vector_store %arg6[%swap3A_2074], %swap3A_2077 {strides = array<i32>} : memref<512xi32, #tpu.memory_space<vmem>>, vector<16xi32>,
    %get3A_2078 = arith.constant 208 : index
    %get3A_2079 = tpu.vector_load %arg5[%get3A_2078] {strides = array<i32>} : memref<512xi32, #tpu.memory_space<vmem>>, vector<16xi32>,
    %get3A_2080 = vector.shape_cast %get3A_2079 : vector<16xi32> to vector<16xi32>
    %add3A_2081 = arith.constant 6000 : i32
    %add3A_2082 = vector.broadcast %add3A_2081 : i32 to vector<16xi32>
    %add3A_2083 = arith.addi %get3A_2080, %add3A_2082 : vector<16xi32>
    %swap3A_2084 = arith.constant 208 : index
    %swap3A_2085 = tpu.vector_load %arg6[%swap3A_2084] {strides = array<i32>} : memref<512xi32, #tpu.memory_space<vmem>>, vector<16xi32>,
    %swap3A_2086 = vector.shape_cast %swap3A_2085 : vector<16xi32> to vector<16xi32>
    %swap3A_2087 = vector.shape_cast %add3A_2083 : vector<16xi32> to vector<16xi32>
    tpu.vector_store %arg6[%swap3A_2084], %swap3A_2087 {strides = array<i32>} : memref<512xi32, #tpu.memory_space<vmem>>, vector<16xi32>,
    %get3A_2088 = arith.constant 224 : index
    %get3A_2089 = tpu.vector_load %arg5[%get3A_2088] {strides = array<i32>} : memref<512xi32, #tpu.memory_space<vmem>>, vector<16xi32>,
    %get3A_2090 = vector.shape_cast %get3A_2089 : vector<16xi32> to vector<16xi32>
    %add3A_2091 = arith.constant 6000 : i32
    %add3A_2092 = vector.broadcast %add3A_2091 : i32 to vector<16xi32>
    %add3A_2093 = arith.addi %get3A_2090, %add3A_2092 : vector<16xi32>
    %swap3A_2094 = arith.constant 224 : index
    %swap3A_2095 = tpu.vector_load %arg6[%swap3A_2094] {strides = array<i32>} : memref<512xi32, #tpu.memory_space<vmem>>, vector<16xi32>,
    %swap3A_2096 = vector.shape_cast %swap3A_2095 : vector<16xi32> to vector<16xi32>
    %swap3A_2097 = vector.shape_cast %add3A_2093 : vector<16xi32> to vector<16xi32>
    tpu.vector_store %arg6[%swap3A_2094], %swap3A_2097 {strides = array<i32>} : memref<512xi32, #tpu.memory_space<vmem>>, vector<16xi32>,
    %get3A_2098 = arith.constant 240 : index
    %get3A_2099 = tpu.vector_load %arg5[%get3A_2098] {strides = array<i32>} : memref<512xi32, #tpu.memory_space<vmem>>, vector<16xi32>,
    %get3A_2100 = vector.shape_cast %get3A_2099 : vector<16xi32> to vector<16xi32>
    %add3A_2101 = arith.constant 6000 : i32
    %add3A_2102 = vector.broadcast %add3A_2101 : i32 to vector<16xi32>
    %add3A_2103 = arith.addi %get3A_2100, %add3A_2102 : vector<16xi32>
    %swap3A_2104 = arith.constant 240 : index
    %swap3A_2105 = tpu.vector_load %arg6[%swap3A_2104] {strides = array<i32>} : memref<512xi32, #tpu.memory_space<vmem>>, vector<16xi32>,
    %swap3A_2106 = vector.shape_cast %swap3A_2105 : vector<16xi32> to vector<16xi32>
    %swap3A_2107 = vector.shape_cast %add3A_2103 : vector<16xi32> to vector<16xi32>
    tpu.vector_store %arg6[%swap3A_2104], %swap3A_2107 {strides = array<i32>} : memref<512xi32, #tpu.memory_space<vmem>>, vector<16xi32>,
    %get3A_2108 = arith.constant 256 : index
    %get3A_2109 = tpu.vector_load %arg5[%get3A_2108] {strides = array<i32>} : memref<512xi32, #tpu.memory_space<vmem>>, vector<16xi32>,
    %get3A_2110 = vector.shape_cast %get3A_2109 : vector<16xi32> to vector<16xi32>
    %add3A_2111 = arith.constant 6000 : i32
    %add3A_2112 = vector.broadcast %add3A_2111 : i32 to vector<16xi32>
    %add3A_2113 = arith.addi %get3A_2110, %add3A_2112 : vector<16xi32>
    %swap3A_2114 = arith.constant 256 : index
    %swap3A_2115 = tpu.vector_load %arg6[%swap3A_2114] {strides = array<i32>} : memref<512xi32, #tpu.memory_space<vmem>>, vector<16xi32>,
    %swap3A_2116 = vector.shape_cast %swap3A_2115 : vector<16xi32> to vector<16xi32>
    %swap3A_2117 = vector.shape_cast %add3A_2113 : vector<16xi32> to vector<16xi32>
    tpu.vector_store %arg6[%swap3A_2114], %swap3A_2117 {strides = array<i32>} : memref<512xi32, #tpu.memory_space<vmem>>, vector<16xi32>,
    %get3A_2118 = arith.constant 272 : index
    %get3A_2119 = tpu.vector_load %arg5[%get3A_2118] {strides = array<i32>} : memref<512xi32, #tpu.memory_space<vmem>>, vector<16xi32>,
    %get3A_2120 = vector.shape_cast %get3A_2119 : vector<16xi32> to vector<16xi32>
    %add3A_2121 = arith.constant 6000 : i32
    %add3A_2122 = vector.broadcast %add3A_2121 : i32 to vector<16xi32>
    %add3A_2123 = arith.addi %get3A_2120, %add3A_2122 : vector<16xi32>
    %swap3A_2124 = arith.constant 272 : index
    %swap3A_2125 = tpu.vector_load %arg6[%swap3A_2124] {strides = array<i32>} : memref<512xi32, #tpu.memory_space<vmem>>, vector<16xi32>,
    %swap3A_2126 = vector.shape_cast %swap3A_2125 : vector<16xi32> to vector<16xi32>
    %swap3A_2127 = vector.shape_cast %add3A_2123 : vector<16xi32> to vector<16xi32>
    tpu.vector_store %arg6[%swap3A_2124], %swap3A_2127 {strides = array<i32>} : memref<512xi32, #tpu.memory_space<vmem>>, vector<16xi32>,
    %get3A_2128 = arith.constant 288 : index
    %get3A_2129 = tpu.vector_load %arg5[%get3A_2128] {strides = array<i32>} : memref<512xi32, #tpu.memory_space<vmem>>, vector<16xi32>,
    %get3A_2130 = vector.shape_cast %get3A_2129 : vector<16xi32> to vector<16xi32>
    %add3A_2131 = arith.constant 6000 : i32
    %add3A_2132 = vector.broadcast %add3A_2131 : i32 to vector<16xi32>
    %add3A_2133 = arith.addi %get3A_2130, %add3A_2132 : vector<16xi32>
    %swap3A_2134 = arith.constant 288 : index
    %swap3A_2135 = tpu.vector_load %arg6[%swap3A_2134] {strides = array<i32>} : memref<512xi32, #tpu.memory_space<vmem>>, vector<16xi32>,
    %swap3A_2136 = vector.shape_cast %swap3A_2135 : vector<16xi32> to vector<16xi32>
    %swap3A_2137 = vector.shape_cast %add3A_2133 : vector<16xi32> to vector<16xi32>
    tpu.vector_store %arg6[%swap3A_2134], %swap3A_2137 {strides = array<i32>} : memref<512xi32, #tpu.memory_space<vmem>>, vector<16xi32>,
    %get3A_2138 = arith.constant 304 : index
    %get3A_2139 = tpu.vector_load %arg5[%get3A_2138] {strides = array<i32>} : memref<512xi32, #tpu.memory_space<vmem>>, vector<16xi32>,
    %get3A_2140 = vector.shape_cast %get3A_2139 : vector<16xi32> to vector<16xi32>
    %add3A_2141 = arith.constant 6000 : i32
    %add3A_2142 = vector.broadcast %add3A_2141 : i32 to vector<16xi32>
    %add3A_2143 = arith.addi %get3A_2140, %add3A_2142 : vector<16xi32>
    %swap3A_2144 = arith.constant 304 : index
    %swap3A_2145 = tpu.vector_load %arg6[%swap3A_2144] {strides = array<i32>} : memref<512xi32, #tpu.memory_space<vmem>>, vector<16xi32>,
    %swap3A_2146 = vector.shape_cast %swap3A_2145 : vector<16xi32> to vector<16xi32>
    %swap3A_2147 = vector.shape_cast %add3A_2143 : vector<16xi32> to vector<16xi32>
    tpu.vector_store %arg6[%swap3A_2144], %swap3A_2147 {strides = array<i32>} : memref<512xi32, #tpu.memory_space<vmem>>, vector<16xi32>,
    %get3A_2148 = arith.constant 320 : index
    %get3A_2149 = tpu.vector_load %arg5[%get3A_2148] {strides = array<i32>} : memref<512xi32, #tpu.memory_space<vmem>>, vector<16xi32>,
    %get3A_2150 = vector.shape_cast %get3A_2149 : vector<16xi32> to vector<16xi32>
    %add3A_2151 = arith.constant 6000 : i32
    %add3A_2152 = vector.broadcast %add3A_2151 : i32 to vector<16xi32>
    %add3A_2153 = arith.addi %get3A_2150, %add3A_2152 : vector<16xi32>
    %swap3A_2154 = arith.constant 320 : index
    %swap3A_2155 = tpu.vector_load %arg6[%swap3A_2154] {strides = array<i32>} : memref<512xi32, #tpu.memory_space<vmem>>, vector<16xi32>,
    %swap3A_2156 = vector.shape_cast %swap3A_2155 : vector<16xi32> to vector<16xi32>
    %swap3A_2157 = vector.shape_cast %add3A_2153 : vector<16xi32> to vector<16xi32>
    tpu.vector_store %arg6[%swap3A_2154], %swap3A_2157 {strides = array<i32>} : memref<512xi32, #tpu.memory_space<vmem>>, vector<16xi32>,
    %get3A_2158 = arith.constant 336 : index
    %get3A_2159 = tpu.vector_load %arg5[%get3A_2158] {strides = array<i32>} : memref<512xi32, #tpu.memory_space<vmem>>, vector<16xi32>,
    %get3A_2160 = vector.shape_cast %get3A_2159 : vector<16xi32> to vector<16xi32>
    %add3A_2161 = arith.constant 6000 : i32
    %add3A_2162 = vector.broadcast %add3A_2161 : i32 to vector<16xi32>
    %add3A_2163 = arith.addi %get3A_2160, %add3A_2162 : vector<16xi32>
    %swap3A_2164 = arith.constant 336 : index
    %swap3A_2165 = tpu.vector_load %arg6[%swap3A_2164] {strides = array<i32>} : memref<512xi32, #tpu.memory_space<vmem>>, vector<16xi32>,
    %swap3A_2166 = vector.shape_cast %swap3A_2165 : vector<16xi32> to vector<16xi32>
    %swap3A_2167 = vector.shape_cast %add3A_2163 : vector<16xi32> to vector<16xi32>
    tpu.vector_store %arg6[%swap3A_2164], %swap3A_2167 {strides = array<i32>} : memref<512xi32, #tpu.memory_space<vmem>>, vector<16xi32>,
    %get3A_2168 = arith.constant 352 : index
    %get3A_2169 = tpu.vector_load %arg5[%get3A_2168] {strides = array<i32>} : memref<512xi32, #tpu.memory_space<vmem>>, vector<16xi32>,
    %get3A_2170 = vector.shape_cast %get3A_2169 : vector<16xi32> to vector<16xi32>
    %add3A_2171 = arith.constant 6000 : i32
    %add3A_2172 = vector.broadcast %add3A_2171 : i32 to vector<16xi32>
    %add3A_2173 = arith.addi %get3A_2170, %add3A_2172 : vector<16xi32>
    %swap3A_2174 = arith.constant 352 : index
    %swap3A_2175 = tpu.vector_load %arg6[%swap3A_2174] {strides = array<i32>} : memref<512xi32, #tpu.memory_space<vmem>>, vector<16xi32>,
    %swap3A_2176 = vector.shape_cast %swap3A_2175 : vector<16xi32> to vector<16xi32>
    %swap3A_2177 = vector.shape_cast %add3A_2173 : vector<16xi32> to vector<16xi32>
    tpu.vector_store %arg6[%swap3A_2174], %swap3A_2177 {strides = array<i32>} : memref<512xi32, #tpu.memory_space<vmem>>, vector<16xi32>,
    %get3A_2178 = arith.constant 368 : index
    %get3A_2179 = tpu.vector_load %arg5[%get3A_2178] {strides = array<i32>} : memref<512xi32, #tpu.memory_space<vmem>>, vector<16xi32>,
    %get3A_2180 = vector.shape_cast %get3A_2179 : vector<16xi32> to vector<16xi32>
    %add3A_2181 = arith.constant 6000 : i32
    %add3A_2182 = vector.broadcast %add3A_2181 : i32 to vector<16xi32>
    %add3A_2183 = arith.addi %get3A_2180, %add3A_2182 : vector<16xi32>
    %swap3A_2184 = arith.constant 368 : index
    %swap3A_2185 = tpu.vector_load %arg6[%swap3A_2184] {strides = array<i32>} : memref<512xi32, #tpu.memory_space<vmem>>, vector<16xi32>,
    %swap3A_2186 = vector.shape_cast %swap3A_2185 : vector<16xi32> to vector<16xi32>
    %swap3A_2187 = vector.shape_cast %add3A_2183 : vector<16xi32> to vector<16xi32>
    tpu.vector_store %arg6[%swap3A_2184], %swap3A_2187 {strides = array<i32>} : memref<512xi32, #tpu.memory_space<vmem>>, vector<16xi32>,
    %get3A_2188 = arith.constant 384 : index
    %get3A_2189 = tpu.vector_load %arg5[%get3A_2188] {strides = array<i32>} : memref<512xi32, #tpu.memory_space<vmem>>, vector<16xi32>,
    %get3A_2190 = vector.shape_cast %get3A_2189 : vector<16xi32> to vector<16xi32>
    %add3A_2191 = arith.constant 6000 : i32
    %add3A_2192 = vector.broadcast %add3A_2191 : i32 to vector<16xi32>
    %add3A_2193 = arith.addi %get3A_2190, %add3A_2192 : vector<16xi32>
    %swap3A_2194 = arith.constant 384 : index
    %swap3A_2195 = tpu.vector_load %arg6[%swap3A_2194] {strides = array<i32>} : memref<512xi32, #tpu.memory_space<vmem>>, vector<16xi32>,
    %swap3A_2196 = vector.shape_cast %swap3A_2195 : vector<16xi32> to vector<16xi32>
    %swap3A_2197 = vector.shape_cast %add3A_2193 : vector<16xi32> to vector<16xi32>
    tpu.vector_store %arg6[%swap3A_2194], %swap3A_2197 {strides = array<i32>} : memref<512xi32, #tpu.memory_space<vmem>>, vector<16xi32>,
    %get3A_2198 = arith.constant 400 : index
    %get3A_2199 = tpu.vector_load %arg5[%get3A_2198] {strides = array<i32>} : memref<512xi32, #tpu.memory_space<vmem>>, vector<16xi32>,
    %get3A_2200 = vector.shape_cast %get3A_2199 : vector<16xi32> to vector<16xi32>
    %add3A_2201 = arith.constant 6000 : i32
    %add3A_2202 = vector.broadcast %add3A_2201 : i32 to vector<16xi32>
    %add3A_2203 = arith.addi %get3A_2200, %add3A_2202 : vector<16xi32>
    %swap3A_2204 = arith.constant 400 : index
    %swap3A_2205 = tpu.vector_load %arg6[%swap3A_2204] {strides = array<i32>} : memref<512xi32, #tpu.memory_space<vmem>>, vector<16xi32>,
    %swap3A_2206 = vector.shape_cast %swap3A_2205 : vector<16xi32> to vector<16xi32>
    %swap3A_2207 = vector.shape_cast %add3A_2203 : vector<16xi32> to vector<16xi32>
    tpu.vector_store %arg6[%swap3A_2204], %swap3A_2207 {strides = array<i32>} : memref<512xi32, #tpu.memory_space<vmem>>, vector<16xi32>,
    %get3A_2208 = arith.constant 416 : index
    %get3A_2209 = tpu.vector_load %arg5[%get3A_2208] {strides = array<i32>} : memref<512xi32, #tpu.memory_space<vmem>>, vector<16xi32>,
    %get3A_2210 = vector.shape_cast %get3A_2209 : vector<16xi32> to vector<16xi32>
    %add3A_2211 = arith.constant 6000 : i32
    %add3A_2212 = vector.broadcast %add3A_2211 : i32 to vector<16xi32>
    %add3A_2213 = arith.addi %get3A_2210, %add3A_2212 : vector<16xi32>
    %swap3A_2214 = arith.constant 416 : index
    %swap3A_2215 = tpu.vector_load %arg6[%swap3A_2214] {strides = array<i32>} : memref<512xi32, #tpu.memory_space<vmem>>, vector<16xi32>,
    %swap3A_2216 = vector.shape_cast %swap3A_2215 : vector<16xi32> to vector<16xi32>
    %swap3A_2217 = vector.shape_cast %add3A_2213 : vector<16xi32> to vector<16xi32>
    tpu.vector_store %arg6[%swap3A_2214], %swap3A_2217 {strides = array<i32>} : memref<512xi32, #tpu.memory_space<vmem>>, vector<16xi32>,
    %get3A_2218 = arith.constant 432 : index
    %get3A_2219 = tpu.vector_load %arg5[%get3A_2218] {strides = array<i32>} : memref<512xi32, #tpu.memory_space<vmem>>, vector<16xi32>,
    %get3A_2220 = vector.shape_cast %get3A_2219 : vector<16xi32> to vector<16xi32>
    %add3A_2221 = arith.constant 6000 : i32
    %add3A_2222 = vector.broadcast %add3A_2221 : i32 to vector<16xi32>
    %add3A_2223 = arith.addi %get3A_2220, %add3A_2222 : vector<16xi32>
    %swap3A_2224 = arith.constant 432 : index
    %swap3A_2225 = tpu.vector_load %arg6[%swap3A_2224] {strides = array<i32>} : memref<512xi32, #tpu.memory_space<vmem>>, vector<16xi32>,
    %swap3A_2226 = vector.shape_cast %swap3A_2225 : vector<16xi32> to vector<16xi32>
    %swap3A_2227 = vector.shape_cast %add3A_2223 : vector<16xi32> to vector<16xi32>
    tpu.vector_store %arg6[%swap3A_2224], %swap3A_2227 {strides = array<i32>} : memref<512xi32, #tpu.memory_space<vmem>>, vector<16xi32>,
    %get3A_2228 = arith.constant 448 : index
    %get3A_2229 = tpu.vector_load %arg5[%get3A_2228] {strides = array<i32>} : memref<512xi32, #tpu.memory_space<vmem>>, vector<16xi32>,
    %get3A_2230 = vector.shape_cast %get3A_2229 : vector<16xi32> to vector<16xi32>
    %add3A_2231 = arith.constant 6000 : i32
    %add3A_2232 = vector.broadcast %add3A_2231 : i32 to vector<16xi32>
    %add3A_2233 = arith.addi %get3A_2230, %add3A_2232 : vector<16xi32>
    %swap3A_2234 = arith.constant 448 : index
    %swap3A_2235 = tpu.vector_load %arg6[%swap3A_2234] {strides = array<i32>} : memref<512xi32, #tpu.memory_space<vmem>>, vector<16xi32>,
    %swap3A_2236 = vector.shape_cast %swap3A_2235 : vector<16xi32> to vector<16xi32>
    %swap3A_2237 = vector.shape_cast %add3A_2233 : vector<16xi32> to vector<16xi32>
    tpu.vector_store %arg6[%swap3A_2234], %swap3A_2237 {strides = array<i32>} : memref<512xi32, #tpu.memory_space<vmem>>, vector<16xi32>,
    %get3A_2238 = arith.constant 464 : index
    %get3A_2239 = tpu.vector_load %arg5[%get3A_2238] {strides = array<i32>} : memref<512xi32, #tpu.memory_space<vmem>>, vector<16xi32>,
    %get3A_2240 = vector.shape_cast %get3A_2239 : vector<16xi32> to vector<16xi32>
    %add3A_2241 = arith.constant 6000 : i32
    %add3A_2242 = vector.broadcast %add3A_2241 : i32 to vector<16xi32>
    %add3A_2243 = arith.addi %get3A_2240, %add3A_2242 : vector<16xi32>
    %swap3A_2244 = arith.constant 464 : index
    %swap3A_2245 = tpu.vector_load %arg6[%swap3A_2244] {strides = array<i32>} : memref<512xi32, #tpu.memory_space<vmem>>, vector<16xi32>,
    %swap3A_2246 = vector.shape_cast %swap3A_2245 : vector<16xi32> to vector<16xi32>
    %swap3A_2247 = vector.shape_cast %add3A_2243 : vector<16xi32> to vector<16xi32>
    tpu.vector_store %arg6[%swap3A_2244], %swap3A_2247 {strides = array<i32>} : memref<512xi32, #tpu.memory_space<vmem>>, vector<16xi32>,
    %get3A_2248 = arith.constant 480 : index
    %get3A_2249 = tpu.vector_load %arg5[%get3A_2248] {strides = array<i32>} : memref<512xi32, #tpu.memory_space<vmem>>, vector<16xi32>,
    %get3A_2250 = vector.shape_cast %get3A_2249 : vector<16xi32> to vector<16xi32>
    %add3A_2251 = arith.constant 6000 : i32
    %add3A_2252 = vector.broadcast %add3A_2251 : i32 to vector<16xi32>
    %add3A_2253 = arith.addi %get3A_2250, %add3A_2252 : vector<16xi32>
    %swap3A_2254 = arith.constant 480 : index
    %swap3A_2255 = tpu.vector_load %arg6[%swap3A_2254] {strides = array<i32>} : memref<512xi32, #tpu.memory_space<vmem>>, vector<16xi32>,
    %swap3A_2256 = vector.shape_cast %swap3A_2255 : vector<16xi32> to vector<16xi32>
    %swap3A_2257 = vector.shape_cast %add3A_2253 : vector<16xi32> to vector<16xi32>
    tpu.vector_store %arg6[%swap3A_2254], %swap3A_2257 {strides = array<i32>} : memref<512xi32, #tpu.memory_space<vmem>>, vector<16xi32>,
    %get3A_2258 = arith.constant 496 : index
    %get3A_2259 = tpu.vector_load %arg5[%get3A_2258] {strides = array<i32>} : memref<512xi32, #tpu.memory_space<vmem>>, vector<16xi32>,
    %get3A_2260 = vector.shape_cast %get3A_2259 : vector<16xi32> to vector<16xi32>
    %add3A_2261 = arith.constant 6000 : i32
    %add3A_2262 = vector.broadcast %add3A_2261 : i32 to vector<16xi32>
    %add3A_2263 = arith.addi %get3A_2260, %add3A_2262 : vector<16xi32>
    %swap3A_2264 = arith.constant 496 : index
    %swap3A_2265 = tpu.vector_load %arg6[%swap3A_2264] {strides = array<i32>} : memref<512xi32, #tpu.memory_space<vmem>>, vector<16xi32>,
    %swap3A_2266 = vector.shape_cast %swap3A_2265 : vector<16xi32> to vector<16xi32>
    %swap3A_2267 = vector.shape_cast %add3A_2263 : vector<16xi32> to vector<16xi32>
    tpu.vector_store %arg6[%swap3A_2264], %swap3A_2267 {strides = array<i32>} : memref<512xi32, #tpu.memory_space<vmem>>, vector<16xi32>,
    %dma_start3A_2268 = arith.constant 0 : i32
    %dma_start3A_2269 = tpu.memref_slice %arg2[%dma_start3A_2268] : memref<8000xf32, #tpu.memory_space<hbm>> -> memref<8000xf32, #tpu.memory_space<hbm>>
    tpu.enqueue_indirect_dma source(%dma_start3A_2269 : memref<8000xf32, #tpu.memory_space<hbm>>) target(%arg7 : memref<512xf32, #tpu.memory_space<vmem>>) offsets(%arg6 : memref<512xi32, #tpu.memory_space<vmem>>) semaphore(%arg8 : memref<!tpu.dma_semaphore, #tpu.memory_space<semaphore_mem>>)
    %dma_wait3A_2270 = arith.constant 0 : i32
    %dma_wait3A_2271 = tpu.memref_slice %arg2[%dma_wait3A_2270] : memref<8000xf32, #tpu.memory_space<hbm>> -> memref<8000xf32, #tpu.memory_space<hbm>>
    tpu.wait_indirect_dma semaphore(%arg8 : memref<!tpu.dma_semaphore, #tpu.memory_space<semaphore_mem>>) src(%dma_wait3A_2271 : memref<8000xf32, #tpu.memory_space<hbm>>) dst(%arg7 : memref<512xf32, #tpu.memory_space<vmem>>)
    %run_scoped3A_2272 = arith.constant 6 : i32
    "tpu.region"() ({
      %run_scoped3A_2598 = tpu.sem_alloc : memref<!tpu.dma_semaphore, #tpu.memory_space<semaphore_mem>>
      %dma_start3A_2599 = tpu.memref_slice %arg4[%run_scoped3A_2272, %mul3A_2] : memref<8x16384xf32, #tpu.memory_space<hbm>> -> memref<1x512xf32, #tpu.memory_space<hbm>>
      %dma_start3A_2600 = tpu.memref_squeeze %dma_start3A_2599 : memref<1x512xf32, #tpu.memory_space<hbm>> -> memref<512xf32, #tpu.memory_space<hbm>>
      %dma_start3A_2601 = tpu.memref_slice %arg4[%run_scoped3A_2272, %mul3A_2] : memref<8x16384xf32, #tpu.memory_space<hbm>> -> memref<1x512xf32, #tpu.memory_space<hbm>>
      %dma_start3A_2602 = tpu.memref_squeeze %dma_start3A_2601 : memref<1x512xf32, #tpu.memory_space<hbm>> -> memref<512xf32, #tpu.memory_space<hbm>>
      tpu.enqueue_dma source(%arg7 : memref<512xf32, #tpu.memory_space<vmem>>) target(%dma_start3A_2602 : memref<512xf32, #tpu.memory_space<hbm>>) target_semaphore(%run_scoped3A_2598 : memref<!tpu.dma_semaphore, #tpu.memory_space<semaphore_mem>>)
      %dma_wait3A_2603 = tpu.memref_slice %arg4[%run_scoped3A_2272, %mul3A_2] : memref<8x16384xf32, #tpu.memory_space<hbm>> -> memref<1x512xf32, #tpu.memory_space<hbm>>
      %dma_wait3A_2604 = tpu.memref_squeeze %dma_wait3A_2603 : memref<1x512xf32, #tpu.memory_space<hbm>> -> memref<512xf32, #tpu.memory_space<hbm>>
      %dma_wait3A_2605 = tpu.memref_slice %arg4[%run_scoped3A_2272, %mul3A_2] : memref<8x16384xf32, #tpu.memory_space<hbm>> -> memref<1x512xf32, #tpu.memory_space<hbm>>
      %dma_wait3A_2606 = tpu.memref_squeeze %dma_wait3A_2605 : memref<1x512xf32, #tpu.memory_space<hbm>> -> memref<512xf32, #tpu.memory_space<hbm>>
      tpu.wait_dma2 semaphore(%run_scoped3A_2598 : memref<!tpu.dma_semaphore, #tpu.memory_space<semaphore_mem>>) src(%arg7 : memref<512xf32, #tpu.memory_space<vmem>>) dst(%dma_wait3A_2606 : memref<512xf32, #tpu.memory_space<hbm>>)
      tpu.yield
    }) : () -> ()
    %get3A_2273 = arith.constant 0 : index
    %get3A_2274 = tpu.vector_load %arg5[%get3A_2273] {strides = array<i32>} : memref<512xi32, #tpu.memory_space<vmem>>, vector<16xi32>,
    %get3A_2275 = vector.shape_cast %get3A_2274 : vector<16xi32> to vector<16xi32>
    %add3A_2276 = arith.constant 7000 : i32
    %add3A_2277 = vector.broadcast %add3A_2276 : i32 to vector<16xi32>
    %add3A_2278 = arith.addi %get3A_2275, %add3A_2277 : vector<16xi32>
    %swap3A_2279 = arith.constant 0 : index
    %swap3A_2280 = tpu.vector_load %arg6[%swap3A_2279] {strides = array<i32>} : memref<512xi32, #tpu.memory_space<vmem>>, vector<16xi32>,
    %swap3A_2281 = vector.shape_cast %swap3A_2280 : vector<16xi32> to vector<16xi32>
    %swap3A_2282 = vector.shape_cast %add3A_2278 : vector<16xi32> to vector<16xi32>
    tpu.vector_store %arg6[%swap3A_2279], %swap3A_2282 {strides = array<i32>} : memref<512xi32, #tpu.memory_space<vmem>>, vector<16xi32>,
    %get3A_2283 = arith.constant 16 : index
    %get3A_2284 = tpu.vector_load %arg5[%get3A_2283] {strides = array<i32>} : memref<512xi32, #tpu.memory_space<vmem>>, vector<16xi32>,
    %get3A_2285 = vector.shape_cast %get3A_2284 : vector<16xi32> to vector<16xi32>
    %add3A_2286 = arith.constant 7000 : i32
    %add3A_2287 = vector.broadcast %add3A_2286 : i32 to vector<16xi32>
    %add3A_2288 = arith.addi %get3A_2285, %add3A_2287 : vector<16xi32>
    %swap3A_2289 = arith.constant 16 : index
    %swap3A_2290 = tpu.vector_load %arg6[%swap3A_2289] {strides = array<i32>} : memref<512xi32, #tpu.memory_space<vmem>>, vector<16xi32>,
    %swap3A_2291 = vector.shape_cast %swap3A_2290 : vector<16xi32> to vector<16xi32>
    %swap3A_2292 = vector.shape_cast %add3A_2288 : vector<16xi32> to vector<16xi32>
    tpu.vector_store %arg6[%swap3A_2289], %swap3A_2292 {strides = array<i32>} : memref<512xi32, #tpu.memory_space<vmem>>, vector<16xi32>,
    %get3A_2293 = arith.constant 32 : index
    %get3A_2294 = tpu.vector_load %arg5[%get3A_2293] {strides = array<i32>} : memref<512xi32, #tpu.memory_space<vmem>>, vector<16xi32>,
    %get3A_2295 = vector.shape_cast %get3A_2294 : vector<16xi32> to vector<16xi32>
    %add3A_2296 = arith.constant 7000 : i32
    %add3A_2297 = vector.broadcast %add3A_2296 : i32 to vector<16xi32>
    %add3A_2298 = arith.addi %get3A_2295, %add3A_2297 : vector<16xi32>
    %swap3A_2299 = arith.constant 32 : index
    %swap3A_2300 = tpu.vector_load %arg6[%swap3A_2299] {strides = array<i32>} : memref<512xi32, #tpu.memory_space<vmem>>, vector<16xi32>,
    %swap3A_2301 = vector.shape_cast %swap3A_2300 : vector<16xi32> to vector<16xi32>
    %swap3A_2302 = vector.shape_cast %add3A_2298 : vector<16xi32> to vector<16xi32>
    tpu.vector_store %arg6[%swap3A_2299], %swap3A_2302 {strides = array<i32>} : memref<512xi32, #tpu.memory_space<vmem>>, vector<16xi32>,
    %get3A_2303 = arith.constant 48 : index
    %get3A_2304 = tpu.vector_load %arg5[%get3A_2303] {strides = array<i32>} : memref<512xi32, #tpu.memory_space<vmem>>, vector<16xi32>,
    %get3A_2305 = vector.shape_cast %get3A_2304 : vector<16xi32> to vector<16xi32>
    %add3A_2306 = arith.constant 7000 : i32
    %add3A_2307 = vector.broadcast %add3A_2306 : i32 to vector<16xi32>
    %add3A_2308 = arith.addi %get3A_2305, %add3A_2307 : vector<16xi32>
    %swap3A_2309 = arith.constant 48 : index
    %swap3A_2310 = tpu.vector_load %arg6[%swap3A_2309] {strides = array<i32>} : memref<512xi32, #tpu.memory_space<vmem>>, vector<16xi32>,
    %swap3A_2311 = vector.shape_cast %swap3A_2310 : vector<16xi32> to vector<16xi32>
    %swap3A_2312 = vector.shape_cast %add3A_2308 : vector<16xi32> to vector<16xi32>
    tpu.vector_store %arg6[%swap3A_2309], %swap3A_2312 {strides = array<i32>} : memref<512xi32, #tpu.memory_space<vmem>>, vector<16xi32>,
    %get3A_2313 = arith.constant 64 : index
    %get3A_2314 = tpu.vector_load %arg5[%get3A_2313] {strides = array<i32>} : memref<512xi32, #tpu.memory_space<vmem>>, vector<16xi32>,
    %get3A_2315 = vector.shape_cast %get3A_2314 : vector<16xi32> to vector<16xi32>
    %add3A_2316 = arith.constant 7000 : i32
    %add3A_2317 = vector.broadcast %add3A_2316 : i32 to vector<16xi32>
    %add3A_2318 = arith.addi %get3A_2315, %add3A_2317 : vector<16xi32>
    %swap3A_2319 = arith.constant 64 : index
    %swap3A_2320 = tpu.vector_load %arg6[%swap3A_2319] {strides = array<i32>} : memref<512xi32, #tpu.memory_space<vmem>>, vector<16xi32>,
    %swap3A_2321 = vector.shape_cast %swap3A_2320 : vector<16xi32> to vector<16xi32>
    %swap3A_2322 = vector.shape_cast %add3A_2318 : vector<16xi32> to vector<16xi32>
    tpu.vector_store %arg6[%swap3A_2319], %swap3A_2322 {strides = array<i32>} : memref<512xi32, #tpu.memory_space<vmem>>, vector<16xi32>,
    %get3A_2323 = arith.constant 80 : index
    %get3A_2324 = tpu.vector_load %arg5[%get3A_2323] {strides = array<i32>} : memref<512xi32, #tpu.memory_space<vmem>>, vector<16xi32>,
    %get3A_2325 = vector.shape_cast %get3A_2324 : vector<16xi32> to vector<16xi32>
    %add3A_2326 = arith.constant 7000 : i32
    %add3A_2327 = vector.broadcast %add3A_2326 : i32 to vector<16xi32>
    %add3A_2328 = arith.addi %get3A_2325, %add3A_2327 : vector<16xi32>
    %swap3A_2329 = arith.constant 80 : index
    %swap3A_2330 = tpu.vector_load %arg6[%swap3A_2329] {strides = array<i32>} : memref<512xi32, #tpu.memory_space<vmem>>, vector<16xi32>,
    %swap3A_2331 = vector.shape_cast %swap3A_2330 : vector<16xi32> to vector<16xi32>
    %swap3A_2332 = vector.shape_cast %add3A_2328 : vector<16xi32> to vector<16xi32>
    tpu.vector_store %arg6[%swap3A_2329], %swap3A_2332 {strides = array<i32>} : memref<512xi32, #tpu.memory_space<vmem>>, vector<16xi32>,
    %get3A_2333 = arith.constant 96 : index
    %get3A_2334 = tpu.vector_load %arg5[%get3A_2333] {strides = array<i32>} : memref<512xi32, #tpu.memory_space<vmem>>, vector<16xi32>,
    %get3A_2335 = vector.shape_cast %get3A_2334 : vector<16xi32> to vector<16xi32>
    %add3A_2336 = arith.constant 7000 : i32
    %add3A_2337 = vector.broadcast %add3A_2336 : i32 to vector<16xi32>
    %add3A_2338 = arith.addi %get3A_2335, %add3A_2337 : vector<16xi32>
    %swap3A_2339 = arith.constant 96 : index
    %swap3A_2340 = tpu.vector_load %arg6[%swap3A_2339] {strides = array<i32>} : memref<512xi32, #tpu.memory_space<vmem>>, vector<16xi32>,
    %swap3A_2341 = vector.shape_cast %swap3A_2340 : vector<16xi32> to vector<16xi32>
    %swap3A_2342 = vector.shape_cast %add3A_2338 : vector<16xi32> to vector<16xi32>
    tpu.vector_store %arg6[%swap3A_2339], %swap3A_2342 {strides = array<i32>} : memref<512xi32, #tpu.memory_space<vmem>>, vector<16xi32>,
    %get3A_2343 = arith.constant 112 : index
    %get3A_2344 = tpu.vector_load %arg5[%get3A_2343] {strides = array<i32>} : memref<512xi32, #tpu.memory_space<vmem>>, vector<16xi32>,
    %get3A_2345 = vector.shape_cast %get3A_2344 : vector<16xi32> to vector<16xi32>
    %add3A_2346 = arith.constant 7000 : i32
    %add3A_2347 = vector.broadcast %add3A_2346 : i32 to vector<16xi32>
    %add3A_2348 = arith.addi %get3A_2345, %add3A_2347 : vector<16xi32>
    %swap3A_2349 = arith.constant 112 : index
    %swap3A_2350 = tpu.vector_load %arg6[%swap3A_2349] {strides = array<i32>} : memref<512xi32, #tpu.memory_space<vmem>>, vector<16xi32>,
    %swap3A_2351 = vector.shape_cast %swap3A_2350 : vector<16xi32> to vector<16xi32>
    %swap3A_2352 = vector.shape_cast %add3A_2348 : vector<16xi32> to vector<16xi32>
    tpu.vector_store %arg6[%swap3A_2349], %swap3A_2352 {strides = array<i32>} : memref<512xi32, #tpu.memory_space<vmem>>, vector<16xi32>,
    %get3A_2353 = arith.constant 128 : index
    %get3A_2354 = tpu.vector_load %arg5[%get3A_2353] {strides = array<i32>} : memref<512xi32, #tpu.memory_space<vmem>>, vector<16xi32>,
    %get3A_2355 = vector.shape_cast %get3A_2354 : vector<16xi32> to vector<16xi32>
    %add3A_2356 = arith.constant 7000 : i32
    %add3A_2357 = vector.broadcast %add3A_2356 : i32 to vector<16xi32>
    %add3A_2358 = arith.addi %get3A_2355, %add3A_2357 : vector<16xi32>
    %swap3A_2359 = arith.constant 128 : index
    %swap3A_2360 = tpu.vector_load %arg6[%swap3A_2359] {strides = array<i32>} : memref<512xi32, #tpu.memory_space<vmem>>, vector<16xi32>,
    %swap3A_2361 = vector.shape_cast %swap3A_2360 : vector<16xi32> to vector<16xi32>
    %swap3A_2362 = vector.shape_cast %add3A_2358 : vector<16xi32> to vector<16xi32>
    tpu.vector_store %arg6[%swap3A_2359], %swap3A_2362 {strides = array<i32>} : memref<512xi32, #tpu.memory_space<vmem>>, vector<16xi32>,
    %get3A_2363 = arith.constant 144 : index
    %get3A_2364 = tpu.vector_load %arg5[%get3A_2363] {strides = array<i32>} : memref<512xi32, #tpu.memory_space<vmem>>, vector<16xi32>,
    %get3A_2365 = vector.shape_cast %get3A_2364 : vector<16xi32> to vector<16xi32>
    %add3A_2366 = arith.constant 7000 : i32
    %add3A_2367 = vector.broadcast %add3A_2366 : i32 to vector<16xi32>
    %add3A_2368 = arith.addi %get3A_2365, %add3A_2367 : vector<16xi32>
    %swap3A_2369 = arith.constant 144 : index
    %swap3A_2370 = tpu.vector_load %arg6[%swap3A_2369] {strides = array<i32>} : memref<512xi32, #tpu.memory_space<vmem>>, vector<16xi32>,
    %swap3A_2371 = vector.shape_cast %swap3A_2370 : vector<16xi32> to vector<16xi32>
    %swap3A_2372 = vector.shape_cast %add3A_2368 : vector<16xi32> to vector<16xi32>
    tpu.vector_store %arg6[%swap3A_2369], %swap3A_2372 {strides = array<i32>} : memref<512xi32, #tpu.memory_space<vmem>>, vector<16xi32>,
    %get3A_2373 = arith.constant 160 : index
    %get3A_2374 = tpu.vector_load %arg5[%get3A_2373] {strides = array<i32>} : memref<512xi32, #tpu.memory_space<vmem>>, vector<16xi32>,
    %get3A_2375 = vector.shape_cast %get3A_2374 : vector<16xi32> to vector<16xi32>
    %add3A_2376 = arith.constant 7000 : i32
    %add3A_2377 = vector.broadcast %add3A_2376 : i32 to vector<16xi32>
    %add3A_2378 = arith.addi %get3A_2375, %add3A_2377 : vector<16xi32>
    %swap3A_2379 = arith.constant 160 : index
    %swap3A_2380 = tpu.vector_load %arg6[%swap3A_2379] {strides = array<i32>} : memref<512xi32, #tpu.memory_space<vmem>>, vector<16xi32>,
    %swap3A_2381 = vector.shape_cast %swap3A_2380 : vector<16xi32> to vector<16xi32>
    %swap3A_2382 = vector.shape_cast %add3A_2378 : vector<16xi32> to vector<16xi32>
    tpu.vector_store %arg6[%swap3A_2379], %swap3A_2382 {strides = array<i32>} : memref<512xi32, #tpu.memory_space<vmem>>, vector<16xi32>,
    %get3A_2383 = arith.constant 176 : index
    %get3A_2384 = tpu.vector_load %arg5[%get3A_2383] {strides = array<i32>} : memref<512xi32, #tpu.memory_space<vmem>>, vector<16xi32>,
    %get3A_2385 = vector.shape_cast %get3A_2384 : vector<16xi32> to vector<16xi32>
    %add3A_2386 = arith.constant 7000 : i32
    %add3A_2387 = vector.broadcast %add3A_2386 : i32 to vector<16xi32>
    %add3A_2388 = arith.addi %get3A_2385, %add3A_2387 : vector<16xi32>
    %swap3A_2389 = arith.constant 176 : index
    %swap3A_2390 = tpu.vector_load %arg6[%swap3A_2389] {strides = array<i32>} : memref<512xi32, #tpu.memory_space<vmem>>, vector<16xi32>,
    %swap3A_2391 = vector.shape_cast %swap3A_2390 : vector<16xi32> to vector<16xi32>
    %swap3A_2392 = vector.shape_cast %add3A_2388 : vector<16xi32> to vector<16xi32>
    tpu.vector_store %arg6[%swap3A_2389], %swap3A_2392 {strides = array<i32>} : memref<512xi32, #tpu.memory_space<vmem>>, vector<16xi32>,
    %get3A_2393 = arith.constant 192 : index
    %get3A_2394 = tpu.vector_load %arg5[%get3A_2393] {strides = array<i32>} : memref<512xi32, #tpu.memory_space<vmem>>, vector<16xi32>,
    %get3A_2395 = vector.shape_cast %get3A_2394 : vector<16xi32> to vector<16xi32>
    %add3A_2396 = arith.constant 7000 : i32
    %add3A_2397 = vector.broadcast %add3A_2396 : i32 to vector<16xi32>
    %add3A_2398 = arith.addi %get3A_2395, %add3A_2397 : vector<16xi32>
    %swap3A_2399 = arith.constant 192 : index
    %swap3A_2400 = tpu.vector_load %arg6[%swap3A_2399] {strides = array<i32>} : memref<512xi32, #tpu.memory_space<vmem>>, vector<16xi32>,
    %swap3A_2401 = vector.shape_cast %swap3A_2400 : vector<16xi32> to vector<16xi32>
    %swap3A_2402 = vector.shape_cast %add3A_2398 : vector<16xi32> to vector<16xi32>
    tpu.vector_store %arg6[%swap3A_2399], %swap3A_2402 {strides = array<i32>} : memref<512xi32, #tpu.memory_space<vmem>>, vector<16xi32>,
    %get3A_2403 = arith.constant 208 : index
    %get3A_2404 = tpu.vector_load %arg5[%get3A_2403] {strides = array<i32>} : memref<512xi32, #tpu.memory_space<vmem>>, vector<16xi32>,
    %get3A_2405 = vector.shape_cast %get3A_2404 : vector<16xi32> to vector<16xi32>
    %add3A_2406 = arith.constant 7000 : i32
    %add3A_2407 = vector.broadcast %add3A_2406 : i32 to vector<16xi32>
    %add3A_2408 = arith.addi %get3A_2405, %add3A_2407 : vector<16xi32>
    %swap3A_2409 = arith.constant 208 : index
    %swap3A_2410 = tpu.vector_load %arg6[%swap3A_2409] {strides = array<i32>} : memref<512xi32, #tpu.memory_space<vmem>>, vector<16xi32>,
    %swap3A_2411 = vector.shape_cast %swap3A_2410 : vector<16xi32> to vector<16xi32>
    %swap3A_2412 = vector.shape_cast %add3A_2408 : vector<16xi32> to vector<16xi32>
    tpu.vector_store %arg6[%swap3A_2409], %swap3A_2412 {strides = array<i32>} : memref<512xi32, #tpu.memory_space<vmem>>, vector<16xi32>,
    %get3A_2413 = arith.constant 224 : index
    %get3A_2414 = tpu.vector_load %arg5[%get3A_2413] {strides = array<i32>} : memref<512xi32, #tpu.memory_space<vmem>>, vector<16xi32>,
    %get3A_2415 = vector.shape_cast %get3A_2414 : vector<16xi32> to vector<16xi32>
    %add3A_2416 = arith.constant 7000 : i32
    %add3A_2417 = vector.broadcast %add3A_2416 : i32 to vector<16xi32>
    %add3A_2418 = arith.addi %get3A_2415, %add3A_2417 : vector<16xi32>
    %swap3A_2419 = arith.constant 224 : index
    %swap3A_2420 = tpu.vector_load %arg6[%swap3A_2419] {strides = array<i32>} : memref<512xi32, #tpu.memory_space<vmem>>, vector<16xi32>,
    %swap3A_2421 = vector.shape_cast %swap3A_2420 : vector<16xi32> to vector<16xi32>
    %swap3A_2422 = vector.shape_cast %add3A_2418 : vector<16xi32> to vector<16xi32>
    tpu.vector_store %arg6[%swap3A_2419], %swap3A_2422 {strides = array<i32>} : memref<512xi32, #tpu.memory_space<vmem>>, vector<16xi32>,
    %get3A_2423 = arith.constant 240 : index
    %get3A_2424 = tpu.vector_load %arg5[%get3A_2423] {strides = array<i32>} : memref<512xi32, #tpu.memory_space<vmem>>, vector<16xi32>,
    %get3A_2425 = vector.shape_cast %get3A_2424 : vector<16xi32> to vector<16xi32>
    %add3A_2426 = arith.constant 7000 : i32
    %add3A_2427 = vector.broadcast %add3A_2426 : i32 to vector<16xi32>
    %add3A_2428 = arith.addi %get3A_2425, %add3A_2427 : vector<16xi32>
    %swap3A_2429 = arith.constant 240 : index
    %swap3A_2430 = tpu.vector_load %arg6[%swap3A_2429] {strides = array<i32>} : memref<512xi32, #tpu.memory_space<vmem>>, vector<16xi32>,
    %swap3A_2431 = vector.shape_cast %swap3A_2430 : vector<16xi32> to vector<16xi32>
    %swap3A_2432 = vector.shape_cast %add3A_2428 : vector<16xi32> to vector<16xi32>
    tpu.vector_store %arg6[%swap3A_2429], %swap3A_2432 {strides = array<i32>} : memref<512xi32, #tpu.memory_space<vmem>>, vector<16xi32>,
    %get3A_2433 = arith.constant 256 : index
    %get3A_2434 = tpu.vector_load %arg5[%get3A_2433] {strides = array<i32>} : memref<512xi32, #tpu.memory_space<vmem>>, vector<16xi32>,
    %get3A_2435 = vector.shape_cast %get3A_2434 : vector<16xi32> to vector<16xi32>
    %add3A_2436 = arith.constant 7000 : i32
    %add3A_2437 = vector.broadcast %add3A_2436 : i32 to vector<16xi32>
    %add3A_2438 = arith.addi %get3A_2435, %add3A_2437 : vector<16xi32>
    %swap3A_2439 = arith.constant 256 : index
    %swap3A_2440 = tpu.vector_load %arg6[%swap3A_2439] {strides = array<i32>} : memref<512xi32, #tpu.memory_space<vmem>>, vector<16xi32>,
    %swap3A_2441 = vector.shape_cast %swap3A_2440 : vector<16xi32> to vector<16xi32>
    %swap3A_2442 = vector.shape_cast %add3A_2438 : vector<16xi32> to vector<16xi32>
    tpu.vector_store %arg6[%swap3A_2439], %swap3A_2442 {strides = array<i32>} : memref<512xi32, #tpu.memory_space<vmem>>, vector<16xi32>,
    %get3A_2443 = arith.constant 272 : index
    %get3A_2444 = tpu.vector_load %arg5[%get3A_2443] {strides = array<i32>} : memref<512xi32, #tpu.memory_space<vmem>>, vector<16xi32>,
    %get3A_2445 = vector.shape_cast %get3A_2444 : vector<16xi32> to vector<16xi32>
    %add3A_2446 = arith.constant 7000 : i32
    %add3A_2447 = vector.broadcast %add3A_2446 : i32 to vector<16xi32>
    %add3A_2448 = arith.addi %get3A_2445, %add3A_2447 : vector<16xi32>
    %swap3A_2449 = arith.constant 272 : index
    %swap3A_2450 = tpu.vector_load %arg6[%swap3A_2449] {strides = array<i32>} : memref<512xi32, #tpu.memory_space<vmem>>, vector<16xi32>,
    %swap3A_2451 = vector.shape_cast %swap3A_2450 : vector<16xi32> to vector<16xi32>
    %swap3A_2452 = vector.shape_cast %add3A_2448 : vector<16xi32> to vector<16xi32>
    tpu.vector_store %arg6[%swap3A_2449], %swap3A_2452 {strides = array<i32>} : memref<512xi32, #tpu.memory_space<vmem>>, vector<16xi32>,
    %get3A_2453 = arith.constant 288 : index
    %get3A_2454 = tpu.vector_load %arg5[%get3A_2453] {strides = array<i32>} : memref<512xi32, #tpu.memory_space<vmem>>, vector<16xi32>,
    %get3A_2455 = vector.shape_cast %get3A_2454 : vector<16xi32> to vector<16xi32>
    %add3A_2456 = arith.constant 7000 : i32
    %add3A_2457 = vector.broadcast %add3A_2456 : i32 to vector<16xi32>
    %add3A_2458 = arith.addi %get3A_2455, %add3A_2457 : vector<16xi32>
    %swap3A_2459 = arith.constant 288 : index
    %swap3A_2460 = tpu.vector_load %arg6[%swap3A_2459] {strides = array<i32>} : memref<512xi32, #tpu.memory_space<vmem>>, vector<16xi32>,
    %swap3A_2461 = vector.shape_cast %swap3A_2460 : vector<16xi32> to vector<16xi32>
    %swap3A_2462 = vector.shape_cast %add3A_2458 : vector<16xi32> to vector<16xi32>
    tpu.vector_store %arg6[%swap3A_2459], %swap3A_2462 {strides = array<i32>} : memref<512xi32, #tpu.memory_space<vmem>>, vector<16xi32>,
    %get3A_2463 = arith.constant 304 : index
    %get3A_2464 = tpu.vector_load %arg5[%get3A_2463] {strides = array<i32>} : memref<512xi32, #tpu.memory_space<vmem>>, vector<16xi32>,
    %get3A_2465 = vector.shape_cast %get3A_2464 : vector<16xi32> to vector<16xi32>
    %add3A_2466 = arith.constant 7000 : i32
    %add3A_2467 = vector.broadcast %add3A_2466 : i32 to vector<16xi32>
    %add3A_2468 = arith.addi %get3A_2465, %add3A_2467 : vector<16xi32>
    %swap3A_2469 = arith.constant 304 : index
    %swap3A_2470 = tpu.vector_load %arg6[%swap3A_2469] {strides = array<i32>} : memref<512xi32, #tpu.memory_space<vmem>>, vector<16xi32>,
    %swap3A_2471 = vector.shape_cast %swap3A_2470 : vector<16xi32> to vector<16xi32>
    %swap3A_2472 = vector.shape_cast %add3A_2468 : vector<16xi32> to vector<16xi32>
    tpu.vector_store %arg6[%swap3A_2469], %swap3A_2472 {strides = array<i32>} : memref<512xi32, #tpu.memory_space<vmem>>, vector<16xi32>,
    %get3A_2473 = arith.constant 320 : index
    %get3A_2474 = tpu.vector_load %arg5[%get3A_2473] {strides = array<i32>} : memref<512xi32, #tpu.memory_space<vmem>>, vector<16xi32>,
    %get3A_2475 = vector.shape_cast %get3A_2474 : vector<16xi32> to vector<16xi32>
    %add3A_2476 = arith.constant 7000 : i32
    %add3A_2477 = vector.broadcast %add3A_2476 : i32 to vector<16xi32>
    %add3A_2478 = arith.addi %get3A_2475, %add3A_2477 : vector<16xi32>
    %swap3A_2479 = arith.constant 320 : index
    %swap3A_2480 = tpu.vector_load %arg6[%swap3A_2479] {strides = array<i32>} : memref<512xi32, #tpu.memory_space<vmem>>, vector<16xi32>,
    %swap3A_2481 = vector.shape_cast %swap3A_2480 : vector<16xi32> to vector<16xi32>
    %swap3A_2482 = vector.shape_cast %add3A_2478 : vector<16xi32> to vector<16xi32>
    tpu.vector_store %arg6[%swap3A_2479], %swap3A_2482 {strides = array<i32>} : memref<512xi32, #tpu.memory_space<vmem>>, vector<16xi32>,
    %get3A_2483 = arith.constant 336 : index
    %get3A_2484 = tpu.vector_load %arg5[%get3A_2483] {strides = array<i32>} : memref<512xi32, #tpu.memory_space<vmem>>, vector<16xi32>,
    %get3A_2485 = vector.shape_cast %get3A_2484 : vector<16xi32> to vector<16xi32>
    %add3A_2486 = arith.constant 7000 : i32
    %add3A_2487 = vector.broadcast %add3A_2486 : i32 to vector<16xi32>
    %add3A_2488 = arith.addi %get3A_2485, %add3A_2487 : vector<16xi32>
    %swap3A_2489 = arith.constant 336 : index
    %swap3A_2490 = tpu.vector_load %arg6[%swap3A_2489] {strides = array<i32>} : memref<512xi32, #tpu.memory_space<vmem>>, vector<16xi32>,
    %swap3A_2491 = vector.shape_cast %swap3A_2490 : vector<16xi32> to vector<16xi32>
    %swap3A_2492 = vector.shape_cast %add3A_2488 : vector<16xi32> to vector<16xi32>
    tpu.vector_store %arg6[%swap3A_2489], %swap3A_2492 {strides = array<i32>} : memref<512xi32, #tpu.memory_space<vmem>>, vector<16xi32>,
    %get3A_2493 = arith.constant 352 : index
    %get3A_2494 = tpu.vector_load %arg5[%get3A_2493] {strides = array<i32>} : memref<512xi32, #tpu.memory_space<vmem>>, vector<16xi32>,
    %get3A_2495 = vector.shape_cast %get3A_2494 : vector<16xi32> to vector<16xi32>
    %add3A_2496 = arith.constant 7000 : i32
    %add3A_2497 = vector.broadcast %add3A_2496 : i32 to vector<16xi32>
    %add3A_2498 = arith.addi %get3A_2495, %add3A_2497 : vector<16xi32>
    %swap3A_2499 = arith.constant 352 : index
    %swap3A_2500 = tpu.vector_load %arg6[%swap3A_2499] {strides = array<i32>} : memref<512xi32, #tpu.memory_space<vmem>>, vector<16xi32>,
    %swap3A_2501 = vector.shape_cast %swap3A_2500 : vector<16xi32> to vector<16xi32>
    %swap3A_2502 = vector.shape_cast %add3A_2498 : vector<16xi32> to vector<16xi32>
    tpu.vector_store %arg6[%swap3A_2499], %swap3A_2502 {strides = array<i32>} : memref<512xi32, #tpu.memory_space<vmem>>, vector<16xi32>,
    %get3A_2503 = arith.constant 368 : index
    %get3A_2504 = tpu.vector_load %arg5[%get3A_2503] {strides = array<i32>} : memref<512xi32, #tpu.memory_space<vmem>>, vector<16xi32>,
    %get3A_2505 = vector.shape_cast %get3A_2504 : vector<16xi32> to vector<16xi32>
    %add3A_2506 = arith.constant 7000 : i32
    %add3A_2507 = vector.broadcast %add3A_2506 : i32 to vector<16xi32>
    %add3A_2508 = arith.addi %get3A_2505, %add3A_2507 : vector<16xi32>
    %swap3A_2509 = arith.constant 368 : index
    %swap3A_2510 = tpu.vector_load %arg6[%swap3A_2509] {strides = array<i32>} : memref<512xi32, #tpu.memory_space<vmem>>, vector<16xi32>,
    %swap3A_2511 = vector.shape_cast %swap3A_2510 : vector<16xi32> to vector<16xi32>
    %swap3A_2512 = vector.shape_cast %add3A_2508 : vector<16xi32> to vector<16xi32>
    tpu.vector_store %arg6[%swap3A_2509], %swap3A_2512 {strides = array<i32>} : memref<512xi32, #tpu.memory_space<vmem>>, vector<16xi32>,
    %get3A_2513 = arith.constant 384 : index
    %get3A_2514 = tpu.vector_load %arg5[%get3A_2513] {strides = array<i32>} : memref<512xi32, #tpu.memory_space<vmem>>, vector<16xi32>,
    %get3A_2515 = vector.shape_cast %get3A_2514 : vector<16xi32> to vector<16xi32>
    %add3A_2516 = arith.constant 7000 : i32
    %add3A_2517 = vector.broadcast %add3A_2516 : i32 to vector<16xi32>
    %add3A_2518 = arith.addi %get3A_2515, %add3A_2517 : vector<16xi32>
    %swap3A_2519 = arith.constant 384 : index
    %swap3A_2520 = tpu.vector_load %arg6[%swap3A_2519] {strides = array<i32>} : memref<512xi32, #tpu.memory_space<vmem>>, vector<16xi32>,
    %swap3A_2521 = vector.shape_cast %swap3A_2520 : vector<16xi32> to vector<16xi32>
    %swap3A_2522 = vector.shape_cast %add3A_2518 : vector<16xi32> to vector<16xi32>
    tpu.vector_store %arg6[%swap3A_2519], %swap3A_2522 {strides = array<i32>} : memref<512xi32, #tpu.memory_space<vmem>>, vector<16xi32>,
    %get3A_2523 = arith.constant 400 : index
    %get3A_2524 = tpu.vector_load %arg5[%get3A_2523] {strides = array<i32>} : memref<512xi32, #tpu.memory_space<vmem>>, vector<16xi32>,
    %get3A_2525 = vector.shape_cast %get3A_2524 : vector<16xi32> to vector<16xi32>
    %add3A_2526 = arith.constant 7000 : i32
    %add3A_2527 = vector.broadcast %add3A_2526 : i32 to vector<16xi32>
    %add3A_2528 = arith.addi %get3A_2525, %add3A_2527 : vector<16xi32>
    %swap3A_2529 = arith.constant 400 : index
    %swap3A_2530 = tpu.vector_load %arg6[%swap3A_2529] {strides = array<i32>} : memref<512xi32, #tpu.memory_space<vmem>>, vector<16xi32>,
    %swap3A_2531 = vector.shape_cast %swap3A_2530 : vector<16xi32> to vector<16xi32>
    %swap3A_2532 = vector.shape_cast %add3A_2528 : vector<16xi32> to vector<16xi32>
    tpu.vector_store %arg6[%swap3A_2529], %swap3A_2532 {strides = array<i32>} : memref<512xi32, #tpu.memory_space<vmem>>, vector<16xi32>,
    %get3A_2533 = arith.constant 416 : index
    %get3A_2534 = tpu.vector_load %arg5[%get3A_2533] {strides = array<i32>} : memref<512xi32, #tpu.memory_space<vmem>>, vector<16xi32>,
    %get3A_2535 = vector.shape_cast %get3A_2534 : vector<16xi32> to vector<16xi32>
    %add3A_2536 = arith.constant 7000 : i32
    %add3A_2537 = vector.broadcast %add3A_2536 : i32 to vector<16xi32>
    %add3A_2538 = arith.addi %get3A_2535, %add3A_2537 : vector<16xi32>
    %swap3A_2539 = arith.constant 416 : index
    %swap3A_2540 = tpu.vector_load %arg6[%swap3A_2539] {strides = array<i32>} : memref<512xi32, #tpu.memory_space<vmem>>, vector<16xi32>,
    %swap3A_2541 = vector.shape_cast %swap3A_2540 : vector<16xi32> to vector<16xi32>
    %swap3A_2542 = vector.shape_cast %add3A_2538 : vector<16xi32> to vector<16xi32>
    tpu.vector_store %arg6[%swap3A_2539], %swap3A_2542 {strides = array<i32>} : memref<512xi32, #tpu.memory_space<vmem>>, vector<16xi32>,
    %get3A_2543 = arith.constant 432 : index
    %get3A_2544 = tpu.vector_load %arg5[%get3A_2543] {strides = array<i32>} : memref<512xi32, #tpu.memory_space<vmem>>, vector<16xi32>,
    %get3A_2545 = vector.shape_cast %get3A_2544 : vector<16xi32> to vector<16xi32>
    %add3A_2546 = arith.constant 7000 : i32
    %add3A_2547 = vector.broadcast %add3A_2546 : i32 to vector<16xi32>
    %add3A_2548 = arith.addi %get3A_2545, %add3A_2547 : vector<16xi32>
    %swap3A_2549 = arith.constant 432 : index
    %swap3A_2550 = tpu.vector_load %arg6[%swap3A_2549] {strides = array<i32>} : memref<512xi32, #tpu.memory_space<vmem>>, vector<16xi32>,
    %swap3A_2551 = vector.shape_cast %swap3A_2550 : vector<16xi32> to vector<16xi32>
    %swap3A_2552 = vector.shape_cast %add3A_2548 : vector<16xi32> to vector<16xi32>
    tpu.vector_store %arg6[%swap3A_2549], %swap3A_2552 {strides = array<i32>} : memref<512xi32, #tpu.memory_space<vmem>>, vector<16xi32>,
    %get3A_2553 = arith.constant 448 : index
    %get3A_2554 = tpu.vector_load %arg5[%get3A_2553] {strides = array<i32>} : memref<512xi32, #tpu.memory_space<vmem>>, vector<16xi32>,
    %get3A_2555 = vector.shape_cast %get3A_2554 : vector<16xi32> to vector<16xi32>
    %add3A_2556 = arith.constant 7000 : i32
    %add3A_2557 = vector.broadcast %add3A_2556 : i32 to vector<16xi32>
    %add3A_2558 = arith.addi %get3A_2555, %add3A_2557 : vector<16xi32>
    %swap3A_2559 = arith.constant 448 : index
    %swap3A_2560 = tpu.vector_load %arg6[%swap3A_2559] {strides = array<i32>} : memref<512xi32, #tpu.memory_space<vmem>>, vector<16xi32>,
    %swap3A_2561 = vector.shape_cast %swap3A_2560 : vector<16xi32> to vector<16xi32>
    %swap3A_2562 = vector.shape_cast %add3A_2558 : vector<16xi32> to vector<16xi32>
    tpu.vector_store %arg6[%swap3A_2559], %swap3A_2562 {strides = array<i32>} : memref<512xi32, #tpu.memory_space<vmem>>, vector<16xi32>,
    %get3A_2563 = arith.constant 464 : index
    %get3A_2564 = tpu.vector_load %arg5[%get3A_2563] {strides = array<i32>} : memref<512xi32, #tpu.memory_space<vmem>>, vector<16xi32>,
    %get3A_2565 = vector.shape_cast %get3A_2564 : vector<16xi32> to vector<16xi32>
    %add3A_2566 = arith.constant 7000 : i32
    %add3A_2567 = vector.broadcast %add3A_2566 : i32 to vector<16xi32>
    %add3A_2568 = arith.addi %get3A_2565, %add3A_2567 : vector<16xi32>
    %swap3A_2569 = arith.constant 464 : index
    %swap3A_2570 = tpu.vector_load %arg6[%swap3A_2569] {strides = array<i32>} : memref<512xi32, #tpu.memory_space<vmem>>, vector<16xi32>,
    %swap3A_2571 = vector.shape_cast %swap3A_2570 : vector<16xi32> to vector<16xi32>
    %swap3A_2572 = vector.shape_cast %add3A_2568 : vector<16xi32> to vector<16xi32>
    tpu.vector_store %arg6[%swap3A_2569], %swap3A_2572 {strides = array<i32>} : memref<512xi32, #tpu.memory_space<vmem>>, vector<16xi32>,
    %get3A_2573 = arith.constant 480 : index
    %get3A_2574 = tpu.vector_load %arg5[%get3A_2573] {strides = array<i32>} : memref<512xi32, #tpu.memory_space<vmem>>, vector<16xi32>,
    %get3A_2575 = vector.shape_cast %get3A_2574 : vector<16xi32> to vector<16xi32>
    %add3A_2576 = arith.constant 7000 : i32
    %add3A_2577 = vector.broadcast %add3A_2576 : i32 to vector<16xi32>
    %add3A_2578 = arith.addi %get3A_2575, %add3A_2577 : vector<16xi32>
    %swap3A_2579 = arith.constant 480 : index
    %swap3A_2580 = tpu.vector_load %arg6[%swap3A_2579] {strides = array<i32>} : memref<512xi32, #tpu.memory_space<vmem>>, vector<16xi32>,
    %swap3A_2581 = vector.shape_cast %swap3A_2580 : vector<16xi32> to vector<16xi32>
    %swap3A_2582 = vector.shape_cast %add3A_2578 : vector<16xi32> to vector<16xi32>
    tpu.vector_store %arg6[%swap3A_2579], %swap3A_2582 {strides = array<i32>} : memref<512xi32, #tpu.memory_space<vmem>>, vector<16xi32>,
    %get3A_2583 = arith.constant 496 : index
    %get3A_2584 = tpu.vector_load %arg5[%get3A_2583] {strides = array<i32>} : memref<512xi32, #tpu.memory_space<vmem>>, vector<16xi32>,
    %get3A_2585 = vector.shape_cast %get3A_2584 : vector<16xi32> to vector<16xi32>
    %add3A_2586 = arith.constant 7000 : i32
    %add3A_2587 = vector.broadcast %add3A_2586 : i32 to vector<16xi32>
    %add3A_2588 = arith.addi %get3A_2585, %add3A_2587 : vector<16xi32>
    %swap3A_2589 = arith.constant 496 : index
    %swap3A_2590 = tpu.vector_load %arg6[%swap3A_2589] {strides = array<i32>} : memref<512xi32, #tpu.memory_space<vmem>>, vector<16xi32>,
    %swap3A_2591 = vector.shape_cast %swap3A_2590 : vector<16xi32> to vector<16xi32>
    %swap3A_2592 = vector.shape_cast %add3A_2588 : vector<16xi32> to vector<16xi32>
    tpu.vector_store %arg6[%swap3A_2589], %swap3A_2592 {strides = array<i32>} : memref<512xi32, #tpu.memory_space<vmem>>, vector<16xi32>,
    %dma_start3A_2593 = arith.constant 0 : i32
    %dma_start3A_2594 = tpu.memref_slice %arg2[%dma_start3A_2593] : memref<8000xf32, #tpu.memory_space<hbm>> -> memref<8000xf32, #tpu.memory_space<hbm>>
    tpu.enqueue_indirect_dma source(%dma_start3A_2594 : memref<8000xf32, #tpu.memory_space<hbm>>) target(%arg7 : memref<512xf32, #tpu.memory_space<vmem>>) offsets(%arg6 : memref<512xi32, #tpu.memory_space<vmem>>) semaphore(%arg8 : memref<!tpu.dma_semaphore, #tpu.memory_space<semaphore_mem>>)
    %dma_wait3A_2595 = arith.constant 0 : i32
    %dma_wait3A_2596 = tpu.memref_slice %arg2[%dma_wait3A_2595] : memref<8000xf32, #tpu.memory_space<hbm>> -> memref<8000xf32, #tpu.memory_space<hbm>>
    tpu.wait_indirect_dma semaphore(%arg8 : memref<!tpu.dma_semaphore, #tpu.memory_space<semaphore_mem>>) src(%dma_wait3A_2596 : memref<8000xf32, #tpu.memory_space<hbm>>) dst(%arg7 : memref<512xf32, #tpu.memory_space<vmem>>)
    %run_scoped3A_2597 = arith.constant 7 : i32
    "tpu.region"() ({
      %run_scoped3A_2598 = tpu.sem_alloc : memref<!tpu.dma_semaphore, #tpu.memory_space<semaphore_mem>>
      %dma_start3A_2599 = tpu.memref_slice %arg4[%run_scoped3A_2597, %mul3A_2] : memref<8x16384xf32, #tpu.memory_space<hbm>> -> memref<1x512xf32, #tpu.memory_space<hbm>>
      %dma_start3A_2600 = tpu.memref_squeeze %dma_start3A_2599 : memref<1x512xf32, #tpu.memory_space<hbm>> -> memref<512xf32, #tpu.memory_space<hbm>>
      %dma_start3A_2601 = tpu.memref_slice %arg4[%run_scoped3A_2597, %mul3A_2] : memref<8x16384xf32, #tpu.memory_space<hbm>> -> memref<1x512xf32, #tpu.memory_space<hbm>>
      %dma_start3A_2602 = tpu.memref_squeeze %dma_start3A_2601 : memref<1x512xf32, #tpu.memory_space<hbm>> -> memref<512xf32, #tpu.memory_space<hbm>>
      tpu.enqueue_dma source(%arg7 : memref<512xf32, #tpu.memory_space<vmem>>) target(%dma_start3A_2602 : memref<512xf32, #tpu.memory_space<hbm>>) target_semaphore(%run_scoped3A_2598 : memref<!tpu.dma_semaphore, #tpu.memory_space<semaphore_mem>>)
      %dma_wait3A_2603 = tpu.memref_slice %arg4[%run_scoped3A_2597, %mul3A_2] : memref<8x16384xf32, #tpu.memory_space<hbm>> -> memref<1x512xf32, #tpu.memory_space<hbm>>
      %dma_wait3A_2604 = tpu.memref_squeeze %dma_wait3A_2603 : memref<1x512xf32, #tpu.memory_space<hbm>> -> memref<512xf32, #tpu.memory_space<hbm>>
      %dma_wait3A_2605 = tpu.memref_slice %arg4[%run_scoped3A_2597, %mul3A_2] : memref<8x16384xf32, #tpu.memory_space<hbm>> -> memref<1x512xf32, #tpu.memory_space<hbm>>
      %dma_wait3A_2606 = tpu.memref_squeeze %dma_wait3A_2605 : memref<1x512xf32, #tpu.memory_space<hbm>> -> memref<512xf32, #tpu.memory_space<hbm>>
      tpu.wait_dma2 semaphore(%run_scoped3A_2598 : memref<!tpu.dma_semaphore, #tpu.memory_space<semaphore_mem>>) src(%arg7 : memref<512xf32, #tpu.memory_space<vmem>>) dst(%dma_wait3A_2606 : memref<512xf32, #tpu.memory_space<hbm>>)
      tpu.yield
    }) : () -> ()
    return
  }
}

module attributes {stable_mosaic.version = 14 : i64} {
  func.func @_tc_body(%arg0: i32, %arg1: memref<32x2048xf32, #tpu.memory_space<vmem>>, %arg2: memref<8x2048xf32, #tpu.memory_space<vmem>>, %arg3: memref<4096x26xbf16, #tpu.memory_space<vmem>>, %arg4: memref<8x4096xbf16, #tpu.memory_space<vmem>>, %arg5: memref<8x2048xf32, #tpu.memory_space<vmem>>) attributes {dimension_semantics = [#tpu.dimension_semantics<arbitrary>], iteration_bounds = array<i64: 8>, scalar_prefetch = 0 : i64, scratch_operands = 0 : i64, tpu.core_type = #tpu.core_type<tc>, window_params = [{transform_indices = @transform_0, window_bounds = array<i64: 32, 2048>}, {transform_indices = @transform_1, window_bounds = array<i64: 8, 2048>}, {pipeline_mode = #tpu.pipeline_mode<synchronous>, transform_indices = @transform_2, window_bounds = array<i64: 4096, 26>}, {pipeline_mode = #tpu.pipeline_mode<synchronous>, transform_indices = @transform_3, window_bounds = array<i64: 8, 4096>}, {transform_indices = @transform_4, window_bounds = array<i64: 8, 2048>}]} {
    %get3A = arith.constant 0 : index
    %get3A_0 = arith.constant 0 : index
    %get3A_1 = vector.load %arg1[%get3A, %get3A_0] : memref<32x2048xf32, #tpu.memory_space<vmem>>, vector<32x2048xf32>
    %slice3A = vector.extract_strided_slice %get3A_1 {offsets = [0, 0], sizes = [18, 2048], strides = [1, 1]} : vector<32x2048xf32> to vector<18x2048xf32>
    %convert_element_type3A = arith.truncf %slice3A : vector<18x2048xf32> to vector<18x2048xbf16>
    %get3A_2 = arith.constant 0 : index
    %get3A_3 = arith.constant 0 : index
    %get3A_4 = vector.load %arg2[%get3A_2, %get3A_3] : memref<8x2048xf32, #tpu.memory_space<vmem>>, vector<8x2048xf32>
    %convert_element_type3A_5 = arith.truncf %get3A_4 : vector<8x2048xf32> to vector<8x2048xbf16>
    %concatenate3A = tpu.concatenate %convert_element_type3A, %convert_element_type3A_5 in 0 : vector<18x2048xbf16>, vector<8x2048xbf16> -> vector<26x2048xbf16>
    %broadcast_in_dim3A = arith.constant 0.000000e+00 : f32
    %broadcast_in_dim3A_6 = vector.broadcast %broadcast_in_dim3A : f32 to vector<8x2048xf32>
    %get3A_7 = arith.constant 0 : index
    %get3A_8 = arith.constant 0 : index
    %get3A_9 = vector.load %arg3[%get3A_7, %get3A_8] : memref<4096x26xbf16, #tpu.memory_space<vmem>>, vector<1024x26xbf16>
    %dot_general3A = arith.constant dense<0.000000e+00> : vector<1024x2048xf32>
    %dot_general3A_10 = tpu.matmul %get3A_9, %concatenate3A, %dot_general3A {dimension_numbers = #tpu.dot_dimension_numbers<[1], [0], [0], [1], [0, 0, 1, 1], [], []>, transpose_lhs_hint = false} : vector<1024x26xbf16>, vector<26x2048xbf16>, vector<1024x2048xf32> -> vector<1024x2048xf32>
    %convert_element_type3A_11 = arith.truncf %dot_general3A_10 : vector<1024x2048xf32> to vector<1024x2048xbf16>
    %max3A = arith.constant 0.000000e+00 : bf16
    %max3A_12 = vector.broadcast %max3A : bf16 to vector<1024x2048xbf16>
    %max3A_13 = arith.maximumf %convert_element_type3A_11, %max3A_12 : vector<1024x2048xbf16>
    %get3A_14 = arith.constant 0 : index
    %get3A_15 = arith.constant 0 : index
    %get3A_16 = vector.load %arg4[%get3A_14, %get3A_15] : memref<8x4096xbf16, #tpu.memory_space<vmem>>, vector<8x1024xbf16>
    %dot_general3A_17 = arith.constant dense<0.000000e+00> : vector<8x2048xf32>
    %dot_general3A_18 = tpu.matmul %get3A_16, %max3A_13, %dot_general3A_17 {dimension_numbers = #tpu.dot_dimension_numbers<[1], [0], [0], [1], [0, 0, 1, 1], [], []>, transpose_lhs_hint = false} : vector<8x1024xbf16>, vector<1024x2048xbf16>, vector<8x2048xf32> -> vector<8x2048xf32>
    %add3A = arith.addf %broadcast_in_dim3A_6, %dot_general3A_18 : vector<8x2048xf32>
    %get3A_19 = arith.constant 1024 : index
    %get3A_20 = arith.constant 0 : index
    %get3A_21 = vector.load %arg3[%get3A_19, %get3A_20] : memref<4096x26xbf16, #tpu.memory_space<vmem>>, vector<1024x26xbf16>
    %dot_general3A_22 = arith.constant dense<0.000000e+00> : vector<1024x2048xf32>
    %dot_general3A_23 = tpu.matmul %get3A_21, %concatenate3A, %dot_general3A_22 {dimension_numbers = #tpu.dot_dimension_numbers<[1], [0], [0], [1], [0, 0, 1, 1], [], []>, transpose_lhs_hint = false} : vector<1024x26xbf16>, vector<26x2048xbf16>, vector<1024x2048xf32> -> vector<1024x2048xf32>
    %convert_element_type3A_24 = arith.truncf %dot_general3A_23 : vector<1024x2048xf32> to vector<1024x2048xbf16>
    %max3A_25 = arith.constant 0.000000e+00 : bf16
    %max3A_26 = vector.broadcast %max3A_25 : bf16 to vector<1024x2048xbf16>
    %max3A_27 = arith.maximumf %convert_element_type3A_24, %max3A_26 : vector<1024x2048xbf16>
    %get3A_28 = arith.constant 0 : index
    %get3A_29 = arith.constant 1024 : index
    %get3A_30 = vector.load %arg4[%get3A_28, %get3A_29] : memref<8x4096xbf16, #tpu.memory_space<vmem>>, vector<8x1024xbf16>
    %dot_general3A_31 = arith.constant dense<0.000000e+00> : vector<8x2048xf32>
    %dot_general3A_32 = tpu.matmul %get3A_30, %max3A_27, %dot_general3A_31 {dimension_numbers = #tpu.dot_dimension_numbers<[1], [0], [0], [1], [0, 0, 1, 1], [], []>, transpose_lhs_hint = false} : vector<8x1024xbf16>, vector<1024x2048xbf16>, vector<8x2048xf32> -> vector<8x2048xf32>
    %add3A_33 = arith.addf %add3A, %dot_general3A_32 : vector<8x2048xf32>
    %get3A_34 = arith.constant 2048 : index
    %get3A_35 = arith.constant 0 : index
    %get3A_36 = vector.load %arg3[%get3A_34, %get3A_35] : memref<4096x26xbf16, #tpu.memory_space<vmem>>, vector<1024x26xbf16>
    %dot_general3A_37 = arith.constant dense<0.000000e+00> : vector<1024x2048xf32>
    %dot_general3A_38 = tpu.matmul %get3A_36, %concatenate3A, %dot_general3A_37 {dimension_numbers = #tpu.dot_dimension_numbers<[1], [0], [0], [1], [0, 0, 1, 1], [], []>, transpose_lhs_hint = false} : vector<1024x26xbf16>, vector<26x2048xbf16>, vector<1024x2048xf32> -> vector<1024x2048xf32>
    %convert_element_type3A_39 = arith.truncf %dot_general3A_38 : vector<1024x2048xf32> to vector<1024x2048xbf16>
    %max3A_40 = arith.constant 0.000000e+00 : bf16
    %max3A_41 = vector.broadcast %max3A_40 : bf16 to vector<1024x2048xbf16>
    %max3A_42 = arith.maximumf %convert_element_type3A_39, %max3A_41 : vector<1024x2048xbf16>
    %get3A_43 = arith.constant 0 : index
    %get3A_44 = arith.constant 2048 : index
    %get3A_45 = vector.load %arg4[%get3A_43, %get3A_44] : memref<8x4096xbf16, #tpu.memory_space<vmem>>, vector<8x1024xbf16>
    %dot_general3A_46 = arith.constant dense<0.000000e+00> : vector<8x2048xf32>
    %dot_general3A_47 = tpu.matmul %get3A_45, %max3A_42, %dot_general3A_46 {dimension_numbers = #tpu.dot_dimension_numbers<[1], [0], [0], [1], [0, 0, 1, 1], [], []>, transpose_lhs_hint = false} : vector<8x1024xbf16>, vector<1024x2048xbf16>, vector<8x2048xf32> -> vector<8x2048xf32>
    %add3A_48 = arith.addf %add3A_33, %dot_general3A_47 : vector<8x2048xf32>
    %get3A_49 = arith.constant 3072 : index
    %get3A_50 = arith.constant 0 : index
    %get3A_51 = vector.load %arg3[%get3A_49, %get3A_50] : memref<4096x26xbf16, #tpu.memory_space<vmem>>, vector<1024x26xbf16>
    %dot_general3A_52 = arith.constant dense<0.000000e+00> : vector<1024x2048xf32>
    %dot_general3A_53 = tpu.matmul %get3A_51, %concatenate3A, %dot_general3A_52 {dimension_numbers = #tpu.dot_dimension_numbers<[1], [0], [0], [1], [0, 0, 1, 1], [], []>, transpose_lhs_hint = false} : vector<1024x26xbf16>, vector<26x2048xbf16>, vector<1024x2048xf32> -> vector<1024x2048xf32>
    %convert_element_type3A_54 = arith.truncf %dot_general3A_53 : vector<1024x2048xf32> to vector<1024x2048xbf16>
    %max3A_55 = arith.constant 0.000000e+00 : bf16
    %max3A_56 = vector.broadcast %max3A_55 : bf16 to vector<1024x2048xbf16>
    %max3A_57 = arith.maximumf %convert_element_type3A_54, %max3A_56 : vector<1024x2048xbf16>
    %get3A_58 = arith.constant 0 : index
    %get3A_59 = arith.constant 3072 : index
    %get3A_60 = vector.load %arg4[%get3A_58, %get3A_59] : memref<8x4096xbf16, #tpu.memory_space<vmem>>, vector<8x1024xbf16>
    %dot_general3A_61 = arith.constant dense<0.000000e+00> : vector<8x2048xf32>
    %dot_general3A_62 = tpu.matmul %get3A_60, %max3A_57, %dot_general3A_61 {dimension_numbers = #tpu.dot_dimension_numbers<[1], [0], [0], [1], [0, 0, 1, 1], [], []>, transpose_lhs_hint = false} : vector<8x1024xbf16>, vector<1024x2048xbf16>, vector<8x2048xf32> -> vector<8x2048xf32>
    %add3A_63 = arith.addf %add3A_48, %dot_general3A_62 : vector<8x2048xf32>
    %swap3A = arith.constant 0 : index
    %swap3A_64 = arith.constant 0 : index
    %swap3A_65 = vector.load %arg5[%swap3A, %swap3A_64] : memref<8x2048xf32, #tpu.memory_space<vmem>>, vector<8x2048xf32>
    tpu.vector_store %arg5[%swap3A, %swap3A_64], %add3A_63 {strides = array<i32>} : memref<8x2048xf32, #tpu.memory_space<vmem>>, vector<8x2048xf32>,
    return
  }
  func.func @transform_0(%arg0: i32) -> (i32, i32) {
    %c0_i32 = arith.constant 0 : i32
    %c0_i32_0 = arith.constant 0 : i32
    return %c0_i32, %arg0 : i32, i32
  }
  func.func @transform_1(%arg0: i32) -> (i32, i32) {
    %c0_i32 = arith.constant 0 : i32
    %c0_i32_0 = arith.constant 0 : i32
    return %c0_i32, %arg0 : i32, i32
  }
  func.func @transform_2(%arg0: i32) -> (i32, i32) {
    %c0_i32 = arith.constant 0 : i32
    %c0_i32_0 = arith.constant 0 : i32
    %c0_i32_1 = arith.constant 0 : i32
    return %c0_i32, %c0_i32_0 : i32, i32
  }
  func.func @transform_3(%arg0: i32) -> (i32, i32) {
    %c0_i32 = arith.constant 0 : i32
    %c0_i32_0 = arith.constant 0 : i32
    %c0_i32_1 = arith.constant 0 : i32
    return %c0_i32, %c0_i32_0 : i32, i32
  }
  func.func @transform_4(%arg0: i32) -> (i32, i32) {
    %c0_i32 = arith.constant 0 : i32
    %c0_i32_0 = arith.constant 0 : i32
    return %c0_i32, %arg0 : i32, i32
  }
}

</mosaic_0001>

<sc_bundles>
// kernel: kernel.4.cloned.1.call-start
scs
__scs_entry_jumppad:
0x0: {  	(pc) =	sbr.rel $0x88, $3  }
0x1: {  	(tag) =	ssettag $0x0;
	lr =	simm.s32 $0x1  }
0x2: {  	[smem:$0x3F9A] =	sst lr;
	_ =	strace $0xD0000000  }
0x3: {  	_ = 	snop  }
0x4: {  	_ = 	snop  }
0x5: {  	_ = 	snop  }
0x6: {  	_ = 	snop  }
0x7: {  	_ = 	snop  }
__scs_overlays_trampoline_lowered:
0x8: {  	[smem:$0x3FA9] =	sst s0  }
0x9: {  	[smem:$0x3FAA] =	sst s1  }
0xa: {  	[smem:$0x3FAB] =	sst s2  }
0xb: {  	[smem:$0x3FAC] =	sst s3  }
0xc: {  	[smem:$0x3FAD] =	sst s4  }
0xd: {  	[smem:$0x3FAE] =	sst s5  }
0xe: {  	[smem:$0x3FAF] =	sst s6  }
0xf: {  	[smem:$0x3FB0] =	sst s7  }
0x10: {  	[smem:$0x3FB1] =	sst s8  }
0x11: {  	[smem:$0x3FB2] =	sst s9;
	s0 =	simm.s32 @!p0 $0x0  }
0x12: {  	s1 =	sld [smem:$0x3F98];
	s0 =	simm.s32 @p0 $0x1  }
0x13: {  	[smem:$0x3FB3] =	sst s0;
	s0 =	simm.s32 @!p1 $0x0  }
0x14: {  	s2 =	sld [smem:$0x3F97];
	s0 =	simm.s32 @p1 $0x1  }
0x15: {  	[smem:$0x3FB4] =	sst s0;
	s0 =	simm.s32 @!p2 $0x0  }
0x16: {  	s3 =	sld [smem:$0x3FDB];
	s0 =	simm.s32 @p2 $0x1  }
0x17: {  	s4 =	simm.s32 $0x1BF5;
	[smem:$0x3FB6] =	sst s0  }
0x18: {  	s0 =	sld [smem:$0x3F99];
	_ =	swait.ge [sflag:s4], $0x0  }
0x19: {  	s7 =	sld [smem:$0x3F9A]  }
0x1a: {  	s8 =	sadd.s32 $0xFFFFE003, lr  }
0x1b: {  	s9 =	sadd.s32 $0xFFFFFEF7, lr;
	s5 =	simm.s32 $0xFFFFFFFF;
	p2 =	slt.u32 s8, $0xFFFFF086  }
0x1c: {  	p1 =	slt.u32 s9, $0xF7A;
	s5 =	simm.s32 @!p2 $0x0  }
0x1d: {  	s5 =	simm.s32 @p1 $0x1;
	p0 =	seq.s32 s7, s2  }
0x1e: {  	s7 =	smul.u32 @!p0 $0xF7A, s2;
	p2 =	seq.s32 @!p0 s5, $0x0  }
0x1f: {  	s9 =	smul.u32 $0xF7A, s1;
	s8 =	simm.s32 @!p0 $0x1BF5;
	p2 =	por !p2, p0  }
0x20: {  	[sflag:s8] =	ssyncset.s32 @!p0 $0xFFFFF086;
	s6 =	sadd.s32 @!p0 s3, s7;
	s7 =	simm.s32 @!p0 $0x108  }
0x21: {  	s3 =	sadd.s32 s3, s9;
	s6 =	sadd.s32 @!p0 $0x88, s6;
	s7 =	simm.s32 @p2 $0x1082  }
0x22: {  	[simem:s7], [sflag:s8] =	dma.local @!p0 [hbm:s6], $0xF7A  }
0x23: {  	s9 =	sor.u32 $0xD0000000, s2;
	s6 =	simm.s32 $0x108;
	_ =	swait.ge @!p0 [sflag:s8], $0x0  }
0x24: {  	s3 =	sadd.s32 $0x88, s3;
	s6 =	simm.s32 @!p1 $0x1082;
	[sflag:s4] =	ssyncset.s32 $0xFFFFF086  }
0x25: {  	[simem:s6], [sflag:s4] =	dma.local [hbm:s3], $0xF7A  }
0x26: {  	[smem:$0x3F9A] =	sst s1;
	(tag) =	ssettag s2;
	_ =	strace s9  }
0x27: {  	s1 =	sld [smem:$0x3FAA]  }
0x28: {  	s2 =	sld [smem:$0x3FAB]  }
0x29: {  	s4 =	sld [smem:$0x3FAD]  }
0x2a: {  	p0 =	seq.s32 s5, $0x0;
	s5 =	sld [smem:$0x3FAE]  }
0x2b: {  	s6 =	sld [smem:$0x3FAF]  }
0x2c: {  	s7 =	sld [smem:$0x3FB0]  }
0x2d: {  	s3 =	simm.s32 $0x108;
	s8 =	sld [smem:$0x3FB1]  }
0x2e: {  	s3 =	simm.s32 @!p0 $0x1082;
	s9 =	sld [smem:$0x3FB2]  }
0x2f: {  	lr =	sadd.s32 s0, s3;
	s0 =	sld [smem:$0x3FA9]  }
0x30: {  	s3 =	sld [smem:$0x3FAC]  }
0x31: {  	[smem:$0x3FB5] =	sst s10  }
0x32: {  	s10 =	sld [smem:$0x3FB3];
	_ =	sdelay $0x3  }
0x33: {  	p0 =	seq.s32 s10, $0x1;
	s10 =	sld [smem:$0x3FB5];
	_ =	sdelay $0x3  }
0x34: {  	[smem:$0x3FB5] =	sst s10  }
0x35: {  	s10 =	sld [smem:$0x3FB4];
	_ =	sdelay $0x3  }
0x36: {  	p1 =	seq.s32 s10, $0x1;
	s10 =	sld [smem:$0x3FB5];
	_ =	sdelay $0x3  }
0x37: {  	[smem:$0x3FB5] =	sst s10  }
0x38: {  	s10 =	sld [smem:$0x3FB6]  }
0x39: {  	_ = 	snop;
	(pc) =	sbr.ind lr, $3  }
0x3a: {  	_ = 	snop  }
0x3b: {  	_ = 	snop  }
0x3c: {  	p2 =	seq.s32 s10, $0x1;
	s10 =	sld [smem:$0x3FB5]  }
0x3d: {  	_ =	shalt  }
0x3e: {  	_ =	shalt  }
0x3f: {  	_ =	shalt  }
0x40: {  	_ =	shalt  }
0x41: {  	_ =	shalt  }
0x42: {  	_ =	shalt  }
0x43: {  	_ =	shalt  }
0x44: {  	_ =	shalt  }
0x45: {  	_ =	shalt  }
0x46: {  	_ =	shalt  }
0x47: {  	_ =	shalt  }
0x48: {  	_ =	shalt  }
0x49: {  	_ =	shalt  }
0x4a: {  	_ =	shalt  }
0x4b: {  	_ =	shalt  }
0x4c: {  	_ =	shalt  }
0x4d: {  	_ =	shalt  }
0x4e: {  	_ =	shalt  }
0x4f: {  	_ =	shalt  }
0x50: {  	_ =	shalt  }
0x51: {  	_ =	shalt  }
0x52: {  	_ =	shalt  }
0x53: {  	_ =	shalt  }
0x54: {  	_ =	shalt  }
0x55: {  	_ =	shalt  }
0x56: {  	_ =	shalt  }
0x57: {  	_ =	shalt  }
0x58: {  	_ =	shalt  }
0x59: {  	_ =	shalt  }
0x5a: {  	_ =	shalt  }
0x5b: {  	_ =	shalt  }
0x5c: {  	_ =	shalt  }
0x5d: {  	_ =	shalt  }
0x5e: {  	_ =	shalt  }
0x5f: {  	_ =	shalt  }
0x60: {  	_ =	shalt  }
0x61: {  	_ =	shalt  }
0x62: {  	_ =	shalt  }
0x63: {  	_ =	shalt  }
0x64: {  	_ =	shalt  }
0x65: {  	_ =	shalt  }
0x66: {  	_ =	shalt  }
0x67: {  	_ =	shalt  }
0x68: {  	_ =	shalt  }
0x69: {  	_ =	shalt  }
0x6a: {  	_ =	shalt  }
0x6b: {  	_ =	shalt  }
0x6c: {  	_ =	shalt  }
0x6d: {  	_ =	shalt  }
0x6e: {  	_ =	shalt  }
0x6f: {  	_ =	shalt  }
0x70: {  	_ =	shalt  }
0x71: {  	_ =	shalt  }
0x72: {  	_ =	shalt  }
0x73: {  	_ =	shalt  }
0x74: {  	_ =	shalt  }
0x75: {  	_ =	shalt  }
0x76: {  	_ =	shalt  }
0x77: {  	_ =	shalt  }
0x78: {  	_ =	shalt  }
0x79: {  	_ =	shalt  }
0x7a: {  	_ =	shalt  }
0x7b: {  	_ =	shalt  }
0x7c: {  	_ =	shalt  }
0x7d: {  	_ =	shalt  }
0x7e: {  	_ =	shalt  }
0x7f: {  	_ =	shalt  }
0x80: {  	_ =	shalt  }
0x81: {  	_ =	shalt  }
0x82: {  	_ =	shalt  }
0x83: {  	_ =	shalt  }
0x84: {  	_ =	shalt  }
0x85: {  	_ =	shalt  }
0x86: {  	_ =	shalt  }
0x87: {  	_ =	shalt  }
.Lfunc_end0:
.L_simem_size_0:
called_computation_lowered:
.L_overlay_start_0:
0x88: {  	s2 =	sld [smem:$0x3FD9]  }
0x89: {  	s3 =	sld [smem:$0x3FFE];
	_ =	sdelay $0x1  }
0x8a: {  	s1 =	srdreg.scid  }
0x8b: {  	s0 =	sand.u32 $0x1, s1  }
0x8c: {  	s14 =	sshll.u32 s0, $0xA;
	s2 =	sadd.s32 s3, s2  }
0x8d: {  	s2 =	sadd.s32 s2, s14  }
0x8e: {  	[smem:$0x3FC1] =	sst s2  }
0x8f: {  	_ = 	snop  }
0x90: {  	s2 =	sld [smem:$0x3FD0];
	_ =	sdelay $0x2  }
0x91: {  	s15 =	simm.s32 $0xA;
	s4 =	simm.s32 $0x10  }
0x92: {  	[smem:s4], [sflag:s15] =	dma.local [hbm:s2], $0x1  }
0x93: {  	_ =	swait.eq [sflag:s15], $0x1  }
0x94: {  	[sflag:s15] =	ssyncset.done $0x0  }
0x95: {  	s16 =	sld [smem:$0x10];
	[sflag:s15] =	ssyncadd.s32 $0xFFFFFFFF  }
0x96: {  	s17 =	sld [smem:$0x12];
	(tm) =	ssettm $0x1  }
0x97: {  	s18 =	sld [smem:$0x3FFB];
	_ =	sdelay $0x3  }
0x98: {  	_ =	strace s18  }
0x99: {  	s4 =	sld [smem:$0x3FFC];
	_ =	sdelay $0x3  }
0x9a: {  	_ =	strace s4  }
0x9b: {  	s4 =	sld [smem:$0x3FFD];
	_ =	sdelay $0x3  }
0x9c: {  	_ =	strace s4  }
0x9d: {  	_ =	strace $0x8FFFFFFF  }
0x9e: {  	s19 =	sld [smem:$0x3FDB];
	_ =	sdelay $0x1  }
0x9f: {  	s5 =	simm.s32 $_scs_section_size  }
0xa0: {  	s6 =	simm.s32 $_size__tile_overlayer_lowered;
	s7 =	simm.s32 $_tile_overlayer_lowered  }
0xa1: {  	s22 =	simm.s32 $0x1BFF;
	s21 =	sshll.u32 s7, $0x1;
	s4 =	sadd.s32 s5, s19  }
0xa2: {  	s8 =	simm.s32 $0x0;
	s20 =	sshll.u32 s6, $0x1;
	s6 =	sadd.s32 s21, s4  }
0xa3: {  	[timem:s8], [sflag:s22] =	dma.local [hbm:s6], s20  }
0xa4: {  	_ =	swait.ge [sflag:s22], s20  }
0xa5: {  	s5 =	ssub.s32 $0x0, s20;
	[sflag:s22] =	ssyncset.done $0x0  }
0xa6: {  	[sflag:s22] =	ssyncadd.s32 s5;
	_ =	sdelay $0x1  }
0xa7: {  	s23 =	simm.s32 $0x1B8B  }
0xa8: {  	_ =	swait.ge [sflag:s23], $0x1  }
0xa9: {  	[sflag:s23] =	ssyncset.done $0x0  }
0xaa: {  	s25 =	simm.s32 $0x1B8E;
	s24 =	sld [smem:$0x3FFE];
	[sflag:s23] =	ssyncadd.s32 $0xFFFFFFFF  }
0xab: {  	s26 =	simm.s32 $execute0_lowered;
	[smem:$0x3FD2] =	sst s25  }
0xac: {  	s6 =	sshll.u32 s26, $0x1;
	_ =	strace $0x80000046;
	[dreg:$0x1] =	wrdreg $0xFFFFFFFF  }
0xad: {  	s28 =	simm.s32 $_size_execute0_lowered;
	s4 =	sadd.s32 s4, s6;
	[dreg:$0x0] =	wrdreg $0x0  }
0xae: {  	s6 =	sshll.u32 s28, $0x1;
	[dreg:$0x2] =	wrdreg s4  }
0xaf: {  	[dreg:$0x3] =	wrdreg s6  }
0xb0: {  	[dreg:$0x4] =	wrdreg $0xC0  }
0xb1: {  	_ =	task [dreg:s8], $0x5FFFF  }
0xb2: {  	[dreg:$0x1] =	wrdreg $0xFFFFFFFF  }
0xb3: {  	[dreg:$0x0] =	wrdreg $0x60  }
0xb4: {  	[dreg:$0x2] =	wrdreg s17  }
0xb5: {  	[dreg:$0x3] =	wrdreg s16  }
0xb6: {  	[dreg:$0x4] =	wrdreg s24  }
0xb7: {  	[dreg:$0x5] =	wrdreg $0x9  }
0xb8: {  	_ =	task.clear_ibuf [dreg:s8], $0x6FFFF;
	_ =	strace $0x90000046  }
0xb9: {  	s29 =	simm.s32 $0x9;
	_ =	strace $0x80000048  }
0xba: {  	_ =	swait.ge [sflag:s29], $0x1  }
0xbb: {  	[sflag:s29] =	ssyncadd.s32 $0xFFFFFFFF  }
0xbc: {  	_ =	strace $0x90000048  }
0xbd: {  	_ =	sfence  }
0xbe: {  	s30 =	sld [smem:$0x0];
	_ =	sdelay $0x2  }
0xbf: {  	s31 =	sshll.u32 s1, $0xD;
	s1 =	sshrl.u32 s1, $0x2  }
0xc0: {  	s3 =	sand.u32 $0x4000, s31;
	s1 =	sadd.s32 s1, s30  }
0xc1: {  	s0 =	sor.u32 s3, s0;
	s1 =	sshll.u32 s1, $0x11  }
0xc2: {  	s0 =	sor.u32 s1, s0  }
0xc3: {  	s0 =	sadd.s32 $0x8F2B, s0  }
0xc4: {  	[sflag:s0] =	ssyncadd.remote.s32 $0x1  }
0xc5: {  	_ =	sfence.sel $0xFFFF  }
0xc6: {  	[dreg:$0x0] =	wrdreg $0xFFFFFFFF;
	(pc) =	sbr.abs _section_cstart, $3  }
0xc7: {  	[dreg:$0x1] =	wrdreg $0xFFFFFFFF  }
0xc8: {  	_ =	task.clear_ibuf [dreg:s8], $0x2FFFF;
	_ =	strace $0x9FFFFFFF  }
0xc9: {  	(tm) =	ssettm $0x7FFFFFFF  }
tec
execute0_lowered:
.L_overlay_start_1:
0x0: {  	(tag) =	ssettag $0x1  }
0x1: {  	s1 =	rddreg [dreg:$0x0]  }
0x2: {  	s4 =	rddreg [dreg:$0x1]  }
0x3: {  	s5 =	rddreg [dreg:$0x2]  }
0x4: {  	s0 =	rddreg [dreg:$0x3];
	s3 =	simm.s32 $0x0;
	s6 =	srdreg.scid  }
0x5: {  	s2 =	stileid.u32;
	s14 =	simm.s32 $0x2;
	s15 =	simm.s32 $0x200  }
0x6: {  	s16 =	simm.s32 $0x400;
	s17 =	simm.s32 $0x1;
	s6 =	sand.u32 $0x1, s6  }
0x7: {  	s18 =	simm.s32 $0x80;
	s7 =	sshll.u32 s2, $0xA;
	s8 =	sshll.u32 s6, $0x9  }
0x8: {  	[smem:$0x7FF] =	sst s3;
	s6 =	ssub.s32 $0x2, s6;
	s7 =	sor.u32 s8, s7  }
0x9: {  	_ =	strace $0x80000047;
	s30 =	sshrl.u32 s6, $0x1;
	s31 =	sshrl.u32 s7, $0x3  }
0xa: {  	s12 =	sadd.s32 s7, s5;
	s13 =	ssub.s32 s6, s30;
	s4 =	sadd.s32 s4, s31  }
0xb: {  	s5 =	sadd.s32 $0x1400, s12;
	s6 =	sadd.s32 $0x1410, s12;
	s7 =	sadd.s32 $0x1420, s12  }
0xc: {  	s8 =	sadd.s32 $0x1430, s12;
	s9 =	sadd.s32 $0x1440, s12;
	s10 =	sadd.s32 $0x1450, s12  }
0xd: {  	s11 =	sadd.s32 $0x1460, s12;
	s12 =	sadd.s32 $0x1470, s12;
	s13 =	smax.u32 s13, $0x1  }
.LBB2_1:
0xe: {  	[tilespmem:s3], [sflag:$0x2] =	stream.linear.gather [hbm4b:s4+s3], $0x200, $0x38;
	[tilespmem:$0x600] =	vst v63  }
0xf: {  	_ =	swait.ge [sflag:s14], $0x200  }
0x10: {  	[sflag:s14] =	ssyncset.done $0x0  }
0x11: {  	[sflag:s14] =	ssyncadd.s32 $0xFFFFFE00  }
0x12: {  	v0 =	vld [tilespmem:$0x0]  }
0x13: {  	v1 =	vld [tilespmem:$0x10]  }
0x14: {  	v2 =	vld [tilespmem:$0x20]  }
0x15: {  	v3 =	vld [tilespmem:$0x30]  }
0x16: {  	v4 =	vld [tilespmem:$0x40]  }
0x17: {  	v49 =	vld [tilespmem:$0x50];
	[tilespmem:$0x200] =	vst v0  }
0x18: {  	v50 =	vld [tilespmem:$0x60];
	[tilespmem:$0x210] =	vst v1  }
0x19: {  	v51 =	vld [tilespmem:$0x70];
	[tilespmem:$0x220] =	vst v2  }
0x1a: {  	v52 =	vld [tilespmem:$0x80];
	[tilespmem:$0x230] =	vst v3  }
0x1b: {  	v53 =	vld [tilespmem:$0x90];
	[tilespmem:$0x240] =	vst v4  }
0x1c: {  	v54 =	vld [tilespmem:$0xA0];
	[tilespmem:$0x250] =	vst v49  }
0x1d: {  	v55 =	vld [tilespmem:$0xB0];
	[tilespmem:$0x260] =	vst v50  }
0x1e: {  	v56 =	vld [tilespmem:$0xC0];
	[tilespmem:$0x270] =	vst v51  }
0x1f: {  	v57 =	vld [tilespmem:$0xD0];
	[tilespmem:$0x280] =	vst v52  }
0x20: {  	v58 =	vld [tilespmem:$0xE0];
	[tilespmem:$0x290] =	vst v53  }
0x21: {  	v59 =	vld [tilespmem:$0xF0];
	[tilespmem:$0x2A0] =	vst v54  }
0x22: {  	v60 =	vld [tilespmem:$0x100];
	[tilespmem:$0x2B0] =	vst v55  }
0x23: {  	v61 =	vld [tilespmem:$0x110];
	[tilespmem:$0x2C0] =	vst v56  }
0x24: {  	v62 =	vld [tilespmem:$0x120];
	[tilespmem:$0x2D0] =	vst v57  }
0x25: {  	v63 =	vld [tilespmem:$0x130];
	[tilespmem:$0x2E0] =	vst v58  }
0x26: {  	v8 =	vld [tilespmem:$0x140];
	[tilespmem:$0x2F0] =	vst v59  }
0x27: {  	v9 =	vld [tilespmem:$0x150];
	[tilespmem:$0x300] =	vst v60  }
0x28: {  	v10 =	vld [tilespmem:$0x160];
	[tilespmem:$0x310] =	vst v61  }
0x29: {  	v11 =	vld [tilespmem:$0x170];
	[tilespmem:$0x320] =	vst v62  }
0x2a: {  	v12 =	vld [tilespmem:$0x180];
	[tilespmem:$0x330] =	vst v63  }
0x2b: {  	v13 =	vld [tilespmem:$0x190];
	[tilespmem:$0x340] =	vst v8  }
0x2c: {  	v14 =	vld [tilespmem:$0x1A0];
	[tilespmem:$0x350] =	vst v9  }
0x2d: {  	v15 =	vld [tilespmem:$0x1B0];
	[tilespmem:$0x360] =	vst v10  }
0x2e: {  	v16 =	vld [tilespmem:$0x1C0];
	[tilespmem:$0x370] =	vst v11  }
0x2f: {  	v17 =	vld [tilespmem:$0x1D0];
	[tilespmem:$0x380] =	vst v12  }
0x30: {  	[tilespmem:$0x390] =	vst v13  }
0x31: {  	[tilespmem:$0x3A0] =	vst v14  }
0x32: {  	[tilespmem:$0x3B0] =	vst v15  }
0x33: {  	[tilespmem:$0x3C0] =	vst v16  }
0x34: {  	[tilespmem:$0x3D0] =	vst v17  }
0x35: {  	v0 =	vld [tilespmem:$0x1E0]  }
0x36: {  	v18 =	vld [tilespmem:$0x1F0];
	_ =	sdelay $0x3  }
0x37: {  	[tilespmem:$0x3E0] =	vst v0  }
0x38: {  	[tilespmem:$0x3F0] =	vst v18  }
0x39: {  	[tilespmem:s16], [sflag:$0x1] =	stream.indirect.gather [hbm4b:s1+s15], $0x1, s15, s15, $0xb8;
	[tilespmem:$0x600] =	vst v63  }
0x3a: {  	_ =	swait.ge [sflag:s17], $0x200  }
0x3b: {  	[sflag:s17] =	ssyncset.done $0x0  }
0x3c: {  	[sflag:s17] =	ssyncadd.s32 $0xFFFFFE00  }
0x3d: {  	[hbm4b:s5+s18] =	stream.strided.scatter [tilespmem:s16], [sflag:$0x2], $0x200, s16, s18, $0x38;
	[tilespmem:$0x600] =	vst v63  }
0x3e: {  	_ =	swait.ge [sflag:s14], $0x200  }
0x3f: {  	[sflag:s14] =	ssyncset.done $0x0  }
0x40: {  	[sflag:s14] =	ssyncadd.s32 $0xFFFFFE00  }
0x41: {  	v19 =	vld [tilespmem:$0x0]  }
0x42: {  	v20 =	vld [tilespmem:$0x10]  }
0x43: {  	v21 =	vld [tilespmem:$0x20]  }
0x44: {  	v22 =	vld [tilespmem:$0x30]  }
0x45: {  	v23 =	vld [tilespmem:$0x40]  }
0x46: {  	v5 =	vld [tilespmem:$0x50];
	v0 =	vadd.s32 $0x3E8, v19  }
0x47: {  	v25 =	vld [tilespmem:$0x60];
	v24 =	vadd.s32 $0x3E8, v20;
	[tilespmem:$0x200] =	vst v0  }
0x48: {  	v27 =	vld [tilespmem:$0x70];
	v26 =	vadd.s32 $0x3E8, v21;
	[tilespmem:$0x210] =	vst v24  }
0x49: {  	v29 =	vld [tilespmem:$0x80];
	v28 =	vadd.s32 $0x3E8, v22;
	[tilespmem:$0x220] =	vst v26  }
0x4a: {  	v31 =	vld [tilespmem:$0x90];
	v30 =	vadd.s32 $0x3E8, v23;
	[tilespmem:$0x230] =	vst v28  }
0x4b: {  	v33 =	vld [tilespmem:$0xA0];
	v32 =	vadd.s32 $0x3E8, v5;
	[tilespmem:$0x240] =	vst v30  }
0x4c: {  	v35 =	vld [tilespmem:$0xB0];
	v34 =	vadd.s32 $0x3E8, v25;
	[tilespmem:$0x250] =	vst v32  }
0x4d: {  	v37 =	vld [tilespmem:$0xC0];
	v36 =	vadd.s32 $0x3E8, v27;
	[tilespmem:$0x260] =	vst v34  }
0x4e: {  	v39 =	vld [tilespmem:$0xD0];
	v38 =	vadd.s32 $0x3E8, v29;
	[tilespmem:$0x270] =	vst v36  }
0x4f: {  	v41 =	vld [tilespmem:$0xE0];
	v40 =	vadd.s32 $0x3E8, v31;
	[tilespmem:$0x280] =	vst v38  }
0x50: {  	v43 =	vld [tilespmem:$0xF0];
	v42 =	vadd.s32 $0x3E8, v33;
	[tilespmem:$0x290] =	vst v40  }
0x51: {  	v45 =	vld [tilespmem:$0x100];
	v44 =	vadd.s32 $0x3E8, v35;
	[tilespmem:$0x2A0] =	vst v42  }
0x52: {  	v47 =	vld [tilespmem:$0x110];
	v46 =	vadd.s32 $0x3E8, v37;
	[tilespmem:$0x2B0] =	vst v44  }
0x53: {  	v49 =	vld [tilespmem:$0x120];
	v48 =	vadd.s32 $0x3E8, v39;
	[tilespmem:$0x2C0] =	vst v46  }
0x54: {  	v51 =	vld [tilespmem:$0x130];
	v50 =	vadd.s32 $0x3E8, v41;
	[tilespmem:$0x2D0] =	vst v48  }
0x55: {  	v53 =	vld [tilespmem:$0x140];
	v52 =	vadd.s32 $0x3E8, v43;
	[tilespmem:$0x2E0] =	vst v50  }
0x56: {  	v55 =	vld [tilespmem:$0x150];
	v54 =	vadd.s32 $0x3E8, v45;
	[tilespmem:$0x2F0] =	vst v52  }
0x57: {  	v57 =	vld [tilespmem:$0x160];
	v56 =	vadd.s32 $0x3E8, v47;
	[tilespmem:$0x300] =	vst v54  }
0x58: {  	v59 =	vld [tilespmem:$0x170];
	v58 =	vadd.s32 $0x3E8, v49;
	[tilespmem:$0x310] =	vst v56  }
0x59: {  	v61 =	vld [tilespmem:$0x180];
	v60 =	vadd.s32 $0x3E8, v51;
	[tilespmem:$0x320] =	vst v58  }
0x5a: {  	v63 =	vld [tilespmem:$0x190];
	v62 =	vadd.s32 $0x3E8, v53;
	[tilespmem:$0x330] =	vst v60  }
0x5b: {  	v8 =	vld [tilespmem:$0x1A0];
	v7 =	vadd.s32 $0x3E8, v55;
	[tilespmem:$0x340] =	vst v62  }
0x5c: {  	v10 =	vld [tilespmem:$0x1B0];
	v9 =	vadd.s32 $0x3E8, v57;
	[tilespmem:$0x350] =	vst v7  }
0x5d: {  	v12 =	vld [tilespmem:$0x1C0];
	v11 =	vadd.s32 $0x3E8, v59;
	[tilespmem:$0x360] =	vst v9  }
0x5e: {  	v14 =	vld [tilespmem:$0x1D0];
	v13 =	vadd.s32 $0x3E8, v61;
	[tilespmem:$0x370] =	vst v11  }
0x5f: {  	v16 =	vld [tilespmem:$0x1E0];
	v15 =	vadd.s32 $0x3E8, v63;
	[tilespmem:$0x380] =	vst v13  }
0x60: {  	v18 =	vld [tilespmem:$0x1F0];
	v17 =	vadd.s32 $0x3E8, v8;
	[tilespmem:$0x390] =	vst v15  }
0x61: {  	v19 =	vadd.s32 $0x3E8, v10;
	[tilespmem:$0x3A0] =	vst v17  }
0x62: {  	v20 =	vadd.s32 $0x3E8, v12;
	[tilespmem:$0x3B0] =	vst v19  }
0x63: {  	v21 =	vadd.s32 $0x3E8, v14;
	[tilespmem:$0x3C0] =	vst v20  }
0x64: {  	v22 =	vadd.s32 $0x3E8, v16;
	[tilespmem:$0x3D0] =	vst v21  }
0x65: {  	v23 =	vadd.s32 $0x3E8, v18;
	[tilespmem:$0x3E0] =	vst v22  }
0x66: {  	[tilespmem:$0x3F0] =	vst v23  }
0x67: {  	[tilespmem:s16], [sflag:$0x1] =	stream.indirect.gather [hbm4b:s1+s15], $0x1, s15, s15, $0xb8;
	[tilespmem:$0x600] =	vst v63  }
0x68: {  	_ =	swait.ge [sflag:s17], $0x200  }
0x69: {  	[sflag:s17] =	ssyncset.done $0x0  }
0x6a: {  	[sflag:s17] =	ssyncadd.s32 $0xFFFFFE00  }
0x6b: {  	[hbm4b:s6+s18] =	stream.strided.scatter [tilespmem:s16], [sflag:$0x2], $0x200, s16, s18, $0x38;
	[tilespmem:$0x600] =	vst v63  }
0x6c: {  	_ =	swait.ge [sflag:s14], $0x200  }
0x6d: {  	[sflag:s14] =	ssyncset.done $0x0  }
0x6e: {  	[sflag:s14] =	ssyncadd.s32 $0xFFFFFE00  }
0x6f: {  	v24 =	vld [tilespmem:$0x0]  }
0x70: {  	v25 =	vld [tilespmem:$0x10]  }
0x71: {  	v26 =	vld [tilespmem:$0x20]  }
0x72: {  	v27 =	vld [tilespmem:$0x30]  }
0x73: {  	v28 =	vld [tilespmem:$0x40]  }
0x74: {  	v29 =	vld [tilespmem:$0x50];
	v0 =	vadd.s32 $0x7D0, v24  }
0x75: {  	v31 =	vld [tilespmem:$0x60];
	v30 =	vadd.s32 $0x7D0, v25;
	[tilespmem:$0x200] =	vst v0  }
0x76: {  	v33 =	vld [tilespmem:$0x70];
	v32 =	vadd.s32 $0x7D0, v26;
	[tilespmem:$0x210] =	vst v30  }
0x77: {  	v35 =	vld [tilespmem:$0x80];
	v34 =	vadd.s32 $0x7D0, v27;
	[tilespmem:$0x220] =	vst v32  }
0x78: {  	v37 =	vld [tilespmem:$0x90];
	v36 =	vadd.s32 $0x7D0, v28;
	[tilespmem:$0x230] =	vst v34  }
0x79: {  	v39 =	vld [tilespmem:$0xA0];
	v38 =	vadd.s32 $0x7D0, v29;
	[tilespmem:$0x240] =	vst v36  }
0x7a: {  	v41 =	vld [tilespmem:$0xB0];
	v40 =	vadd.s32 $0x7D0, v31;
	[tilespmem:$0x250] =	vst v38  }
0x7b: {  	v43 =	vld [tilespmem:$0xC0];
	v42 =	vadd.s32 $0x7D0, v33;
	[tilespmem:$0x260] =	vst v40  }
0x7c: {  	v45 =	vld [tilespmem:$0xD0];
	v44 =	vadd.s32 $0x7D0, v35;
	[tilespmem:$0x270] =	vst v42  }
0x7d: {  	v47 =	vld [tilespmem:$0xE0];
	v46 =	vadd.s32 $0x7D0, v37;
	[tilespmem:$0x280] =	vst v44  }
0x7e: {  	v49 =	vld [tilespmem:$0xF0];
	v48 =	vadd.s32 $0x7D0, v39;
	[tilespmem:$0x290] =	vst v46  }
0x7f: {  	v51 =	vld [tilespmem:$0x100];
	v50 =	vadd.s32 $0x7D0, v41;
	[tilespmem:$0x2A0] =	vst v48  }
0x80: {  	v53 =	vld [tilespmem:$0x110];
	v52 =	vadd.s32 $0x7D0, v43;
	[tilespmem:$0x2B0] =	vst v50  }
0x81: {  	v55 =	vld [tilespmem:$0x120];
	v54 =	vadd.s32 $0x7D0, v45;
	[tilespmem:$0x2C0] =	vst v52  }
0x82: {  	v57 =	vld [tilespmem:$0x130];
	v56 =	vadd.s32 $0x7D0, v47;
	[tilespmem:$0x2D0] =	vst v54  }
0x83: {  	v59 =	vld [tilespmem:$0x140];
	v58 =	vadd.s32 $0x7D0, v49;
	[tilespmem:$0x2E0] =	vst v56  }
0x84: {  	v61 =	vld [tilespmem:$0x150];
	v60 =	vadd.s32 $0x7D0, v51;
	[tilespmem:$0x2F0] =	vst v58  }
0x85: {  	v63 =	vld [tilespmem:$0x160];
	v62 =	vadd.s32 $0x7D0, v53;
	[tilespmem:$0x300] =	vst v60  }
0x86: {  	v9 =	vld [tilespmem:$0x170];
	v8 =	vadd.s32 $0x7D0, v55;
	[tilespmem:$0x310] =	vst v62  }
0x87: {  	v11 =	vld [tilespmem:$0x180];
	v10 =	vadd.s32 $0x7D0, v57;
	[tilespmem:$0x320] =	vst v8  }
0x88: {  	v13 =	vld [tilespmem:$0x190];
	v12 =	vadd.s32 $0x7D0, v59;
	[tilespmem:$0x330] =	vst v10  }
0x89: {  	v15 =	vld [tilespmem:$0x1A0];
	v14 =	vadd.s32 $0x7D0, v61;
	[tilespmem:$0x340] =	vst v12  }
0x8a: {  	v17 =	vld [tilespmem:$0x1B0];
	v16 =	vadd.s32 $0x7D0, v63;
	[tilespmem:$0x350] =	vst v14  }
0x8b: {  	v19 =	vld [tilespmem:$0x1C0];
	v18 =	vadd.s32 $0x7D0, v9;
	[tilespmem:$0x360] =	vst v16  }
0x8c: {  	v21 =	vld [tilespmem:$0x1D0];
	v20 =	vadd.s32 $0x7D0, v11;
	[tilespmem:$0x370] =	vst v18  }
0x8d: {  	v23 =	vld [tilespmem:$0x1E0];
	v22 =	vadd.s32 $0x7D0, v13;
	[tilespmem:$0x380] =	vst v20  }
0x8e: {  	v24 =	vadd.s32 $0x7D0, v15;
	v25 =	vld [tilespmem:$0x1F0];
	[tilespmem:$0x390] =	vst v22  }
0x8f: {  	v26 =	vadd.s32 $0x7D0, v17;
	[tilespmem:$0x3A0] =	vst v24  }
0x90: {  	v27 =	vadd.s32 $0x7D0, v19;
	[tilespmem:$0x3B0] =	vst v26  }
0x91: {  	v28 =	vadd.s32 $0x7D0, v21;
	[tilespmem:$0x3C0] =	vst v27  }
0x92: {  	v29 =	vadd.s32 $0x7D0, v23;
	[tilespmem:$0x3D0] =	vst v28  }
0x93: {  	[tilespmem:$0x3E0] =	vst v29;
	v30 =	vadd.s32 $0x7D0, v25  }
0x94: {  	[tilespmem:$0x3F0] =	vst v30  }
0x95: {  	[tilespmem:s16], [sflag:$0x1] =	stream.indirect.gather [hbm4b:s1+s15], $0x1, s15, s15, $0xb8;
	[tilespmem:$0x600] =	vst v63  }
0x96: {  	_ =	swait.ge [sflag:s17], $0x200  }
0x97: {  	[sflag:s17] =	ssyncset.done $0x0  }
0x98: {  	[sflag:s17] =	ssyncadd.s32 $0xFFFFFE00  }
0x99: {  	[hbm4b:s7+s18] =	stream.strided.scatter [tilespmem:s16], [sflag:$0x2], $0x200, s16, s18, $0x38;
	[tilespmem:$0x600] =	vst v63  }
0x9a: {  	_ =	swait.ge [sflag:s14], $0x200  }
0x9b: {  	[sflag:s14] =	ssyncset.done $0x0  }
0x9c: {  	[sflag:s14] =	ssyncadd.s32 $0xFFFFFE00  }
0x9d: {  	v31 =	vld [tilespmem:$0x0]  }
0x9e: {  	v32 =	vld [tilespmem:$0x10]  }
0x9f: {  	v33 =	vld [tilespmem:$0x20]  }
0xa0: {  	v34 =	vld [tilespmem:$0x30]  }
0xa1: {  	v35 =	vld [tilespmem:$0x40]  }
0xa2: {  	v36 =	vld [tilespmem:$0x50];
	v0 =	vadd.s32 $0xBB8, v31  }
0xa3: {  	v38 =	vld [tilespmem:$0x60];
	v37 =	vadd.s32 $0xBB8, v32;
	[tilespmem:$0x200] =	vst v0  }
0xa4: {  	v40 =	vld [tilespmem:$0x70];
	v39 =	vadd.s32 $0xBB8, v33;
	[tilespmem:$0x210] =	vst v37  }
0xa5: {  	v42 =	vld [tilespmem:$0x80];
	v41 =	vadd.s32 $0xBB8, v34;
	[tilespmem:$0x220] =	vst v39  }
0xa6: {  	v44 =	vld [tilespmem:$0x90];
	v43 =	vadd.s32 $0xBB8, v35;
	[tilespmem:$0x230] =	vst v41  }
0xa7: {  	v46 =	vld [tilespmem:$0xA0];
	v45 =	vadd.s32 $0xBB8, v36;
	[tilespmem:$0x240] =	vst v43  }
0xa8: {  	v48 =	vld [tilespmem:$0xB0];
	v47 =	vadd.s32 $0xBB8, v38;
	[tilespmem:$0x250] =	vst v45  }
0xa9: {  	v50 =	vld [tilespmem:$0xC0];
	v49 =	vadd.s32 $0xBB8, v40;
	[tilespmem:$0x260] =	vst v47  }
0xaa: {  	v52 =	vld [tilespmem:$0xD0];
	v51 =	vadd.s32 $0xBB8, v42;
	[tilespmem:$0x270] =	vst v49  }
0xab: {  	v54 =	vld [tilespmem:$0xE0];
	v53 =	vadd.s32 $0xBB8, v44;
	[tilespmem:$0x280] =	vst v51  }
0xac: {  	v56 =	vld [tilespmem:$0xF0];
	v55 =	vadd.s32 $0xBB8, v46;
	[tilespmem:$0x290] =	vst v53  }
0xad: {  	v58 =	vld [tilespmem:$0x100];
	v57 =	vadd.s32 $0xBB8, v48;
	[tilespmem:$0x2A0] =	vst v55  }
0xae: {  	v60 =	vld [tilespmem:$0x110];
	v59 =	vadd.s32 $0xBB8, v50;
	[tilespmem:$0x2B0] =	vst v57  }
0xaf: {  	v62 =	vld [tilespmem:$0x120];
	v61 =	vadd.s32 $0xBB8, v52;
	[tilespmem:$0x2C0] =	vst v59  }
0xb0: {  	v8 =	vld [tilespmem:$0x130];
	v63 =	vadd.s32 $0xBB8, v54;
	[tilespmem:$0x2D0] =	vst v61  }
0xb1: {  	v10 =	vld [tilespmem:$0x140];
	v9 =	vadd.s32 $0xBB8, v56;
	[tilespmem:$0x2E0] =	vst v63  }
0xb2: {  	v12 =	vld [tilespmem:$0x150];
	v11 =	vadd.s32 $0xBB8, v58;
	[tilespmem:$0x2F0] =	vst v9  }
0xb3: {  	v14 =	vld [tilespmem:$0x160];
	v13 =	vadd.s32 $0xBB8, v60;
	[tilespmem:$0x300] =	vst v11  }
0xb4: {  	v16 =	vld [tilespmem:$0x170];
	v15 =	vadd.s32 $0xBB8, v62;
	[tilespmem:$0x310] =	vst v13  }
0xb5: {  	v18 =	vld [tilespmem:$0x180];
	v17 =	vadd.s32 $0xBB8, v8;
	[tilespmem:$0x320] =	vst v15  }
0xb6: {  	v20 =	vld [tilespmem:$0x190];
	v19 =	vadd.s32 $0xBB8, v10;
	[tilespmem:$0x330] =	vst v17  }
0xb7: {  	v22 =	vld [tilespmem:$0x1A0];
	v21 =	vadd.s32 $0xBB8, v12;
	[tilespmem:$0x340] =	vst v19  }
0xb8: {  	v24 =	vld [tilespmem:$0x1B0];
	v23 =	vadd.s32 $0xBB8, v14;
	[tilespmem:$0x350] =	vst v21  }
0xb9: {  	v26 =	vld [tilespmem:$0x1C0];
	v25 =	vadd.s32 $0xBB8, v16;
	[tilespmem:$0x360] =	vst v23  }
0xba: {  	v28 =	vld [tilespmem:$0x1D0];
	v27 =	vadd.s32 $0xBB8, v18;
	[tilespmem:$0x370] =	vst v25  }
0xbb: {  	v30 =	vld [tilespmem:$0x1E0];
	v29 =	vadd.s32 $0xBB8, v20;
	[tilespmem:$0x380] =	vst v27  }
0xbc: {  	v31 =	vadd.s32 $0xBB8, v22;
	v32 =	vld [tilespmem:$0x1F0];
	[tilespmem:$0x390] =	vst v29  }
0xbd: {  	v33 =	vadd.s32 $0xBB8, v24;
	[tilespmem:$0x3A0] =	vst v31  }
0xbe: {  	v34 =	vadd.s32 $0xBB8, v26;
	[tilespmem:$0x3B0] =	vst v33  }
0xbf: {  	v35 =	vadd.s32 $0xBB8, v28;
	[tilespmem:$0x3C0] =	vst v34  }
0xc0: {  	v36 =	vadd.s32 $0xBB8, v30;
	[tilespmem:$0x3D0] =	vst v35  }
0xc1: {  	[tilespmem:$0x3E0] =	vst v36;
	v37 =	vadd.s32 $0xBB8, v32  }
0xc2: {  	[tilespmem:$0x3F0] =	vst v37  }
0xc3: {  	[tilespmem:s16], [sflag:$0x1] =	stream.indirect.gather [hbm4b:s1+s15], $0x1, s15, s15, $0xb8;
	[tilespmem:$0x600] =	vst v63  }
0xc4: {  	_ =	swait.ge [sflag:s17], $0x200  }
0xc5: {  	[sflag:s17] =	ssyncset.done $0x0  }
0xc6: {  	[sflag:s17] =	ssyncadd.s32 $0xFFFFFE00  }
0xc7: {  	[hbm4b:s8+s18] =	stream.strided.scatter [tilespmem:s16], [sflag:$0x2], $0x200, s16, s18, $0x38;
	[tilespmem:$0x600] =	vst v63  }
0xc8: {  	_ =	swait.ge [sflag:s14], $0x200  }
0xc9: {  	[sflag:s14] =	ssyncset.done $0x0  }
0xca: {  	[sflag:s14] =	ssyncadd.s32 $0xFFFFFE00  }
0xcb: {  	v38 =	vld [tilespmem:$0x0]  }
0xcc: {  	v39 =	vld [tilespmem:$0x10]  }
0xcd: {  	v40 =	vld [tilespmem:$0x20]  }
0xce: {  	v41 =	vld [tilespmem:$0x30]  }
0xcf: {  	v42 =	vld [tilespmem:$0x40]  }
0xd0: {  	v43 =	vld [tilespmem:$0x50];
	v0 =	vadd.s32 $0xFA0, v38  }
0xd1: {  	v45 =	vld [tilespmem:$0x60];
	v44 =	vadd.s32 $0xFA0, v39;
	[tilespmem:$0x200] =	vst v0  }
0xd2: {  	v47 =	vld [tilespmem:$0x70];
	v46 =	vadd.s32 $0xFA0, v40;
	[tilespmem:$0x210] =	vst v44  }
0xd3: {  	v49 =	vld [tilespmem:$0x80];
	v48 =	vadd.s32 $0xFA0, v41;
	[tilespmem:$0x220] =	vst v46  }
0xd4: {  	v51 =	vld [tilespmem:$0x90];
	v50 =	vadd.s32 $0xFA0, v42;
	[tilespmem:$0x230] =	vst v48  }
0xd5: {  	v53 =	vld [tilespmem:$0xA0];
	v52 =	vadd.s32 $0xFA0, v43;
	[tilespmem:$0x240] =	vst v50  }
0xd6: {  	v55 =	vld [tilespmem:$0xB0];
	v54 =	vadd.s32 $0xFA0, v45;
	[tilespmem:$0x250] =	vst v52  }
0xd7: {  	v57 =	vld [tilespmem:$0xC0];
	v56 =	vadd.s32 $0xFA0, v47;
	[tilespmem:$0x260] =	vst v54  }
0xd8: {  	v59 =	vld [tilespmem:$0xD0];
	v58 =	vadd.s32 $0xFA0, v49;
	[tilespmem:$0x270] =	vst v56  }
0xd9: {  	v61 =	vld [tilespmem:$0xE0];
	v60 =	vadd.s32 $0xFA0, v51;
	[tilespmem:$0x280] =	vst v58  }
0xda: {  	v63 =	vld [tilespmem:$0xF0];
	v62 =	vadd.s32 $0xFA0, v53;
	[tilespmem:$0x290] =	vst v60  }
0xdb: {  	v8 =	vld [tilespmem:$0x100];
	v7 =	vadd.s32 $0xFA0, v55;
	[tilespmem:$0x2A0] =	vst v62  }
0xdc: {  	v10 =	vld [tilespmem:$0x110];
	v9 =	vadd.s32 $0xFA0, v57;
	[tilespmem:$0x2B0] =	vst v7  }
0xdd: {  	v12 =	vld [tilespmem:$0x120];
	v11 =	vadd.s32 $0xFA0, v59;
	[tilespmem:$0x2C0] =	vst v9  }
0xde: {  	v14 =	vld [tilespmem:$0x130];
	v13 =	vadd.s32 $0xFA0, v61;
	[tilespmem:$0x2D0] =	vst v11  }
0xdf: {  	v16 =	vld [tilespmem:$0x140];
	v15 =	vadd.s32 $0xFA0, v63;
	[tilespmem:$0x2E0] =	vst v13  }
0xe0: {  	v18 =	vld [tilespmem:$0x150];
	v17 =	vadd.s32 $0xFA0, v8;
	[tilespmem:$0x2F0] =	vst v15  }
0xe1: {  	v20 =	vld [tilespmem:$0x160];
	v19 =	vadd.s32 $0xFA0, v10;
	[tilespmem:$0x300] =	vst v17  }
0xe2: {  	v22 =	vld [tilespmem:$0x170];
	v21 =	vadd.s32 $0xFA0, v12;
	[tilespmem:$0x310] =	vst v19  }
0xe3: {  	v24 =	vld [tilespmem:$0x180];
	v23 =	vadd.s32 $0xFA0, v14;
	[tilespmem:$0x320] =	vst v21  }
0xe4: {  	v26 =	vld [tilespmem:$0x190];
	v25 =	vadd.s32 $0xFA0, v16;
	[tilespmem:$0x330] =	vst v23  }
0xe5: {  	v28 =	vld [tilespmem:$0x1A0];
	v27 =	vadd.s32 $0xFA0, v18;
	[tilespmem:$0x340] =	vst v25  }
0xe6: {  	v30 =	vld [tilespmem:$0x1B0];
	v29 =	vadd.s32 $0xFA0, v20;
	[tilespmem:$0x350] =	vst v27  }
0xe7: {  	v32 =	vld [tilespmem:$0x1C0];
	v31 =	vadd.s32 $0xFA0, v22;
	[tilespmem:$0x360] =	vst v29  }
0xe8: {  	v34 =	vld [tilespmem:$0x1D0];
	v33 =	vadd.s32 $0xFA0, v24;
	[tilespmem:$0x370] =	vst v31  }
0xe9: {  	v36 =	vld [tilespmem:$0x1E0];
	v35 =	vadd.s32 $0xFA0, v26;
	[tilespmem:$0x380] =	vst v33  }
0xea: {  	v37 =	vadd.s32 $0xFA0, v28;
	v38 =	vld [tilespmem:$0x1F0];
	[tilespmem:$0x390] =	vst v35  }
0xeb: {  	v39 =	vadd.s32 $0xFA0, v30;
	[tilespmem:$0x3A0] =	vst v37  }
0xec: {  	v40 =	vadd.s32 $0xFA0, v32;
	[tilespmem:$0x3B0] =	vst v39  }
0xed: {  	v41 =	vadd.s32 $0xFA0, v34;
	[tilespmem:$0x3C0] =	vst v40  }
0xee: {  	v42 =	vadd.s32 $0xFA0, v36;
	[tilespmem:$0x3D0] =	vst v41  }
0xef: {  	[tilespmem:$0x3E0] =	vst v42;
	v43 =	vadd.s32 $0xFA0, v38  }
0xf0: {  	[tilespmem:$0x3F0] =	vst v43  }
0xf1: {  	[tilespmem:s16], [sflag:$0x1] =	stream.indirect.gather [hbm4b:s1+s15], $0x1, s15, s15, $0xb8;
	[tilespmem:$0x600] =	vst v63  }
0xf2: {  	_ =	swait.ge [sflag:s17], $0x200  }
0xf3: {  	[sflag:s17] =	ssyncset.done $0x0  }
0xf4: {  	[sflag:s17] =	ssyncadd.s32 $0xFFFFFE00  }
0xf5: {  	[hbm4b:s9+s18] =	stream.strided.scatter [tilespmem:s16], [sflag:$0x2], $0x200, s16, s18, $0x38;
	[tilespmem:$0x600] =	vst v63  }
0xf6: {  	_ =	swait.ge [sflag:s14], $0x200  }
0xf7: {  	[sflag:s14] =	ssyncset.done $0x0  }
0xf8: {  	[sflag:s14] =	ssyncadd.s32 $0xFFFFFE00  }
0xf9: {  	v44 =	vld [tilespmem:$0x0]  }
0xfa: {  	v45 =	vld [tilespmem:$0x10]  }
0xfb: {  	v46 =	vld [tilespmem:$0x20]  }
0xfc: {  	v47 =	vld [tilespmem:$0x30]  }
0xfd: {  	v48 =	vld [tilespmem:$0x40]  }
0xfe: {  	v49 =	vld [tilespmem:$0x50];
	v0 =	vadd.s32 $0x1388, v44  }
0xff: {  	v51 =	vld [tilespmem:$0x60];
	v50 =	vadd.s32 $0x1388, v45;
	[tilespmem:$0x200] =	vst v0  }
0x100: {  	v53 =	vld [tilespmem:$0x70];
	v52 =	vadd.s32 $0x1388, v46;
	[tilespmem:$0x210] =	vst v50  }
0x101: {  	v55 =	vld [tilespmem:$0x80];
	v54 =	vadd.s32 $0x1388, v47;
	[tilespmem:$0x220] =	vst v52  }
0x102: {  	v57 =	vld [tilespmem:$0x90];
	v56 =	vadd.s32 $0x1388, v48;
	[tilespmem:$0x230] =	vst v54  }
0x103: {  	v59 =	vld [tilespmem:$0xA0];
	v58 =	vadd.s32 $0x1388, v49;
	[tilespmem:$0x240] =	vst v56  }
0x104: {  	v61 =	vld [tilespmem:$0xB0];
	v60 =	vadd.s32 $0x1388, v51;
	[tilespmem:$0x250] =	vst v58  }
0x105: {  	v63 =	vld [tilespmem:$0xC0];
	v62 =	vadd.s32 $0x1388, v53;
	[tilespmem:$0x260] =	vst v60  }
0x106: {  	v9 =	vld [tilespmem:$0xD0];
	v8 =	vadd.s32 $0x1388, v55;
	[tilespmem:$0x270] =	vst v62  }
0x107: {  	v11 =	vld [tilespmem:$0xE0];
	v10 =	vadd.s32 $0x1388, v57;
	[tilespmem:$0x280] =	vst v8  }
0x108: {  	v13 =	vld [tilespmem:$0xF0];
	v12 =	vadd.s32 $0x1388, v59;
	[tilespmem:$0x290] =	vst v10  }
0x109: {  	v15 =	vld [tilespmem:$0x100];
	v14 =	vadd.s32 $0x1388, v61;
	[tilespmem:$0x2A0] =	vst v12  }
0x10a: {  	v17 =	vld [tilespmem:$0x110];
	v16 =	vadd.s32 $0x1388, v63;
	[tilespmem:$0x2B0] =	vst v14  }
0x10b: {  	v19 =	vld [tilespmem:$0x120];
	v18 =	vadd.s32 $0x1388, v9;
	[tilespmem:$0x2C0] =	vst v16  }
0x10c: {  	v21 =	vld [tilespmem:$0x130];
	v20 =	vadd.s32 $0x1388, v11;
	[tilespmem:$0x2D0] =	vst v18  }
0x10d: {  	v23 =	vld [tilespmem:$0x140];
	v22 =	vadd.s32 $0x1388, v13;
	[tilespmem:$0x2E0] =	vst v20  }
0x10e: {  	v25 =	vld [tilespmem:$0x150];
	v24 =	vadd.s32 $0x1388, v15;
	[tilespmem:$0x2F0] =	vst v22  }
0x10f: {  	v27 =	vld [tilespmem:$0x160];
	v26 =	vadd.s32 $0x1388, v17;
	[tilespmem:$0x300] =	vst v24  }
0x110: {  	v29 =	vld [tilespmem:$0x170];
	v28 =	vadd.s32 $0x1388, v19;
	[tilespmem:$0x310] =	vst v26  }
0x111: {  	v31 =	vld [tilespmem:$0x180];
	v30 =	vadd.s32 $0x1388, v21;
	[tilespmem:$0x320] =	vst v28  }
0x112: {  	v33 =	vld [tilespmem:$0x190];
	v32 =	vadd.s32 $0x1388, v23;
	[tilespmem:$0x330] =	vst v30  }
0x113: {  	v35 =	vld [tilespmem:$0x1A0];
	v34 =	vadd.s32 $0x1388, v25;
	[tilespmem:$0x340] =	vst v32  }
0x114: {  	v37 =	vld [tilespmem:$0x1B0];
	v36 =	vadd.s32 $0x1388, v27;
	[tilespmem:$0x350] =	vst v34  }
0x115: {  	v39 =	vld [tilespmem:$0x1C0];
	v38 =	vadd.s32 $0x1388, v29;
	[tilespmem:$0x360] =	vst v36  }
0x116: {  	v41 =	vld [tilespmem:$0x1D0];
	v40 =	vadd.s32 $0x1388, v31;
	[tilespmem:$0x370] =	vst v38  }
0x117: {  	v43 =	vld [tilespmem:$0x1E0];
	v42 =	vadd.s32 $0x1388, v33;
	[tilespmem:$0x380] =	vst v40  }
0x118: {  	v44 =	vadd.s32 $0x1388, v35;
	v45 =	vld [tilespmem:$0x1F0];
	[tilespmem:$0x390] =	vst v42  }
0x119: {  	v46 =	vadd.s32 $0x1388, v37;
	[tilespmem:$0x3A0] =	vst v44  }
0x11a: {  	v47 =	vadd.s32 $0x1388, v39;
	[tilespmem:$0x3B0] =	vst v46  }
0x11b: {  	v48 =	vadd.s32 $0x1388, v41;
	[tilespmem:$0x3C0] =	vst v47  }
0x11c: {  	v49 =	vadd.s32 $0x1388, v43;
	[tilespmem:$0x3D0] =	vst v48  }
0x11d: {  	[tilespmem:$0x3E0] =	vst v49;
	v50 =	vadd.s32 $0x1388, v45  }
0x11e: {  	[tilespmem:$0x3F0] =	vst v50  }
0x11f: {  	[tilespmem:s16], [sflag:$0x1] =	stream.indirect.gather [hbm4b:s1+s15], $0x1, s15, s15, $0xb8;
	[tilespmem:$0x600] =	vst v63  }
0x120: {  	_ =	swait.ge [sflag:s17], $0x200  }
0x121: {  	[sflag:s17] =	ssyncset.done $0x0  }
0x122: {  	[sflag:s17] =	ssyncadd.s32 $0xFFFFFE00  }
0x123: {  	[hbm4b:s10+s18] =	stream.strided.scatter [tilespmem:s16], [sflag:$0x2], $0x200, s16, s18, $0x38;
	[tilespmem:$0x600] =	vst v63  }
0x124: {  	_ =	swait.ge [sflag:s14], $0x200  }
0x125: {  	[sflag:s14] =	ssyncset.done $0x0  }
0x126: {  	[sflag:s14] =	ssyncadd.s32 $0xFFFFFE00  }
0x127: {  	v51 =	vld [tilespmem:$0x0]  }
0x128: {  	v52 =	vld [tilespmem:$0x10]  }
0x129: {  	v53 =	vld [tilespmem:$0x20]  }
0x12a: {  	v54 =	vld [tilespmem:$0x30]  }
0x12b: {  	v55 =	vld [tilespmem:$0x40]  }
0x12c: {  	v56 =	vld [tilespmem:$0x50];
	v0 =	vadd.s32 $0x1770, v51  }
0x12d: {  	v58 =	vld [tilespmem:$0x60];
	v57 =	vadd.s32 $0x1770, v52;
	[tilespmem:$0x200] =	vst v0  }
0x12e: {  	v60 =	vld [tilespmem:$0x70];
	v59 =	vadd.s32 $0x1770, v53;
	[tilespmem:$0x210] =	vst v57  }
0x12f: {  	v62 =	vld [tilespmem:$0x80];
	v61 =	vadd.s32 $0x1770, v54;
	[tilespmem:$0x220] =	vst v59  }
0x130: {  	v8 =	vld [tilespmem:$0x90];
	v63 =	vadd.s32 $0x1770, v55;
	[tilespmem:$0x230] =	vst v61  }
0x131: {  	v10 =	vld [tilespmem:$0xA0];
	v9 =	vadd.s32 $0x1770, v56;
	[tilespmem:$0x240] =	vst v63  }
0x132: {  	v12 =	vld [tilespmem:$0xB0];
	v11 =	vadd.s32 $0x1770, v58;
	[tilespmem:$0x250] =	vst v9  }
0x133: {  	v14 =	vld [tilespmem:$0xC0];
	v13 =	vadd.s32 $0x1770, v60;
	[tilespmem:$0x260] =	vst v11  }
0x134: {  	v16 =	vld [tilespmem:$0xD0];
	v15 =	vadd.s32 $0x1770, v62;
	[tilespmem:$0x270] =	vst v13  }
0x135: {  	v18 =	vld [tilespmem:$0xE0];
	v17 =	vadd.s32 $0x1770, v8;
	[tilespmem:$0x280] =	vst v15  }
0x136: {  	v20 =	vld [tilespmem:$0xF0];
	v19 =	vadd.s32 $0x1770, v10;
	[tilespmem:$0x290] =	vst v17  }
0x137: {  	v22 =	vld [tilespmem:$0x100];
	v21 =	vadd.s32 $0x1770, v12;
	[tilespmem:$0x2A0] =	vst v19  }
0x138: {  	v24 =	vld [tilespmem:$0x110];
	v23 =	vadd.s32 $0x1770, v14;
	[tilespmem:$0x2B0] =	vst v21  }
0x139: {  	v26 =	vld [tilespmem:$0x120];
	v25 =	vadd.s32 $0x1770, v16;
	[tilespmem:$0x2C0] =	vst v23  }
0x13a: {  	v28 =	vld [tilespmem:$0x130];
	v27 =	vadd.s32 $0x1770, v18;
	[tilespmem:$0x2D0] =	vst v25  }
0x13b: {  	v30 =	vld [tilespmem:$0x140];
	v29 =	vadd.s32 $0x1770, v20;
	[tilespmem:$0x2E0] =	vst v27  }
0x13c: {  	v32 =	vld [tilespmem:$0x150];
	v31 =	vadd.s32 $0x1770, v22;
	[tilespmem:$0x2F0] =	vst v29  }
0x13d: {  	v34 =	vld [tilespmem:$0x160];
	v33 =	vadd.s32 $0x1770, v24;
	[tilespmem:$0x300] =	vst v31  }
0x13e: {  	v36 =	vld [tilespmem:$0x170];
	v35 =	vadd.s32 $0x1770, v26;
	[tilespmem:$0x310] =	vst v33  }
0x13f: {  	v38 =	vld [tilespmem:$0x180];
	v37 =	vadd.s32 $0x1770, v28;
	[tilespmem:$0x320] =	vst v35  }
0x140: {  	v40 =	vld [tilespmem:$0x190];
	v39 =	vadd.s32 $0x1770, v30;
	[tilespmem:$0x330] =	vst v37  }
0x141: {  	v42 =	vld [tilespmem:$0x1A0];
	v41 =	vadd.s32 $0x1770, v32;
	[tilespmem:$0x340] =	vst v39  }
0x142: {  	v44 =	vld [tilespmem:$0x1B0];
	v43 =	vadd.s32 $0x1770, v34;
	[tilespmem:$0x350] =	vst v41  }
0x143: {  	v46 =	vld [tilespmem:$0x1C0];
	v45 =	vadd.s32 $0x1770, v36;
	[tilespmem:$0x360] =	vst v43  }
0x144: {  	v48 =	vld [tilespmem:$0x1D0];
	v47 =	vadd.s32 $0x1770, v38;
	[tilespmem:$0x370] =	vst v45  }
0x145: {  	v50 =	vld [tilespmem:$0x1E0];
	v49 =	vadd.s32 $0x1770, v40;
	[tilespmem:$0x380] =	vst v47  }
0x146: {  	v51 =	vadd.s32 $0x1770, v42;
	v52 =	vld [tilespmem:$0x1F0];
	[tilespmem:$0x390] =	vst v49  }
0x147: {  	v53 =	vadd.s32 $0x1770, v44;
	[tilespmem:$0x3A0] =	vst v51  }
0x148: {  	v54 =	vadd.s32 $0x1770, v46;
	[tilespmem:$0x3B0] =	vst v53  }
0x149: {  	v55 =	vadd.s32 $0x1770, v48;
	[tilespmem:$0x3C0] =	vst v54  }
0x14a: {  	v56 =	vadd.s32 $0x1770, v50;
	[tilespmem:$0x3D0] =	vst v55  }
0x14b: {  	[tilespmem:$0x3E0] =	vst v56;
	v57 =	vadd.s32 $0x1770, v52  }
0x14c: {  	[tilespmem:$0x3F0] =	vst v57  }
0x14d: {  	[tilespmem:s16], [sflag:$0x1] =	stream.indirect.gather [hbm4b:s1+s15], $0x1, s15, s15, $0xb8;
	[tilespmem:$0x600] =	vst v63  }
0x14e: {  	_ =	swait.ge [sflag:s17], $0x200  }
0x14f: {  	[sflag:s17] =	ssyncset.done $0x0  }
0x150: {  	[sflag:s17] =	ssyncadd.s32 $0xFFFFFE00  }
0x151: {  	[hbm4b:s11+s18] =	stream.strided.scatter [tilespmem:s16], [sflag:$0x2], $0x200, s16, s18, $0x38;
	[tilespmem:$0x600] =	vst v63  }
0x152: {  	_ =	swait.ge [sflag:s14], $0x200  }
0x153: {  	[sflag:s14] =	ssyncset.done $0x0  }
0x154: {  	[sflag:s14] =	ssyncadd.s32 $0xFFFFFE00  }
0x155: {  	v58 =	vld [tilespmem:$0x0]  }
0x156: {  	v59 =	vld [tilespmem:$0x10]  }
0x157: {  	v60 =	vld [tilespmem:$0x20]  }
0x158: {  	v61 =	vld [tilespmem:$0x30]  }
0x159: {  	v62 =	vld [tilespmem:$0x40]  }
0x15a: {  	v63 =	vld [tilespmem:$0x50];
	v0 =	vadd.s32 $0x1B58, v58  }
0x15b: {  	v8 =	vld [tilespmem:$0x60];
	v7 =	vadd.s32 $0x1B58, v59;
	[tilespmem:$0x200] =	vst v0  }
0x15c: {  	v10 =	vld [tilespmem:$0x70];
	v9 =	vadd.s32 $0x1B58, v60;
	[tilespmem:$0x210] =	vst v7  }
0x15d: {  	v12 =	vld [tilespmem:$0x80];
	v11 =	vadd.s32 $0x1B58, v61;
	[tilespmem:$0x220] =	vst v9  }
0x15e: {  	v14 =	vld [tilespmem:$0x90];
	v13 =	vadd.s32 $0x1B58, v62;
	[tilespmem:$0x230] =	vst v11  }
0x15f: {  	v16 =	vld [tilespmem:$0xA0];
	v15 =	vadd.s32 $0x1B58, v63;
	[tilespmem:$0x240] =	vst v13  }
0x160: {  	v18 =	vld [tilespmem:$0xB0];
	v17 =	vadd.s32 $0x1B58, v8;
	[tilespmem:$0x250] =	vst v15  }
0x161: {  	v20 =	vld [tilespmem:$0xC0];
	v19 =	vadd.s32 $0x1B58, v10;
	[tilespmem:$0x260] =	vst v17  }
0x162: {  	v22 =	vld [tilespmem:$0xD0];
	v21 =	vadd.s32 $0x1B58, v12;
	[tilespmem:$0x270] =	vst v19  }
0x163: {  	v24 =	vld [tilespmem:$0xE0];
	v23 =	vadd.s32 $0x1B58, v14;
	[tilespmem:$0x280] =	vst v21  }
0x164: {  	v26 =	vld [tilespmem:$0xF0];
	v25 =	vadd.s32 $0x1B58, v16;
	[tilespmem:$0x290] =	vst v23  }
0x165: {  	v28 =	vld [tilespmem:$0x100];
	v27 =	vadd.s32 $0x1B58, v18;
	[tilespmem:$0x2A0] =	vst v25  }
0x166: {  	v30 =	vld [tilespmem:$0x110];
	v29 =	vadd.s32 $0x1B58, v20;
	[tilespmem:$0x2B0] =	vst v27  }
0x167: {  	v32 =	vld [tilespmem:$0x120];
	v31 =	vadd.s32 $0x1B58, v22;
	[tilespmem:$0x2C0] =	vst v29  }
0x168: {  	v34 =	vld [tilespmem:$0x130];
	v33 =	vadd.s32 $0x1B58, v24;
	[tilespmem:$0x2D0] =	vst v31  }
0x169: {  	v36 =	vld [tilespmem:$0x140];
	v35 =	vadd.s32 $0x1B58, v26;
	[tilespmem:$0x2E0] =	vst v33  }
0x16a: {  	v38 =	vld [tilespmem:$0x150];
	v37 =	vadd.s32 $0x1B58, v28;
	[tilespmem:$0x2F0] =	vst v35  }
0x16b: {  	v40 =	vld [tilespmem:$0x160];
	v39 =	vadd.s32 $0x1B58, v30;
	[tilespmem:$0x300] =	vst v37  }
0x16c: {  	v42 =	vld [tilespmem:$0x170];
	v41 =	vadd.s32 $0x1B58, v32;
	[tilespmem:$0x310] =	vst v39  }
0x16d: {  	v44 =	vld [tilespmem:$0x180];
	v43 =	vadd.s32 $0x1B58, v34;
	[tilespmem:$0x320] =	vst v41  }
0x16e: {  	v46 =	vld [tilespmem:$0x190];
	v45 =	vadd.s32 $0x1B58, v36;
	[tilespmem:$0x330] =	vst v43  }
0x16f: {  	v48 =	vld [tilespmem:$0x1A0];
	v47 =	vadd.s32 $0x1B58, v38;
	[tilespmem:$0x340] =	vst v45  }
0x170: {  	v50 =	vld [tilespmem:$0x1B0];
	v49 =	vadd.s32 $0x1B58, v40;
	[tilespmem:$0x350] =	vst v47  }
0x171: {  	v52 =	vld [tilespmem:$0x1C0];
	v51 =	vadd.s32 $0x1B58, v42;
	[tilespmem:$0x360] =	vst v49  }
0x172: {  	v54 =	vld [tilespmem:$0x1D0];
	v53 =	vadd.s32 $0x1B58, v44;
	[tilespmem:$0x370] =	vst v51  }
0x173: {  	v56 =	vld [tilespmem:$0x1E0];
	v55 =	vadd.s32 $0x1B58, v46;
	[tilespmem:$0x380] =	vst v53  }
0x174: {  	v57 =	vadd.s32 $0x1B58, v48;
	v58 =	vld [tilespmem:$0x1F0];
	[tilespmem:$0x390] =	vst v55  }
0x175: {  	v59 =	vadd.s32 $0x1B58, v50;
	[tilespmem:$0x3A0] =	vst v57  }
0x176: {  	v60 =	vadd.s32 $0x1B58, v52;
	[tilespmem:$0x3B0] =	vst v59  }
0x177: {  	v61 =	vadd.s32 $0x1B58, v54;
	[tilespmem:$0x3C0] =	vst v60  }
0x178: {  	v62 =	vadd.s32 $0x1B58, v56;
	[tilespmem:$0x3D0] =	vst v61  }
0x179: {  	[tilespmem:$0x3E0] =	vst v62;
	v63 =	vadd.s32 $0x1B58, v58  }
0x17a: {  	[tilespmem:$0x3F0] =	vst v63  }
0x17b: {  	[tilespmem:s16], [sflag:$0x1] =	stream.indirect.gather [hbm4b:s1+s15], $0x1, s15, s15, $0xb8;
	[tilespmem:$0x600] =	vst v63  }
0x17c: {  	_ =	swait.ge [sflag:s17], $0x200  }
0x17d: {  	p0 =	sne.s32 s13, $0x1;
	[sflag:s17] =	ssyncset.done $0x0  }
.Ltmp0:
0x17e: {  	[sflag:s17] =	ssyncadd.s32 $0xFFFFFE00;
	(pc) =	sbr.rel @p0 .LBB2_1-.Ltmp0, $4  }
0x17f: {  	[hbm4b:s12+s18] =	stream.strided.scatter [tilespmem:s16], [sflag:$0x2], $0x200, s16, s18, $0x38;
	[tilespmem:$0x600] =	vst v63  }
0x180: {  	_ =	swait.ge [sflag:s14], $0x200  }
0x181: {  	[sflag:s14] =	ssyncset.done $0x0  }
0x182: {  	s13 =	sadd.s32 $0xFFFFFFFF, s13;
	[sflag:s14] =	ssyncadd.s32 $0xFFFFFE00  }
0x183: {  	_ =	sfence.sel $0x180000  }
0x184: {  	[bflag:$0x0] =	sbarrier.arrive $0xFFFF  }
0x185: {  	p0 =	sne.s32 s2, $0x0;
	_ =	strace $0x90000047  }
0x186: {  	s0 =	sadd.s32 @!p0 $0x100000, s0;
	[bflag:$0x2] =	sbarrier.arrive $0xFFFF  }
0x187: {  	[sflag:s0] =	ssyncadd.tile.s32 @!p0 $0x1;
	_ =	shalt  }
.Lfunc_end2:
_tile_overlayer_lowered:
.L_overlay_start_2:
0x188: {  	(tag) =	ssettag $0x2  }
0x189: {  	s0 =	rddreg [dreg:$0x0];
	s2 =	stileid.u32  }
0x18a: {  	s1 =	rddreg [dreg:$0x1];
	p0 =	sne.s32 s2, $0x0  }
0x18b: {  	s3 =	rddreg [dreg:$0x2];
	[bflag:$0x3] =	sbarrier.arrive $0xFFFF;
	s2 =	simm.s32 @!p0 $0x1C02  }
0x18c: {  	[timem:s3], [sflag:s2] =	dma.local @!p0 [hbm:s0], s1  }
0x18d: {  	s0 =	simm.s32 @!p0 $0x2  }
0x18e: {  	_ =	swait.ge @!p0 [sflag:s0], s1  }
0x18f: {  	s1 =	ssub.s32 @!p0 $0x0, s1;
	[sflag:s0] =	ssyncset.done @!p0 $0x0  }
0x190: {  	[sflag:s0] =	ssyncadd.s32 @!p0 s1  }
0x191: {  	[bflag:$0x3] =	sbarrier.arrive $0xFFFF  }
0x192: {  	_ =	shalt  }

</sc_bundles>
